<compile_context>
chip_gen: v7x
topology: tpu7x:2x2x1
jax: 0.10.2.dev20260603
libtpu: 0.0.44.dev20260713+nightly
codegen_flags: <defaults>
</compile_context>

<pallas_src>
import functools
import jax
import jax.numpy as jnp
from jax import lax
from jax.experimental import pallas as pl
from jax.experimental.pallas import tpu as pltpu
from jax.experimental.pallas import tpu_sc as plsc

N_NODES = 10000
N_EDGES = 320000
D_FEAT = 128
D_EDGE = 16
D_OUT = 128

NC = 2
NS = 16
HALF = N_NODES // NC
EPT = N_EDGES // NS
CH = 80
NCHUNK = EPT // CH
ACC_ROWS = 10240
TRASH = N_NODES
ZR = 32


def _p_body(x_ref, w_ref, p_ref):
    p_ref[...] = jnp.dot(x_ref[...], w_ref[0], preferred_element_type=jnp.float32)


def _a_body(eaT_ref, w_ref, b_ref, a_ref):
    a_ref[...] = (
        jax.lax.dot_general(eaT_ref[...], w_ref[0],
                            dimension_numbers=(((0,), (0,)), ((), ())),
                            preferred_element_type=jnp.float32)
        + b_ref[0]
    )


def _sc_body(p_hbm, a_hbm, ei_hbm, out_hbm,
             rv0, cv0, rv1, cv1,
             gidx0, aidx0, sidx0, gidx1, aidx1, sidx1,
             pbuf0, abuf0, pbuf1, abuf1,
             zbuf, acc, sem0, sem1, rcs0, rcs1):
    c = lax.axis_index("c")
    s = lax.axis_index("s")
    base = c * HALF
    iota16 = lax.iota(jnp.int32, 16)

    def _zrow(i, _):
        for j in range(8):
            zbuf[i, pl.ds(j * 16, 16)] = jnp.zeros((16,), jnp.float32)
        return 0
    lax.fori_loop(0, ZR, _zrow, 0)
    rows_per_tile = ACC_ROWS // NS
    z0 = s * rows_per_tile
    for t in range(rows_per_tile // ZR):
        pltpu.sync_copy(zbuf, acc.at[pl.ds(z0 + t * ZR, ZR)])
    plsc.subcore_barrier()

    def _rc(i, rv, cv, rcs):
        e0 = s * EPT + i * CH
        pltpu.async_copy(ei_hbm.at[pl.ds(e0, CH)], rv, rcs)
        pltpu.async_copy(ei_hbm.at[pl.ds(N_EDGES + e0, CH)], cv, rcs)

    def _gissue(i, rv, cv, rcs, gidx, aidx, sidx, pbuf, abuf, sem):
        e0 = s * EPT + i * CH
        pltpu.make_async_copy(ei_hbm.at[pl.ds(e0, CH)], rv, rcs).wait()
        pltpu.make_async_copy(ei_hbm.at[pl.ds(N_EDGES + e0, CH)], cv, rcs).wait()
        for j in range(CH // 16):
            sl = pl.ds(j * 16, 16)
            r = rv[sl]
            cc = cv[sl]
            is_out = r < cc
            keep = (r >= base) & (r < base + HALF) & (r != cc)
            e = e0 + j * 16 + iota16
            gidx[sl] = jnp.where(is_out, cc + N_NODES, cc)
            aidx[sl] = jnp.where(is_out, e + N_EDGES, e)
            t = (r - base) * 2
            sidx[sl] = jnp.where(keep, jnp.where(is_out, t + 1, t),
                                 TRASH + s * 15 + j)
        pltpu.async_copy(p_hbm.at[gidx], pbuf, sem)
        pltpu.async_copy(a_hbm.at[aidx], abuf, sem)

    def _finish(gidx, aidx, sidx, pbuf, abuf, sem):
        pltpu.make_async_copy(p_hbm.at[gidx], pbuf, sem).wait()
        pltpu.make_async_copy(a_hbm.at[aidx], abuf, sem).wait()

        def _hrow(k, _):
            for j in range(8):
                sl = pl.ds(j * 16, 16)
                abuf[k, sl] = jnp.maximum(abuf[k, sl] + pbuf[k, sl], 0.0)
            return 0
        lax.fori_loop(0, CH, _hrow, 0)
        pltpu.sync_copy(abuf, acc.at[sidx], add=True)

    set0 = (gidx0, aidx0, sidx0, pbuf0, abuf0, sem0)
    set1 = (gidx1, aidx1, sidx1, pbuf1, abuf1, sem1)
    _rc(0, rv0, cv0, rcs0)
    _gissue(0, rv0, cv0, rcs0, *set0)
    _rc(1, rv1, cv1, rcs1)

    def _pair(t, _):
        k = t * 2
        _gissue(k + 1, rv1, cv1, rcs1, *set1)

        @pl.when(k + 2 < NCHUNK)
        def _():
            _rc(k + 2, rv0, cv0, rcs0)
        _finish(*set0)

        @pl.when(k + 2 < NCHUNK)
        def _():
            _gissue(k + 2, rv0, cv0, rcs0, *set0)

        @pl.when(k + 3 < NCHUNK)
        def _():
            _rc(k + 3, rv1, cv1, rcs1)
        _finish(*set1)
        return 0
    lax.fori_loop(0, NCHUNK // 2, _pair, 0)
    plsc.subcore_barrier()

    out_rows = ACC_ROWS // NS
    o0 = s * out_rows

    @pl.when(s < NS - 1)
    def _():
        pltpu.sync_copy(acc.at[pl.ds(o0, out_rows)],
                        out_hbm.at[pl.ds(c * N_NODES + o0, out_rows)])

    @pl.when(s == NS - 1)
    def _():
        last = N_NODES - (NS - 1) * out_rows
        pltpu.sync_copy(acc.at[pl.ds(o0, last)],
                        out_hbm.at[pl.ds(c * N_NODES + o0, last)])


@functools.lru_cache(maxsize=1)
def _sc_kernel():
    return functools.partial(
        pl.kernel,
        out_type=jax.ShapeDtypeStruct((2 * N_NODES, D_OUT), jnp.float32),
        mesh=plsc.VectorSubcoreMesh(core_axis_name="c", subcore_axis_name="s",
                                    num_cores=NC, num_subcores=NS),
        scratch_types=[
            pltpu.VMEM((CH,), jnp.int32),
            pltpu.VMEM((CH,), jnp.int32),
            pltpu.VMEM((CH,), jnp.int32),
            pltpu.VMEM((CH,), jnp.int32),
            pltpu.VMEM((CH,), jnp.int32),
            pltpu.VMEM((CH,), jnp.int32),
            pltpu.VMEM((CH,), jnp.int32),
            pltpu.VMEM((CH,), jnp.int32),
            pltpu.VMEM((CH,), jnp.int32),
            pltpu.VMEM((CH,), jnp.int32),
            pltpu.VMEM((CH, D_OUT), jnp.float32),
            pltpu.VMEM((CH, D_OUT), jnp.float32),
            pltpu.VMEM((CH, D_OUT), jnp.float32),
            pltpu.VMEM((CH, D_OUT), jnp.float32),
            pltpu.VMEM((ZR, D_OUT), jnp.float32),
            pltpu.VMEM_SHARED((ACC_ROWS, D_OUT), jnp.float32),
            pltpu.SemaphoreType.DMA,
            pltpu.SemaphoreType.DMA,
            pltpu.SemaphoreType.DMA,
            pltpu.SemaphoreType.DMA,
        ],
    )(_sc_body)


EB = 12800
N_EB = N_EDGES // EB


@jax.jit
def _run(x, ei32, edge_attr, W_in, b_in, W_out, b_out):
    w_x = jnp.stack([W_in[:D_FEAT], W_out[:D_FEAT]])
    w_e = jnp.stack([W_in[D_FEAT:], W_out[D_FEAT:]])
    b = jnp.stack([b_in, b_out]).reshape(2, 1, D_OUT)

    p = pl.pallas_call(
        _p_body,
        grid=(2,),
        in_specs=[
            pl.BlockSpec((N_NODES, D_FEAT), lambda d: (0, 0)),
            pl.BlockSpec((1, D_FEAT, D_OUT), lambda d: (d, 0, 0)),
        ],
        out_specs=pl.BlockSpec((N_NODES, D_OUT), lambda d: (d, 0)),
        out_shape=jax.ShapeDtypeStruct((2 * N_NODES, D_OUT), jnp.float32),
    )(x, w_x)

    a = pl.pallas_call(
        _a_body,
        grid=(2, N_EB),
        in_specs=[
            pl.BlockSpec((D_EDGE, EB), lambda d, i: (0, i)),
            pl.BlockSpec((1, D_EDGE, D_OUT), lambda d, i: (d, 0, 0)),
            pl.BlockSpec((1, 1, D_OUT), lambda d, i: (d, 0, 0)),
        ],
        out_specs=pl.BlockSpec((EB, D_OUT), lambda d, i: (d * N_EB + i, 0)),
        out_shape=jax.ShapeDtypeStruct((2 * N_EDGES, D_OUT), jnp.float32),
    )(edge_attr.T, w_e, b)

    out = _sc_kernel()(p, a, ei32)
    return out.reshape(N_NODES, 2 * D_OUT)


def kernel(unused, x, edge_index, edge_attr, W_in, b_in, W_out, b_out):
    ei32 = edge_index.astype(jnp.int32).reshape(2 * N_EDGES)
    return _run(x, ei32, edge_attr, W_in, b_in, W_out, b_out)

# --- scband reference (transcript-rebuilt; emitter-appended) ---
"""Pipeline reference for scband-time-aware-message-model-2267742732915 (READ-ONLY COPY).

The authoritative reference and input builder live on the scoring server;
editing this copy changes nothing except your own understanding.
"""

import jax, jax.numpy as jnp
import numpy as np

N_NODES = 10000
N_EDGES = 320000
D_FEAT = 128
D_EDGE = 16
D_IN = D_FEAT + D_EDGE  # 144
D_OUT = 128


def setup_inputs(seed: int = 0) -> dict:
    key = jax.random.key(seed)
    k1, k2, k3, k4, k5, k6, k7 = jax.random.split(key, 7)
    x = jax.random.normal(k1, (N_NODES, D_FEAT), dtype=jnp.float32)
    edge_index = jax.random.randint(k2, (2, N_EDGES), 0, N_NODES, dtype=jnp.int64)
    edge_attr = jax.random.normal(k3, (N_EDGES, D_EDGE), dtype=jnp.float32)
    scale = 1.0 / np.sqrt(D_IN)
    W_in = jax.random.uniform(k4, (D_IN, D_OUT), dtype=jnp.float32, minval=-scale, maxval=scale)
    b_in = jax.random.uniform(k5, (D_OUT,), dtype=jnp.float32, minval=-scale, maxval=scale)
    W_out = jax.random.uniform(k6, (D_IN, D_OUT), dtype=jnp.float32, minval=-scale, maxval=scale)
    b_out = jax.random.uniform(k7, (D_OUT,), dtype=jnp.float32, minval=-scale, maxval=scale)
    unused = jnp.zeros((1,), dtype=jnp.int64)
    return {"unused": unused, "x": x, "edge_index": edge_index, "edge_attr": edge_attr,
            "W_in": W_in, "b_in": b_in, "W_out": W_out, "b_out": b_out}


def reference(unused, x, edge_index, edge_attr, W_in, b_in, W_out, b_out):
    row = edge_index[0]
    col = edge_index[1]
    n_nodes = x.shape[0]
    # Both flow directions gather from src=col and aggregate to dst=row.
    # Torch's boolean indexing (dynamic shape) is replaced by masking the
    # per-edge MLP outputs before scatter-add, which is mathematically identical
    # because the MLPs act pointwise per edge and node_agg_fn is a sum.
    inp = jnp.concatenate([jnp.take(x, col, axis=0), edge_attr], axis=1)
    mask_out = (row < col).astype(x.dtype)[:, None]
    mask_in = (row > col).astype(x.dtype)[:, None]
    h_out = jax.nn.relu(inp @ W_out + b_out) * mask_out
    h_in = jax.nn.relu(inp @ W_in + b_in) * mask_in
    flow_out = jax.ops.segment_sum(h_out, row, num_segments=n_nodes)
    flow_in = jax.ops.segment_sum(h_in, row, num_segments=n_nodes)
    flow = jnp.concatenate([flow_in, flow_out], axis=1)
    return flow

if __name__ == "__main__":
    import jax
    _d = setup_inputs()
    print(jax.jit(kernel)(*tuple(_d.values())))

</pallas_src>

<mosaic_0001>
#map = affine_map<(d0, d1) -> (0, 0)>
#map1 = affine_map<(d0, d1) -> (0)>
module attributes {stable_mosaic.version = 14 : i64} {
  func.func @_sc_body(%arg0: i32, %arg1: i32, %arg2: memref<20000x128xf32, #tpu.memory_space<hbm>>, %arg3: memref<640000x128xf32, #tpu.memory_space<hbm>>, %arg4: memref<640000xi32, #tpu.memory_space<hbm>>, %arg5: memref<20000x128xf32, #tpu.memory_space<hbm>>, %arg6: memref<80xi32, #tpu.memory_space<vmem>>, %arg7: memref<80xi32, #tpu.memory_space<vmem>>, %arg8: memref<80xi32, #tpu.memory_space<vmem>>, %arg9: memref<80xi32, #tpu.memory_space<vmem>>, %arg10: memref<80xi32, #tpu.memory_space<vmem>>, %arg11: memref<80xi32, #tpu.memory_space<vmem>>, %arg12: memref<80xi32, #tpu.memory_space<vmem>>, %arg13: memref<80xi32, #tpu.memory_space<vmem>>, %arg14: memref<80xi32, #tpu.memory_space<vmem>>, %arg15: memref<80xi32, #tpu.memory_space<vmem>>, %arg16: memref<80x128xf32, #tpu.memory_space<vmem>>, %arg17: memref<80x128xf32, #tpu.memory_space<vmem>>, %arg18: memref<80x128xf32, #tpu.memory_space<vmem>>, %arg19: memref<80x128xf32, #tpu.memory_space<vmem>>, %arg20: memref<32x128xf32, #tpu.memory_space<vmem>>, %arg21: memref<10240x128xf32, #tpu.memory_space<vmem_shared>>, %arg22: memref<!tpu.dma_semaphore, #tpu.memory_space<semaphore_mem>>, %arg23: memref<!tpu.dma_semaphore, #tpu.memory_space<semaphore_mem>>, %arg24: memref<!tpu.dma_semaphore, #tpu.memory_space<semaphore_mem>>, %arg25: memref<!tpu.dma_semaphore, #tpu.memory_space<semaphore_mem>>) attributes {dimension_semantics = [#tpu.dimension_semantics<core_parallel>, #tpu.dimension_semantics<subcore_parallel>], iteration_bounds = array<i64: 2, 16>, scalar_prefetch = 0 : i64, scratch_operands = 20 : i64, tpu.core_type = #tpu.core_type<sc_vector_subcore>, window_params = [{transform_indices = #map}, {transform_indices = #map}, {transform_indices = #map1}, {transform_indices = #map}]} {
    %mul3A = arith.constant 5000 : i32
    %mul3A_0 = arith.muli %arg0, %mul3A : i32
    %iota3A = tpu.iota {dimensions = array<i32: 0>} : vector<16xi32>
    %scan3A = arith.constant 0 : i32
    %scan3A_1 = arith.constant 0 : i32
    %scan3A_2 = arith.constant 32 : i32
    %scan3A_3 = arith.addi %scan3A_1, %scan3A_2 : i32
    %scan3A_4 = arith.constant 1 : i32
    %scan3A_5 = scf.for %scan3A_375 = %scan3A_1 to %scan3A_3 step %scan3A_4 iter_args(%scan3A_376 = %scan3A) -> (i32)  : i32 {
      %broadcast_in_dim3A_377 = arith.constant 0.000000e+00 : f32
      %broadcast_in_dim3A_378 = vector.broadcast %broadcast_in_dim3A_377 : f32 to vector<16xf32>
      %swap3A_379 = arith.index_cast %scan3A_375 : i32 to index
      %swap3A_380 = arith.constant 0 : index
      %swap3A_381 = tpu.vector_load %arg20[%swap3A_379, %swap3A_380] {strides = array<i32>} : memref<32x128xf32, #tpu.memory_space<vmem>>, vector<1x16xf32>,
      %swap3A_382 = vector.shape_cast %swap3A_381 : vector<1x16xf32> to vector<16xf32>
      %swap3A_383 = vector.shape_cast %broadcast_in_dim3A_378 : vector<16xf32> to vector<1x16xf32>
      tpu.vector_store %arg20[%swap3A_379, %swap3A_380], %swap3A_383 {strides = array<i32>} : memref<32x128xf32, #tpu.memory_space<vmem>>, vector<1x16xf32>,
      %broadcast_in_dim3A_384 = arith.constant 0.000000e+00 : f32
      %broadcast_in_dim3A_385 = vector.broadcast %broadcast_in_dim3A_384 : f32 to vector<16xf32>
      %swap3A_386 = arith.index_cast %scan3A_375 : i32 to index
      %swap3A_387 = arith.constant 16 : index
      %swap3A_388 = tpu.vector_load %arg20[%swap3A_386, %swap3A_387] {strides = array<i32>} : memref<32x128xf32, #tpu.memory_space<vmem>>, vector<1x16xf32>,
      %swap3A_389 = vector.shape_cast %swap3A_388 : vector<1x16xf32> to vector<16xf32>
      %swap3A_390 = vector.shape_cast %broadcast_in_dim3A_385 : vector<16xf32> to vector<1x16xf32>
      tpu.vector_store %arg20[%swap3A_386, %swap3A_387], %swap3A_390 {strides = array<i32>} : memref<32x128xf32, #tpu.memory_space<vmem>>, vector<1x16xf32>,
      %broadcast_in_dim3A_391 = arith.constant 0.000000e+00 : f32
      %broadcast_in_dim3A_392 = vector.broadcast %broadcast_in_dim3A_391 : f32 to vector<16xf32>
      %swap3A_393 = arith.index_cast %scan3A_375 : i32 to index
      %swap3A_394 = arith.constant 32 : index
      %swap3A_395 = tpu.vector_load %arg20[%swap3A_393, %swap3A_394] {strides = array<i32>} : memref<32x128xf32, #tpu.memory_space<vmem>>, vector<1x16xf32>,
      %swap3A_396 = vector.shape_cast %swap3A_395 : vector<1x16xf32> to vector<16xf32>
      %swap3A_397 = vector.shape_cast %broadcast_in_dim3A_392 : vector<16xf32> to vector<1x16xf32>
      tpu.vector_store %arg20[%swap3A_393, %swap3A_394], %swap3A_397 {strides = array<i32>} : memref<32x128xf32, #tpu.memory_space<vmem>>, vector<1x16xf32>,
      %broadcast_in_dim3A_398 = arith.constant 0.000000e+00 : f32
      %broadcast_in_dim3A_399 = vector.broadcast %broadcast_in_dim3A_398 : f32 to vector<16xf32>
      %swap3A_400 = arith.index_cast %scan3A_375 : i32 to index
      %swap3A_401 = arith.constant 48 : index
      %swap3A_402 = tpu.vector_load %arg20[%swap3A_400, %swap3A_401] {strides = array<i32>} : memref<32x128xf32, #tpu.memory_space<vmem>>, vector<1x16xf32>,
      %swap3A_403 = vector.shape_cast %swap3A_402 : vector<1x16xf32> to vector<16xf32>
      %swap3A_404 = vector.shape_cast %broadcast_in_dim3A_399 : vector<16xf32> to vector<1x16xf32>
      tpu.vector_store %arg20[%swap3A_400, %swap3A_401], %swap3A_404 {strides = array<i32>} : memref<32x128xf32, #tpu.memory_space<vmem>>, vector<1x16xf32>,
      %broadcast_in_dim3A_405 = arith.constant 0.000000e+00 : f32
      %broadcast_in_dim3A_406 = vector.broadcast %broadcast_in_dim3A_405 : f32 to vector<16xf32>
      %swap3A_407 = arith.index_cast %scan3A_375 : i32 to index
      %swap3A_408 = arith.constant 64 : index
      %swap3A_409 = tpu.vector_load %arg20[%swap3A_407, %swap3A_408] {strides = array<i32>} : memref<32x128xf32, #tpu.memory_space<vmem>>, vector<1x16xf32>,
      %swap3A_410 = vector.shape_cast %swap3A_409 : vector<1x16xf32> to vector<16xf32>
      %swap3A_411 = vector.shape_cast %broadcast_in_dim3A_406 : vector<16xf32> to vector<1x16xf32>
      tpu.vector_store %arg20[%swap3A_407, %swap3A_408], %swap3A_411 {strides = array<i32>} : memref<32x128xf32, #tpu.memory_space<vmem>>, vector<1x16xf32>,
      %broadcast_in_dim3A_412 = arith.constant 0.000000e+00 : f32
      %broadcast_in_dim3A_413 = vector.broadcast %broadcast_in_dim3A_412 : f32 to vector<16xf32>
      %swap3A_414 = arith.index_cast %scan3A_375 : i32 to index
      %swap3A_415 = arith.constant 80 : index
      %swap3A_416 = tpu.vector_load %arg20[%swap3A_414, %swap3A_415] {strides = array<i32>} : memref<32x128xf32, #tpu.memory_space<vmem>>, vector<1x16xf32>,
      %swap3A_417 = vector.shape_cast %swap3A_416 : vector<1x16xf32> to vector<16xf32>
      %swap3A_418 = vector.shape_cast %broadcast_in_dim3A_413 : vector<16xf32> to vector<1x16xf32>
      tpu.vector_store %arg20[%swap3A_414, %swap3A_415], %swap3A_418 {strides = array<i32>} : memref<32x128xf32, #tpu.memory_space<vmem>>, vector<1x16xf32>,
      %broadcast_in_dim3A_419 = arith.constant 0.000000e+00 : f32
      %broadcast_in_dim3A_420 = vector.broadcast %broadcast_in_dim3A_419 : f32 to vector<16xf32>
      %swap3A_421 = arith.index_cast %scan3A_375 : i32 to index
      %swap3A_422 = arith.constant 96 : index
      %swap3A_423 = tpu.vector_load %arg20[%swap3A_421, %swap3A_422] {strides = array<i32>} : memref<32x128xf32, #tpu.memory_space<vmem>>, vector<1x16xf32>,
      %swap3A_424 = vector.shape_cast %swap3A_423 : vector<1x16xf32> to vector<16xf32>
      %swap3A_425 = vector.shape_cast %broadcast_in_dim3A_420 : vector<16xf32> to vector<1x16xf32>
      tpu.vector_store %arg20[%swap3A_421, %swap3A_422], %swap3A_425 {strides = array<i32>} : memref<32x128xf32, #tpu.memory_space<vmem>>, vector<1x16xf32>,
      %broadcast_in_dim3A_426 = arith.constant 0.000000e+00 : f32
      %broadcast_in_dim3A_427 = vector.broadcast %broadcast_in_dim3A_426 : f32 to vector<16xf32>
      %swap3A_428 = arith.index_cast %scan3A_375 : i32 to index
      %swap3A_429 = arith.constant 112 : index
      %swap3A_430 = tpu.vector_load %arg20[%swap3A_428, %swap3A_429] {strides = array<i32>} : memref<32x128xf32, #tpu.memory_space<vmem>>, vector<1x16xf32>,
      %swap3A_431 = vector.shape_cast %swap3A_430 : vector<1x16xf32> to vector<16xf32>
      %swap3A_432 = vector.shape_cast %broadcast_in_dim3A_427 : vector<16xf32> to vector<1x16xf32>
      tpu.vector_store %arg20[%swap3A_428, %swap3A_429], %swap3A_432 {strides = array<i32>} : memref<32x128xf32, #tpu.memory_space<vmem>>, vector<1x16xf32>,
      %scan3A_433 = arith.constant 0 : i32
      scf.yield %scan3A_433 : i32
    }
    %scan3A_6 = arith.constant 32 : i32
    %mul3A_7 = arith.constant 640 : i32
    %mul3A_8 = arith.muli %arg1, %mul3A_7 : i32
    %add3A = arith.constant 0 : i32
    %add3A_9 = arith.addi %mul3A_8, %add3A : i32
    "tpu.region"() ({
      %run_scoped3A = tpu.sem_alloc : memref<!tpu.dma_semaphore, #tpu.memory_space<semaphore_mem>>
      %dma_start3A_375 = arith.constant 0 : i32
      %dma_start3A_376 = tpu.memref_slice %arg21[%add3A_9, %dma_start3A_375] : memref<10240x128xf32, #tpu.memory_space<vmem_shared>> -> memref<32x128xf32, #tpu.memory_space<vmem_shared>>
      %dma_start3A_377 = arith.constant 0 : i32
      %dma_start3A_378 = tpu.memref_slice %arg21[%add3A_9, %dma_start3A_377] : memref<10240x128xf32, #tpu.memory_space<vmem_shared>> -> memref<32x128xf32, #tpu.memory_space<vmem_shared>>
      tpu.enqueue_dma source(%arg20 : memref<32x128xf32, #tpu.memory_space<vmem>>) target(%dma_start3A_378 : memref<32x128xf32, #tpu.memory_space<vmem_shared>>) target_semaphore(%run_scoped3A : memref<!tpu.dma_semaphore, #tpu.memory_space<semaphore_mem>>)
      %dma_wait3A_379 = arith.constant 0 : i32
      %dma_wait3A_380 = tpu.memref_slice %arg21[%add3A_9, %dma_wait3A_379] : memref<10240x128xf32, #tpu.memory_space<vmem_shared>> -> memref<32x128xf32, #tpu.memory_space<vmem_shared>>
      %dma_wait3A_381 = arith.constant 0 : i32
      %dma_wait3A_382 = tpu.memref_slice %arg21[%add3A_9, %dma_wait3A_381] : memref<10240x128xf32, #tpu.memory_space<vmem_shared>> -> memref<32x128xf32, #tpu.memory_space<vmem_shared>>
      tpu.wait_dma2 semaphore(%run_scoped3A : memref<!tpu.dma_semaphore, #tpu.memory_space<semaphore_mem>>) src(%arg20 : memref<32x128xf32, #tpu.memory_space<vmem>>) dst(%dma_wait3A_382 : memref<32x128xf32, #tpu.memory_space<vmem_shared>>)
      tpu.yield
    }) : () -> ()
    %add3A_10 = arith.constant 32 : i32
    %add3A_11 = arith.addi %mul3A_8, %add3A_10 : i32
    "tpu.region"() ({
      %run_scoped3A = tpu.sem_alloc : memref<!tpu.dma_semaphore, #tpu.memory_space<semaphore_mem>>
      %dma_start3A_375 = arith.constant 0 : i32
      %dma_start3A_376 = tpu.memref_slice %arg21[%add3A_11, %dma_start3A_375] : memref<10240x128xf32, #tpu.memory_space<vmem_shared>> -> memref<32x128xf32, #tpu.memory_space<vmem_shared>>
      %dma_start3A_377 = arith.constant 0 : i32
      %dma_start3A_378 = tpu.memref_slice %arg21[%add3A_11, %dma_start3A_377] : memref<10240x128xf32, #tpu.memory_space<vmem_shared>> -> memref<32x128xf32, #tpu.memory_space<vmem_shared>>
      tpu.enqueue_dma source(%arg20 : memref<32x128xf32, #tpu.memory_space<vmem>>) target(%dma_start3A_378 : memref<32x128xf32, #tpu.memory_space<vmem_shared>>) target_semaphore(%run_scoped3A : memref<!tpu.dma_semaphore, #tpu.memory_space<semaphore_mem>>)
      %dma_wait3A_379 = arith.constant 0 : i32
      %dma_wait3A_380 = tpu.memref_slice %arg21[%add3A_11, %dma_wait3A_379] : memref<10240x128xf32, #tpu.memory_space<vmem_shared>> -> memref<32x128xf32, #tpu.memory_space<vmem_shared>>
      %dma_wait3A_381 = arith.constant 0 : i32
      %dma_wait3A_382 = tpu.memref_slice %arg21[%add3A_11, %dma_wait3A_381] : memref<10240x128xf32, #tpu.memory_space<vmem_shared>> -> memref<32x128xf32, #tpu.memory_space<vmem_shared>>
      tpu.wait_dma2 semaphore(%run_scoped3A : memref<!tpu.dma_semaphore, #tpu.memory_space<semaphore_mem>>) src(%arg20 : memref<32x128xf32, #tpu.memory_space<vmem>>) dst(%dma_wait3A_382 : memref<32x128xf32, #tpu.memory_space<vmem_shared>>)
      tpu.yield
    }) : () -> ()
    %add3A_12 = arith.constant 64 : i32
    %add3A_13 = arith.addi %mul3A_8, %add3A_12 : i32
    "tpu.region"() ({
      %run_scoped3A = tpu.sem_alloc : memref<!tpu.dma_semaphore, #tpu.memory_space<semaphore_mem>>
      %dma_start3A_375 = arith.constant 0 : i32
      %dma_start3A_376 = tpu.memref_slice %arg21[%add3A_13, %dma_start3A_375] : memref<10240x128xf32, #tpu.memory_space<vmem_shared>> -> memref<32x128xf32, #tpu.memory_space<vmem_shared>>
      %dma_start3A_377 = arith.constant 0 : i32
      %dma_start3A_378 = tpu.memref_slice %arg21[%add3A_13, %dma_start3A_377] : memref<10240x128xf32, #tpu.memory_space<vmem_shared>> -> memref<32x128xf32, #tpu.memory_space<vmem_shared>>
      tpu.enqueue_dma source(%arg20 : memref<32x128xf32, #tpu.memory_space<vmem>>) target(%dma_start3A_378 : memref<32x128xf32, #tpu.memory_space<vmem_shared>>) target_semaphore(%run_scoped3A : memref<!tpu.dma_semaphore, #tpu.memory_space<semaphore_mem>>)
      %dma_wait3A_379 = arith.constant 0 : i32
      %dma_wait3A_380 = tpu.memref_slice %arg21[%add3A_13, %dma_wait3A_379] : memref<10240x128xf32, #tpu.memory_space<vmem_shared>> -> memref<32x128xf32, #tpu.memory_space<vmem_shared>>
      %dma_wait3A_381 = arith.constant 0 : i32
      %dma_wait3A_382 = tpu.memref_slice %arg21[%add3A_13, %dma_wait3A_381] : memref<10240x128xf32, #tpu.memory_space<vmem_shared>> -> memref<32x128xf32, #tpu.memory_space<vmem_shared>>
      tpu.wait_dma2 semaphore(%run_scoped3A : memref<!tpu.dma_semaphore, #tpu.memory_space<semaphore_mem>>) src(%arg20 : memref<32x128xf32, #tpu.memory_space<vmem>>) dst(%dma_wait3A_382 : memref<32x128xf32, #tpu.memory_space<vmem_shared>>)
      tpu.yield
    }) : () -> ()
    %add3A_14 = arith.constant 96 : i32
    %add3A_15 = arith.addi %mul3A_8, %add3A_14 : i32
    "tpu.region"() ({
      %run_scoped3A = tpu.sem_alloc : memref<!tpu.dma_semaphore, #tpu.memory_space<semaphore_mem>>
      %dma_start3A_375 = arith.constant 0 : i32
      %dma_start3A_376 = tpu.memref_slice %arg21[%add3A_15, %dma_start3A_375] : memref<10240x128xf32, #tpu.memory_space<vmem_shared>> -> memref<32x128xf32, #tpu.memory_space<vmem_shared>>
      %dma_start3A_377 = arith.constant 0 : i32
      %dma_start3A_378 = tpu.memref_slice %arg21[%add3A_15, %dma_start3A_377] : memref<10240x128xf32, #tpu.memory_space<vmem_shared>> -> memref<32x128xf32, #tpu.memory_space<vmem_shared>>
      tpu.enqueue_dma source(%arg20 : memref<32x128xf32, #tpu.memory_space<vmem>>) target(%dma_start3A_378 : memref<32x128xf32, #tpu.memory_space<vmem_shared>>) target_semaphore(%run_scoped3A : memref<!tpu.dma_semaphore, #tpu.memory_space<semaphore_mem>>)
      %dma_wait3A_379 = arith.constant 0 : i32
      %dma_wait3A_380 = tpu.memref_slice %arg21[%add3A_15, %dma_wait3A_379] : memref<10240x128xf32, #tpu.memory_space<vmem_shared>> -> memref<32x128xf32, #tpu.memory_space<vmem_shared>>
      %dma_wait3A_381 = arith.constant 0 : i32
      %dma_wait3A_382 = tpu.memref_slice %arg21[%add3A_15, %dma_wait3A_381] : memref<10240x128xf32, #tpu.memory_space<vmem_shared>> -> memref<32x128xf32, #tpu.memory_space<vmem_shared>>
      tpu.wait_dma2 semaphore(%run_scoped3A : memref<!tpu.dma_semaphore, #tpu.memory_space<semaphore_mem>>) src(%arg20 : memref<32x128xf32, #tpu.memory_space<vmem>>) dst(%dma_wait3A_382 : memref<32x128xf32, #tpu.memory_space<vmem_shared>>)
      tpu.yield
    }) : () -> ()
    %add3A_16 = arith.constant 128 : i32
    %add3A_17 = arith.addi %mul3A_8, %add3A_16 : i32
    "tpu.region"() ({
      %run_scoped3A = tpu.sem_alloc : memref<!tpu.dma_semaphore, #tpu.memory_space<semaphore_mem>>
      %dma_start3A_375 = arith.constant 0 : i32
      %dma_start3A_376 = tpu.memref_slice %arg21[%add3A_17, %dma_start3A_375] : memref<10240x128xf32, #tpu.memory_space<vmem_shared>> -> memref<32x128xf32, #tpu.memory_space<vmem_shared>>
      %dma_start3A_377 = arith.constant 0 : i32
      %dma_start3A_378 = tpu.memref_slice %arg21[%add3A_17, %dma_start3A_377] : memref<10240x128xf32, #tpu.memory_space<vmem_shared>> -> memref<32x128xf32, #tpu.memory_space<vmem_shared>>
      tpu.enqueue_dma source(%arg20 : memref<32x128xf32, #tpu.memory_space<vmem>>) target(%dma_start3A_378 : memref<32x128xf32, #tpu.memory_space<vmem_shared>>) target_semaphore(%run_scoped3A : memref<!tpu.dma_semaphore, #tpu.memory_space<semaphore_mem>>)
      %dma_wait3A_379 = arith.constant 0 : i32
      %dma_wait3A_380 = tpu.memref_slice %arg21[%add3A_17, %dma_wait3A_379] : memref<10240x128xf32, #tpu.memory_space<vmem_shared>> -> memref<32x128xf32, #tpu.memory_space<vmem_shared>>
      %dma_wait3A_381 = arith.constant 0 : i32
      %dma_wait3A_382 = tpu.memref_slice %arg21[%add3A_17, %dma_wait3A_381] : memref<10240x128xf32, #tpu.memory_space<vmem_shared>> -> memref<32x128xf32, #tpu.memory_space<vmem_shared>>
      tpu.wait_dma2 semaphore(%run_scoped3A : memref<!tpu.dma_semaphore, #tpu.memory_space<semaphore_mem>>) src(%arg20 : memref<32x128xf32, #tpu.memory_space<vmem>>) dst(%dma_wait3A_382 : memref<32x128xf32, #tpu.memory_space<vmem_shared>>)
      tpu.yield
    }) : () -> ()
    %add3A_18 = arith.constant 160 : i32
    %add3A_19 = arith.addi %mul3A_8, %add3A_18 : i32
    "tpu.region"() ({
      %run_scoped3A = tpu.sem_alloc : memref<!tpu.dma_semaphore, #tpu.memory_space<semaphore_mem>>
      %dma_start3A_375 = arith.constant 0 : i32
      %dma_start3A_376 = tpu.memref_slice %arg21[%add3A_19, %dma_start3A_375] : memref<10240x128xf32, #tpu.memory_space<vmem_shared>> -> memref<32x128xf32, #tpu.memory_space<vmem_shared>>
      %dma_start3A_377 = arith.constant 0 : i32
      %dma_start3A_378 = tpu.memref_slice %arg21[%add3A_19, %dma_start3A_377] : memref<10240x128xf32, #tpu.memory_space<vmem_shared>> -> memref<32x128xf32, #tpu.memory_space<vmem_shared>>
      tpu.enqueue_dma source(%arg20 : memref<32x128xf32, #tpu.memory_space<vmem>>) target(%dma_start3A_378 : memref<32x128xf32, #tpu.memory_space<vmem_shared>>) target_semaphore(%run_scoped3A : memref<!tpu.dma_semaphore, #tpu.memory_space<semaphore_mem>>)
      %dma_wait3A_379 = arith.constant 0 : i32
      %dma_wait3A_380 = tpu.memref_slice %arg21[%add3A_19, %dma_wait3A_379] : memref<10240x128xf32, #tpu.memory_space<vmem_shared>> -> memref<32x128xf32, #tpu.memory_space<vmem_shared>>
      %dma_wait3A_381 = arith.constant 0 : i32
      %dma_wait3A_382 = tpu.memref_slice %arg21[%add3A_19, %dma_wait3A_381] : memref<10240x128xf32, #tpu.memory_space<vmem_shared>> -> memref<32x128xf32, #tpu.memory_space<vmem_shared>>
      tpu.wait_dma2 semaphore(%run_scoped3A : memref<!tpu.dma_semaphore, #tpu.memory_space<semaphore_mem>>) src(%arg20 : memref<32x128xf32, #tpu.memory_space<vmem>>) dst(%dma_wait3A_382 : memref<32x128xf32, #tpu.memory_space<vmem_shared>>)
      tpu.yield
    }) : () -> ()
    %add3A_20 = arith.constant 192 : i32
    %add3A_21 = arith.addi %mul3A_8, %add3A_20 : i32
    "tpu.region"() ({
      %run_scoped3A = tpu.sem_alloc : memref<!tpu.dma_semaphore, #tpu.memory_space<semaphore_mem>>
      %dma_start3A_375 = arith.constant 0 : i32
      %dma_start3A_376 = tpu.memref_slice %arg21[%add3A_21, %dma_start3A_375] : memref<10240x128xf32, #tpu.memory_space<vmem_shared>> -> memref<32x128xf32, #tpu.memory_space<vmem_shared>>
      %dma_start3A_377 = arith.constant 0 : i32
      %dma_start3A_378 = tpu.memref_slice %arg21[%add3A_21, %dma_start3A_377] : memref<10240x128xf32, #tpu.memory_space<vmem_shared>> -> memref<32x128xf32, #tpu.memory_space<vmem_shared>>
      tpu.enqueue_dma source(%arg20 : memref<32x128xf32, #tpu.memory_space<vmem>>) target(%dma_start3A_378 : memref<32x128xf32, #tpu.memory_space<vmem_shared>>) target_semaphore(%run_scoped3A : memref<!tpu.dma_semaphore, #tpu.memory_space<semaphore_mem>>)
      %dma_wait3A_379 = arith.constant 0 : i32
      %dma_wait3A_380 = tpu.memref_slice %arg21[%add3A_21, %dma_wait3A_379] : memref<10240x128xf32, #tpu.memory_space<vmem_shared>> -> memref<32x128xf32, #tpu.memory_space<vmem_shared>>
      %dma_wait3A_381 = arith.constant 0 : i32
      %dma_wait3A_382 = tpu.memref_slice %arg21[%add3A_21, %dma_wait3A_381] : memref<10240x128xf32, #tpu.memory_space<vmem_shared>> -> memref<32x128xf32, #tpu.memory_space<vmem_shared>>
      tpu.wait_dma2 semaphore(%run_scoped3A : memref<!tpu.dma_semaphore, #tpu.memory_space<semaphore_mem>>) src(%arg20 : memref<32x128xf32, #tpu.memory_space<vmem>>) dst(%dma_wait3A_382 : memref<32x128xf32, #tpu.memory_space<vmem_shared>>)
      tpu.yield
    }) : () -> ()
    %add3A_22 = arith.constant 224 : i32
    %add3A_23 = arith.addi %mul3A_8, %add3A_22 : i32
    "tpu.region"() ({
      %run_scoped3A = tpu.sem_alloc : memref<!tpu.dma_semaphore, #tpu.memory_space<semaphore_mem>>
      %dma_start3A_375 = arith.constant 0 : i32
      %dma_start3A_376 = tpu.memref_slice %arg21[%add3A_23, %dma_start3A_375] : memref<10240x128xf32, #tpu.memory_space<vmem_shared>> -> memref<32x128xf32, #tpu.memory_space<vmem_shared>>
      %dma_start3A_377 = arith.constant 0 : i32
      %dma_start3A_378 = tpu.memref_slice %arg21[%add3A_23, %dma_start3A_377] : memref<10240x128xf32, #tpu.memory_space<vmem_shared>> -> memref<32x128xf32, #tpu.memory_space<vmem_shared>>
      tpu.enqueue_dma source(%arg20 : memref<32x128xf32, #tpu.memory_space<vmem>>) target(%dma_start3A_378 : memref<32x128xf32, #tpu.memory_space<vmem_shared>>) target_semaphore(%run_scoped3A : memref<!tpu.dma_semaphore, #tpu.memory_space<semaphore_mem>>)
      %dma_wait3A_379 = arith.constant 0 : i32
      %dma_wait3A_380 = tpu.memref_slice %arg21[%add3A_23, %dma_wait3A_379] : memref<10240x128xf32, #tpu.memory_space<vmem_shared>> -> memref<32x128xf32, #tpu.memory_space<vmem_shared>>
      %dma_wait3A_381 = arith.constant 0 : i32
      %dma_wait3A_382 = tpu.memref_slice %arg21[%add3A_23, %dma_wait3A_381] : memref<10240x128xf32, #tpu.memory_space<vmem_shared>> -> memref<32x128xf32, #tpu.memory_space<vmem_shared>>
      tpu.wait_dma2 semaphore(%run_scoped3A : memref<!tpu.dma_semaphore, #tpu.memory_space<semaphore_mem>>) src(%arg20 : memref<32x128xf32, #tpu.memory_space<vmem>>) dst(%dma_wait3A_382 : memref<32x128xf32, #tpu.memory_space<vmem_shared>>)
      tpu.yield
    }) : () -> ()
    %add3A_24 = arith.constant 256 : i32
    %add3A_25 = arith.addi %mul3A_8, %add3A_24 : i32
    "tpu.region"() ({
      %run_scoped3A = tpu.sem_alloc : memref<!tpu.dma_semaphore, #tpu.memory_space<semaphore_mem>>
      %dma_start3A_375 = arith.constant 0 : i32
      %dma_start3A_376 = tpu.memref_slice %arg21[%add3A_25, %dma_start3A_375] : memref<10240x128xf32, #tpu.memory_space<vmem_shared>> -> memref<32x128xf32, #tpu.memory_space<vmem_shared>>
      %dma_start3A_377 = arith.constant 0 : i32
      %dma_start3A_378 = tpu.memref_slice %arg21[%add3A_25, %dma_start3A_377] : memref<10240x128xf32, #tpu.memory_space<vmem_shared>> -> memref<32x128xf32, #tpu.memory_space<vmem_shared>>
      tpu.enqueue_dma source(%arg20 : memref<32x128xf32, #tpu.memory_space<vmem>>) target(%dma_start3A_378 : memref<32x128xf32, #tpu.memory_space<vmem_shared>>) target_semaphore(%run_scoped3A : memref<!tpu.dma_semaphore, #tpu.memory_space<semaphore_mem>>)
      %dma_wait3A_379 = arith.constant 0 : i32
      %dma_wait3A_380 = tpu.memref_slice %arg21[%add3A_25, %dma_wait3A_379] : memref<10240x128xf32, #tpu.memory_space<vmem_shared>> -> memref<32x128xf32, #tpu.memory_space<vmem_shared>>
      %dma_wait3A_381 = arith.constant 0 : i32
      %dma_wait3A_382 = tpu.memref_slice %arg21[%add3A_25, %dma_wait3A_381] : memref<10240x128xf32, #tpu.memory_space<vmem_shared>> -> memref<32x128xf32, #tpu.memory_space<vmem_shared>>
      tpu.wait_dma2 semaphore(%run_scoped3A : memref<!tpu.dma_semaphore, #tpu.memory_space<semaphore_mem>>) src(%arg20 : memref<32x128xf32, #tpu.memory_space<vmem>>) dst(%dma_wait3A_382 : memref<32x128xf32, #tpu.memory_space<vmem_shared>>)
      tpu.yield
    }) : () -> ()
    %add3A_26 = arith.constant 288 : i32
    %add3A_27 = arith.addi %mul3A_8, %add3A_26 : i32
    "tpu.region"() ({
      %run_scoped3A = tpu.sem_alloc : memref<!tpu.dma_semaphore, #tpu.memory_space<semaphore_mem>>
      %dma_start3A_375 = arith.constant 0 : i32
      %dma_start3A_376 = tpu.memref_slice %arg21[%add3A_27, %dma_start3A_375] : memref<10240x128xf32, #tpu.memory_space<vmem_shared>> -> memref<32x128xf32, #tpu.memory_space<vmem_shared>>
      %dma_start3A_377 = arith.constant 0 : i32
      %dma_start3A_378 = tpu.memref_slice %arg21[%add3A_27, %dma_start3A_377] : memref<10240x128xf32, #tpu.memory_space<vmem_shared>> -> memref<32x128xf32, #tpu.memory_space<vmem_shared>>
      tpu.enqueue_dma source(%arg20 : memref<32x128xf32, #tpu.memory_space<vmem>>) target(%dma_start3A_378 : memref<32x128xf32, #tpu.memory_space<vmem_shared>>) target_semaphore(%run_scoped3A : memref<!tpu.dma_semaphore, #tpu.memory_space<semaphore_mem>>)
      %dma_wait3A_379 = arith.constant 0 : i32
      %dma_wait3A_380 = tpu.memref_slice %arg21[%add3A_27, %dma_wait3A_379] : memref<10240x128xf32, #tpu.memory_space<vmem_shared>> -> memref<32x128xf32, #tpu.memory_space<vmem_shared>>
      %dma_wait3A_381 = arith.constant 0 : i32
      %dma_wait3A_382 = tpu.memref_slice %arg21[%add3A_27, %dma_wait3A_381] : memref<10240x128xf32, #tpu.memory_space<vmem_shared>> -> memref<32x128xf32, #tpu.memory_space<vmem_shared>>
      tpu.wait_dma2 semaphore(%run_scoped3A : memref<!tpu.dma_semaphore, #tpu.memory_space<semaphore_mem>>) src(%arg20 : memref<32x128xf32, #tpu.memory_space<vmem>>) dst(%dma_wait3A_382 : memref<32x128xf32, #tpu.memory_space<vmem_shared>>)
      tpu.yield
    }) : () -> ()
    %add3A_28 = arith.constant 320 : i32
    %add3A_29 = arith.addi %mul3A_8, %add3A_28 : i32
    "tpu.region"() ({
      %run_scoped3A = tpu.sem_alloc : memref<!tpu.dma_semaphore, #tpu.memory_space<semaphore_mem>>
      %dma_start3A_375 = arith.constant 0 : i32
      %dma_start3A_376 = tpu.memref_slice %arg21[%add3A_29, %dma_start3A_375] : memref<10240x128xf32, #tpu.memory_space<vmem_shared>> -> memref<32x128xf32, #tpu.memory_space<vmem_shared>>
      %dma_start3A_377 = arith.constant 0 : i32
      %dma_start3A_378 = tpu.memref_slice %arg21[%add3A_29, %dma_start3A_377] : memref<10240x128xf32, #tpu.memory_space<vmem_shared>> -> memref<32x128xf32, #tpu.memory_space<vmem_shared>>
      tpu.enqueue_dma source(%arg20 : memref<32x128xf32, #tpu.memory_space<vmem>>) target(%dma_start3A_378 : memref<32x128xf32, #tpu.memory_space<vmem_shared>>) target_semaphore(%run_scoped3A : memref<!tpu.dma_semaphore, #tpu.memory_space<semaphore_mem>>)
      %dma_wait3A_379 = arith.constant 0 : i32
      %dma_wait3A_380 = tpu.memref_slice %arg21[%add3A_29, %dma_wait3A_379] : memref<10240x128xf32, #tpu.memory_space<vmem_shared>> -> memref<32x128xf32, #tpu.memory_space<vmem_shared>>
      %dma_wait3A_381 = arith.constant 0 : i32
      %dma_wait3A_382 = tpu.memref_slice %arg21[%add3A_29, %dma_wait3A_381] : memref<10240x128xf32, #tpu.memory_space<vmem_shared>> -> memref<32x128xf32, #tpu.memory_space<vmem_shared>>
      tpu.wait_dma2 semaphore(%run_scoped3A : memref<!tpu.dma_semaphore, #tpu.memory_space<semaphore_mem>>) src(%arg20 : memref<32x128xf32, #tpu.memory_space<vmem>>) dst(%dma_wait3A_382 : memref<32x128xf32, #tpu.memory_space<vmem_shared>>)
      tpu.yield
    }) : () -> ()
    %add3A_30 = arith.constant 352 : i32
    %add3A_31 = arith.addi %mul3A_8, %add3A_30 : i32
    "tpu.region"() ({
      %run_scoped3A = tpu.sem_alloc : memref<!tpu.dma_semaphore, #tpu.memory_space<semaphore_mem>>
      %dma_start3A_375 = arith.constant 0 : i32
      %dma_start3A_376 = tpu.memref_slice %arg21[%add3A_31, %dma_start3A_375] : memref<10240x128xf32, #tpu.memory_space<vmem_shared>> -> memref<32x128xf32, #tpu.memory_space<vmem_shared>>
      %dma_start3A_377 = arith.constant 0 : i32
      %dma_start3A_378 = tpu.memref_slice %arg21[%add3A_31, %dma_start3A_377] : memref<10240x128xf32, #tpu.memory_space<vmem_shared>> -> memref<32x128xf32, #tpu.memory_space<vmem_shared>>
      tpu.enqueue_dma source(%arg20 : memref<32x128xf32, #tpu.memory_space<vmem>>) target(%dma_start3A_378 : memref<32x128xf32, #tpu.memory_space<vmem_shared>>) target_semaphore(%run_scoped3A : memref<!tpu.dma_semaphore, #tpu.memory_space<semaphore_mem>>)
      %dma_wait3A_379 = arith.constant 0 : i32
      %dma_wait3A_380 = tpu.memref_slice %arg21[%add3A_31, %dma_wait3A_379] : memref<10240x128xf32, #tpu.memory_space<vmem_shared>> -> memref<32x128xf32, #tpu.memory_space<vmem_shared>>
      %dma_wait3A_381 = arith.constant 0 : i32
      %dma_wait3A_382 = tpu.memref_slice %arg21[%add3A_31, %dma_wait3A_381] : memref<10240x128xf32, #tpu.memory_space<vmem_shared>> -> memref<32x128xf32, #tpu.memory_space<vmem_shared>>
      tpu.wait_dma2 semaphore(%run_scoped3A : memref<!tpu.dma_semaphore, #tpu.memory_space<semaphore_mem>>) src(%arg20 : memref<32x128xf32, #tpu.memory_space<vmem>>) dst(%dma_wait3A_382 : memref<32x128xf32, #tpu.memory_space<vmem_shared>>)
      tpu.yield
    }) : () -> ()
    %add3A_32 = arith.constant 384 : i32
    %add3A_33 = arith.addi %mul3A_8, %add3A_32 : i32
    "tpu.region"() ({
      %run_scoped3A = tpu.sem_alloc : memref<!tpu.dma_semaphore, #tpu.memory_space<semaphore_mem>>
      %dma_start3A_375 = arith.constant 0 : i32
      %dma_start3A_376 = tpu.memref_slice %arg21[%add3A_33, %dma_start3A_375] : memref<10240x128xf32, #tpu.memory_space<vmem_shared>> -> memref<32x128xf32, #tpu.memory_space<vmem_shared>>
      %dma_start3A_377 = arith.constant 0 : i32
      %dma_start3A_378 = tpu.memref_slice %arg21[%add3A_33, %dma_start3A_377] : memref<10240x128xf32, #tpu.memory_space<vmem_shared>> -> memref<32x128xf32, #tpu.memory_space<vmem_shared>>
      tpu.enqueue_dma source(%arg20 : memref<32x128xf32, #tpu.memory_space<vmem>>) target(%dma_start3A_378 : memref<32x128xf32, #tpu.memory_space<vmem_shared>>) target_semaphore(%run_scoped3A : memref<!tpu.dma_semaphore, #tpu.memory_space<semaphore_mem>>)
      %dma_wait3A_379 = arith.constant 0 : i32
      %dma_wait3A_380 = tpu.memref_slice %arg21[%add3A_33, %dma_wait3A_379] : memref<10240x128xf32, #tpu.memory_space<vmem_shared>> -> memref<32x128xf32, #tpu.memory_space<vmem_shared>>
      %dma_wait3A_381 = arith.constant 0 : i32
      %dma_wait3A_382 = tpu.memref_slice %arg21[%add3A_33, %dma_wait3A_381] : memref<10240x128xf32, #tpu.memory_space<vmem_shared>> -> memref<32x128xf32, #tpu.memory_space<vmem_shared>>
      tpu.wait_dma2 semaphore(%run_scoped3A : memref<!tpu.dma_semaphore, #tpu.memory_space<semaphore_mem>>) src(%arg20 : memref<32x128xf32, #tpu.memory_space<vmem>>) dst(%dma_wait3A_382 : memref<32x128xf32, #tpu.memory_space<vmem_shared>>)
      tpu.yield
    }) : () -> ()
    %add3A_34 = arith.constant 416 : i32
    %add3A_35 = arith.addi %mul3A_8, %add3A_34 : i32
    "tpu.region"() ({
      %run_scoped3A = tpu.sem_alloc : memref<!tpu.dma_semaphore, #tpu.memory_space<semaphore_mem>>
      %dma_start3A_375 = arith.constant 0 : i32
      %dma_start3A_376 = tpu.memref_slice %arg21[%add3A_35, %dma_start3A_375] : memref<10240x128xf32, #tpu.memory_space<vmem_shared>> -> memref<32x128xf32, #tpu.memory_space<vmem_shared>>
      %dma_start3A_377 = arith.constant 0 : i32
      %dma_start3A_378 = tpu.memref_slice %arg21[%add3A_35, %dma_start3A_377] : memref<10240x128xf32, #tpu.memory_space<vmem_shared>> -> memref<32x128xf32, #tpu.memory_space<vmem_shared>>
      tpu.enqueue_dma source(%arg20 : memref<32x128xf32, #tpu.memory_space<vmem>>) target(%dma_start3A_378 : memref<32x128xf32, #tpu.memory_space<vmem_shared>>) target_semaphore(%run_scoped3A : memref<!tpu.dma_semaphore, #tpu.memory_space<semaphore_mem>>)
      %dma_wait3A_379 = arith.constant 0 : i32
      %dma_wait3A_380 = tpu.memref_slice %arg21[%add3A_35, %dma_wait3A_379] : memref<10240x128xf32, #tpu.memory_space<vmem_shared>> -> memref<32x128xf32, #tpu.memory_space<vmem_shared>>
      %dma_wait3A_381 = arith.constant 0 : i32
      %dma_wait3A_382 = tpu.memref_slice %arg21[%add3A_35, %dma_wait3A_381] : memref<10240x128xf32, #tpu.memory_space<vmem_shared>> -> memref<32x128xf32, #tpu.memory_space<vmem_shared>>
      tpu.wait_dma2 semaphore(%run_scoped3A : memref<!tpu.dma_semaphore, #tpu.memory_space<semaphore_mem>>) src(%arg20 : memref<32x128xf32, #tpu.memory_space<vmem>>) dst(%dma_wait3A_382 : memref<32x128xf32, #tpu.memory_space<vmem_shared>>)
      tpu.yield
    }) : () -> ()
    %add3A_36 = arith.constant 448 : i32
    %add3A_37 = arith.addi %mul3A_8, %add3A_36 : i32
    "tpu.region"() ({
      %run_scoped3A = tpu.sem_alloc : memref<!tpu.dma_semaphore, #tpu.memory_space<semaphore_mem>>
      %dma_start3A_375 = arith.constant 0 : i32
      %dma_start3A_376 = tpu.memref_slice %arg21[%add3A_37, %dma_start3A_375] : memref<10240x128xf32, #tpu.memory_space<vmem_shared>> -> memref<32x128xf32, #tpu.memory_space<vmem_shared>>
      %dma_start3A_377 = arith.constant 0 : i32
      %dma_start3A_378 = tpu.memref_slice %arg21[%add3A_37, %dma_start3A_377] : memref<10240x128xf32, #tpu.memory_space<vmem_shared>> -> memref<32x128xf32, #tpu.memory_space<vmem_shared>>
      tpu.enqueue_dma source(%arg20 : memref<32x128xf32, #tpu.memory_space<vmem>>) target(%dma_start3A_378 : memref<32x128xf32, #tpu.memory_space<vmem_shared>>) target_semaphore(%run_scoped3A : memref<!tpu.dma_semaphore, #tpu.memory_space<semaphore_mem>>)
      %dma_wait3A_379 = arith.constant 0 : i32
      %dma_wait3A_380 = tpu.memref_slice %arg21[%add3A_37, %dma_wait3A_379] : memref<10240x128xf32, #tpu.memory_space<vmem_shared>> -> memref<32x128xf32, #tpu.memory_space<vmem_shared>>
      %dma_wait3A_381 = arith.constant 0 : i32
      %dma_wait3A_382 = tpu.memref_slice %arg21[%add3A_37, %dma_wait3A_381] : memref<10240x128xf32, #tpu.memory_space<vmem_shared>> -> memref<32x128xf32, #tpu.memory_space<vmem_shared>>
      tpu.wait_dma2 semaphore(%run_scoped3A : memref<!tpu.dma_semaphore, #tpu.memory_space<semaphore_mem>>) src(%arg20 : memref<32x128xf32, #tpu.memory_space<vmem>>) dst(%dma_wait3A_382 : memref<32x128xf32, #tpu.memory_space<vmem_shared>>)
      tpu.yield
    }) : () -> ()
    %add3A_38 = arith.constant 480 : i32
    %add3A_39 = arith.addi %mul3A_8, %add3A_38 : i32
    "tpu.region"() ({
      %run_scoped3A = tpu.sem_alloc : memref<!tpu.dma_semaphore, #tpu.memory_space<semaphore_mem>>
      %dma_start3A_375 = arith.constant 0 : i32
      %dma_start3A_376 = tpu.memref_slice %arg21[%add3A_39, %dma_start3A_375] : memref<10240x128xf32, #tpu.memory_space<vmem_shared>> -> memref<32x128xf32, #tpu.memory_space<vmem_shared>>
      %dma_start3A_377 = arith.constant 0 : i32
      %dma_start3A_378 = tpu.memref_slice %arg21[%add3A_39, %dma_start3A_377] : memref<10240x128xf32, #tpu.memory_space<vmem_shared>> -> memref<32x128xf32, #tpu.memory_space<vmem_shared>>
      tpu.enqueue_dma source(%arg20 : memref<32x128xf32, #tpu.memory_space<vmem>>) target(%dma_start3A_378 : memref<32x128xf32, #tpu.memory_space<vmem_shared>>) target_semaphore(%run_scoped3A : memref<!tpu.dma_semaphore, #tpu.memory_space<semaphore_mem>>)
      %dma_wait3A_379 = arith.constant 0 : i32
      %dma_wait3A_380 = tpu.memref_slice %arg21[%add3A_39, %dma_wait3A_379] : memref<10240x128xf32, #tpu.memory_space<vmem_shared>> -> memref<32x128xf32, #tpu.memory_space<vmem_shared>>
      %dma_wait3A_381 = arith.constant 0 : i32
      %dma_wait3A_382 = tpu.memref_slice %arg21[%add3A_39, %dma_wait3A_381] : memref<10240x128xf32, #tpu.memory_space<vmem_shared>> -> memref<32x128xf32, #tpu.memory_space<vmem_shared>>
      tpu.wait_dma2 semaphore(%run_scoped3A : memref<!tpu.dma_semaphore, #tpu.memory_space<semaphore_mem>>) src(%arg20 : memref<32x128xf32, #tpu.memory_space<vmem>>) dst(%dma_wait3A_382 : memref<32x128xf32, #tpu.memory_space<vmem_shared>>)
      tpu.yield
    }) : () -> ()
    %add3A_40 = arith.constant 512 : i32
    %add3A_41 = arith.addi %mul3A_8, %add3A_40 : i32
    "tpu.region"() ({
      %run_scoped3A = tpu.sem_alloc : memref<!tpu.dma_semaphore, #tpu.memory_space<semaphore_mem>>
      %dma_start3A_375 = arith.constant 0 : i32
      %dma_start3A_376 = tpu.memref_slice %arg21[%add3A_41, %dma_start3A_375] : memref<10240x128xf32, #tpu.memory_space<vmem_shared>> -> memref<32x128xf32, #tpu.memory_space<vmem_shared>>
      %dma_start3A_377 = arith.constant 0 : i32
      %dma_start3A_378 = tpu.memref_slice %arg21[%add3A_41, %dma_start3A_377] : memref<10240x128xf32, #tpu.memory_space<vmem_shared>> -> memref<32x128xf32, #tpu.memory_space<vmem_shared>>
      tpu.enqueue_dma source(%arg20 : memref<32x128xf32, #tpu.memory_space<vmem>>) target(%dma_start3A_378 : memref<32x128xf32, #tpu.memory_space<vmem_shared>>) target_semaphore(%run_scoped3A : memref<!tpu.dma_semaphore, #tpu.memory_space<semaphore_mem>>)
      %dma_wait3A_379 = arith.constant 0 : i32
      %dma_wait3A_380 = tpu.memref_slice %arg21[%add3A_41, %dma_wait3A_379] : memref<10240x128xf32, #tpu.memory_space<vmem_shared>> -> memref<32x128xf32, #tpu.memory_space<vmem_shared>>
      %dma_wait3A_381 = arith.constant 0 : i32
      %dma_wait3A_382 = tpu.memref_slice %arg21[%add3A_41, %dma_wait3A_381] : memref<10240x128xf32, #tpu.memory_space<vmem_shared>> -> memref<32x128xf32, #tpu.memory_space<vmem_shared>>
      tpu.wait_dma2 semaphore(%run_scoped3A : memref<!tpu.dma_semaphore, #tpu.memory_space<semaphore_mem>>) src(%arg20 : memref<32x128xf32, #tpu.memory_space<vmem>>) dst(%dma_wait3A_382 : memref<32x128xf32, #tpu.memory_space<vmem_shared>>)
      tpu.yield
    }) : () -> ()
    %add3A_42 = arith.constant 544 : i32
    %add3A_43 = arith.addi %mul3A_8, %add3A_42 : i32
    "tpu.region"() ({
      %run_scoped3A = tpu.sem_alloc : memref<!tpu.dma_semaphore, #tpu.memory_space<semaphore_mem>>
      %dma_start3A_375 = arith.constant 0 : i32
      %dma_start3A_376 = tpu.memref_slice %arg21[%add3A_43, %dma_start3A_375] : memref<10240x128xf32, #tpu.memory_space<vmem_shared>> -> memref<32x128xf32, #tpu.memory_space<vmem_shared>>
      %dma_start3A_377 = arith.constant 0 : i32
      %dma_start3A_378 = tpu.memref_slice %arg21[%add3A_43, %dma_start3A_377] : memref<10240x128xf32, #tpu.memory_space<vmem_shared>> -> memref<32x128xf32, #tpu.memory_space<vmem_shared>>
      tpu.enqueue_dma source(%arg20 : memref<32x128xf32, #tpu.memory_space<vmem>>) target(%dma_start3A_378 : memref<32x128xf32, #tpu.memory_space<vmem_shared>>) target_semaphore(%run_scoped3A : memref<!tpu.dma_semaphore, #tpu.memory_space<semaphore_mem>>)
      %dma_wait3A_379 = arith.constant 0 : i32
      %dma_wait3A_380 = tpu.memref_slice %arg21[%add3A_43, %dma_wait3A_379] : memref<10240x128xf32, #tpu.memory_space<vmem_shared>> -> memref<32x128xf32, #tpu.memory_space<vmem_shared>>
      %dma_wait3A_381 = arith.constant 0 : i32
      %dma_wait3A_382 = tpu.memref_slice %arg21[%add3A_43, %dma_wait3A_381] : memref<10240x128xf32, #tpu.memory_space<vmem_shared>> -> memref<32x128xf32, #tpu.memory_space<vmem_shared>>
      tpu.wait_dma2 semaphore(%run_scoped3A : memref<!tpu.dma_semaphore, #tpu.memory_space<semaphore_mem>>) src(%arg20 : memref<32x128xf32, #tpu.memory_space<vmem>>) dst(%dma_wait3A_382 : memref<32x128xf32, #tpu.memory_space<vmem_shared>>)
      tpu.yield
    }) : () -> ()
    %add3A_44 = arith.constant 576 : i32
    %add3A_45 = arith.addi %mul3A_8, %add3A_44 : i32
    "tpu.region"() ({
      %run_scoped3A = tpu.sem_alloc : memref<!tpu.dma_semaphore, #tpu.memory_space<semaphore_mem>>
      %dma_start3A_375 = arith.constant 0 : i32
      %dma_start3A_376 = tpu.memref_slice %arg21[%add3A_45, %dma_start3A_375] : memref<10240x128xf32, #tpu.memory_space<vmem_shared>> -> memref<32x128xf32, #tpu.memory_space<vmem_shared>>
      %dma_start3A_377 = arith.constant 0 : i32
      %dma_start3A_378 = tpu.memref_slice %arg21[%add3A_45, %dma_start3A_377] : memref<10240x128xf32, #tpu.memory_space<vmem_shared>> -> memref<32x128xf32, #tpu.memory_space<vmem_shared>>
      tpu.enqueue_dma source(%arg20 : memref<32x128xf32, #tpu.memory_space<vmem>>) target(%dma_start3A_378 : memref<32x128xf32, #tpu.memory_space<vmem_shared>>) target_semaphore(%run_scoped3A : memref<!tpu.dma_semaphore, #tpu.memory_space<semaphore_mem>>)
      %dma_wait3A_379 = arith.constant 0 : i32
      %dma_wait3A_380 = tpu.memref_slice %arg21[%add3A_45, %dma_wait3A_379] : memref<10240x128xf32, #tpu.memory_space<vmem_shared>> -> memref<32x128xf32, #tpu.memory_space<vmem_shared>>
      %dma_wait3A_381 = arith.constant 0 : i32
      %dma_wait3A_382 = tpu.memref_slice %arg21[%add3A_45, %dma_wait3A_381] : memref<10240x128xf32, #tpu.memory_space<vmem_shared>> -> memref<32x128xf32, #tpu.memory_space<vmem_shared>>
      tpu.wait_dma2 semaphore(%run_scoped3A : memref<!tpu.dma_semaphore, #tpu.memory_space<semaphore_mem>>) src(%arg20 : memref<32x128xf32, #tpu.memory_space<vmem>>) dst(%dma_wait3A_382 : memref<32x128xf32, #tpu.memory_space<vmem_shared>>)
      tpu.yield
    }) : () -> ()
    %add3A_46 = arith.constant 608 : i32
    %add3A_47 = arith.addi %mul3A_8, %add3A_46 : i32
    "tpu.region"() ({
      %run_scoped3A = tpu.sem_alloc : memref<!tpu.dma_semaphore, #tpu.memory_space<semaphore_mem>>
      %dma_start3A_375 = arith.constant 0 : i32
      %dma_start3A_376 = tpu.memref_slice %arg21[%add3A_47, %dma_start3A_375] : memref<10240x128xf32, #tpu.memory_space<vmem_shared>> -> memref<32x128xf32, #tpu.memory_space<vmem_shared>>
      %dma_start3A_377 = arith.constant 0 : i32
      %dma_start3A_378 = tpu.memref_slice %arg21[%add3A_47, %dma_start3A_377] : memref<10240x128xf32, #tpu.memory_space<vmem_shared>> -> memref<32x128xf32, #tpu.memory_space<vmem_shared>>
      tpu.enqueue_dma source(%arg20 : memref<32x128xf32, #tpu.memory_space<vmem>>) target(%dma_start3A_378 : memref<32x128xf32, #tpu.memory_space<vmem_shared>>) target_semaphore(%run_scoped3A : memref<!tpu.dma_semaphore, #tpu.memory_space<semaphore_mem>>)
      %dma_wait3A_379 = arith.constant 0 : i32
      %dma_wait3A_380 = tpu.memref_slice %arg21[%add3A_47, %dma_wait3A_379] : memref<10240x128xf32, #tpu.memory_space<vmem_shared>> -> memref<32x128xf32, #tpu.memory_space<vmem_shared>>
      %dma_wait3A_381 = arith.constant 0 : i32
      %dma_wait3A_382 = tpu.memref_slice %arg21[%add3A_47, %dma_wait3A_381] : memref<10240x128xf32, #tpu.memory_space<vmem_shared>> -> memref<32x128xf32, #tpu.memory_space<vmem_shared>>
      tpu.wait_dma2 semaphore(%run_scoped3A : memref<!tpu.dma_semaphore, #tpu.memory_space<semaphore_mem>>) src(%arg20 : memref<32x128xf32, #tpu.memory_space<vmem>>) dst(%dma_wait3A_382 : memref<32x128xf32, #tpu.memory_space<vmem_shared>>)
      tpu.yield
    }) : () -> ()
    %barrier3A = arith.constant 0 : index
    tpu.barrier barrier_id(%barrier3A)
    %mul3A_48 = arith.constant 20000 : i32
    %mul3A_49 = arith.muli %arg1, %mul3A_48 : i32
    %add3A_50 = arith.constant 0 : i32
    %add3A_51 = arith.addi %mul3A_49, %add3A_50 : i32
    %dma_start3A = tpu.memref_slice %arg4[%add3A_51] : memref<640000xi32, #tpu.memory_space<hbm>> -> memref<80xi32, #tpu.memory_space<hbm>>
    %dma_start3A_52 = tpu.memref_slice %arg4[%add3A_51] : memref<640000xi32, #tpu.memory_space<hbm>> -> memref<80xi32, #tpu.memory_space<hbm>>
    tpu.enqueue_dma source(%dma_start3A_52 : memref<80xi32, #tpu.memory_space<hbm>>) target(%arg6 : memref<80xi32, #tpu.memory_space<vmem>>) target_semaphore(%arg24 : memref<!tpu.dma_semaphore, #tpu.memory_space<semaphore_mem>>)
    %add3A_53 = arith.constant 320000 : i32
    %add3A_54 = arith.addi %add3A_53, %add3A_51 : i32
    %dma_start3A_55 = tpu.memref_slice %arg4[%add3A_54] : memref<640000xi32, #tpu.memory_space<hbm>> -> memref<80xi32, #tpu.memory_space<hbm>>
    %dma_start3A_56 = tpu.memref_slice %arg4[%add3A_54] : memref<640000xi32, #tpu.memory_space<hbm>> -> memref<80xi32, #tpu.memory_space<hbm>>
    tpu.enqueue_dma source(%dma_start3A_56 : memref<80xi32, #tpu.memory_space<hbm>>) target(%arg7 : memref<80xi32, #tpu.memory_space<vmem>>) target_semaphore(%arg24 : memref<!tpu.dma_semaphore, #tpu.memory_space<semaphore_mem>>)
    %mul3A_57 = arith.constant 20000 : i32
    %mul3A_58 = arith.muli %arg1, %mul3A_57 : i32
    %add3A_59 = arith.constant 0 : i32
    %add3A_60 = arith.addi %mul3A_58, %add3A_59 : i32
    %dma_wait3A = tpu.memref_slice %arg4[%add3A_60] : memref<640000xi32, #tpu.memory_space<hbm>> -> memref<80xi32, #tpu.memory_space<hbm>>
    %dma_wait3A_61 = tpu.memref_slice %arg4[%add3A_60] : memref<640000xi32, #tpu.memory_space<hbm>> -> memref<80xi32, #tpu.memory_space<hbm>>
    tpu.wait_dma2 semaphore(%arg24 : memref<!tpu.dma_semaphore, #tpu.memory_space<semaphore_mem>>) src(%dma_wait3A_61 : memref<80xi32, #tpu.memory_space<hbm>>) dst(%arg6 : memref<80xi32, #tpu.memory_space<vmem>>)
    %add3A_62 = arith.constant 320000 : i32
    %add3A_63 = arith.addi %add3A_62, %add3A_60 : i32
    %dma_wait3A_64 = tpu.memref_slice %arg4[%add3A_63] : memref<640000xi32, #tpu.memory_space<hbm>> -> memref<80xi32, #tpu.memory_space<hbm>>
    %dma_wait3A_65 = tpu.memref_slice %arg4[%add3A_63] : memref<640000xi32, #tpu.memory_space<hbm>> -> memref<80xi32, #tpu.memory_space<hbm>>
    tpu.wait_dma2 semaphore(%arg24 : memref<!tpu.dma_semaphore, #tpu.memory_space<semaphore_mem>>) src(%dma_wait3A_65 : memref<80xi32, #tpu.memory_space<hbm>>) dst(%arg7 : memref<80xi32, #tpu.memory_space<vmem>>)
    %get3A = arith.constant 0 : index
    %get3A_66 = tpu.vector_load %arg6[%get3A] {strides = array<i32>} : memref<80xi32, #tpu.memory_space<vmem>>, vector<16xi32>,
    %get3A_67 = vector.shape_cast %get3A_66 : vector<16xi32> to vector<16xi32>
    %get3A_68 = arith.constant 0 : index
    %get3A_69 = tpu.vector_load %arg7[%get3A_68] {strides = array<i32>} : memref<80xi32, #tpu.memory_space<vmem>>, vector<16xi32>,
    %get3A_70 = vector.shape_cast %get3A_69 : vector<16xi32> to vector<16xi32>
    %lt3A = arith.cmpi slt, %get3A_67, %get3A_70 : vector<16xi32>
    %ge3A = vector.broadcast %mul3A_0 : i32 to vector<16xi32>
    %ge3A_71 = arith.cmpi sge, %get3A_67, %ge3A : vector<16xi32>
    %add3A_72 = arith.constant 5000 : i32
    %add3A_73 = arith.addi %mul3A_0, %add3A_72 : i32
    %lt3A_74 = vector.broadcast %add3A_73 : i32 to vector<16xi32>
    %lt3A_75 = arith.cmpi slt, %get3A_67, %lt3A_74 : vector<16xi32>
    %and3A = arith.andi %ge3A_71, %lt3A_75 : vector<16xi1>
    %ne3A = arith.cmpi ne, %get3A_67, %get3A_70 : vector<16xi32>
    %and3A_76 = arith.andi %and3A, %ne3A : vector<16xi1>
    %add3A_77 = arith.constant 0 : i32
    %add3A_78 = arith.addi %add3A_60, %add3A_77 : i32
    %add3A_79 = vector.broadcast %add3A_78 : i32 to vector<16xi32>
    %add3A_80 = arith.addi %add3A_79, %iota3A : vector<16xi32>
    %add3A_81 = arith.constant 10000 : i32
    %add3A_82 = vector.broadcast %add3A_81 : i32 to vector<16xi32>
    %add3A_83 = arith.addi %get3A_70, %add3A_82 : vector<16xi32>
    %select_n3A = arith.select %lt3A, %add3A_83, %get3A_70 : vector<16xi1>, vector<16xi32>
    %swap3A = arith.constant 0 : index
    %swap3A_84 = tpu.vector_load %arg10[%swap3A] {strides = array<i32>} : memref<80xi32, #tpu.memory_space<vmem>>, vector<16xi32>,
    %swap3A_85 = vector.shape_cast %swap3A_84 : vector<16xi32> to vector<16xi32>
    %swap3A_86 = vector.shape_cast %select_n3A : vector<16xi32> to vector<16xi32>
    tpu.vector_store %arg10[%swap3A], %swap3A_86 {strides = array<i32>} : memref<80xi32, #tpu.memory_space<vmem>>, vector<16xi32>,
    %add3A_87 = arith.constant 320000 : i32
    %add3A_88 = vector.broadcast %add3A_87 : i32 to vector<16xi32>
    %add3A_89 = arith.addi %add3A_80, %add3A_88 : vector<16xi32>
    %select_n3A_90 = arith.select %lt3A, %add3A_89, %add3A_80 : vector<16xi1>, vector<16xi32>
    %swap3A_91 = arith.constant 0 : index
    %swap3A_92 = tpu.vector_load %arg11[%swap3A_91] {strides = array<i32>} : memref<80xi32, #tpu.memory_space<vmem>>, vector<16xi32>,
    %swap3A_93 = vector.shape_cast %swap3A_92 : vector<16xi32> to vector<16xi32>
    %swap3A_94 = vector.shape_cast %select_n3A_90 : vector<16xi32> to vector<16xi32>
    tpu.vector_store %arg11[%swap3A_91], %swap3A_94 {strides = array<i32>} : memref<80xi32, #tpu.memory_space<vmem>>, vector<16xi32>,
    %sub3A = vector.broadcast %mul3A_0 : i32 to vector<16xi32>
    %sub3A_95 = arith.subi %get3A_67, %sub3A : vector<16xi32>
    %mul3A_96 = arith.constant 2 : i32
    %mul3A_97 = vector.broadcast %mul3A_96 : i32 to vector<16xi32>
    %mul3A_98 = arith.muli %sub3A_95, %mul3A_97 : vector<16xi32>
    %add3A_99 = arith.constant 1 : i32
    %add3A_100 = vector.broadcast %add3A_99 : i32 to vector<16xi32>
    %add3A_101 = arith.addi %mul3A_98, %add3A_100 : vector<16xi32>
    %select_n3A_102 = arith.select %lt3A, %add3A_101, %mul3A_98 : vector<16xi1>, vector<16xi32>
    %mul3A_103 = arith.constant 15 : i32
    %mul3A_104 = arith.muli %arg1, %mul3A_103 : i32
    %add3A_105 = arith.constant 10000 : i32
    %add3A_106 = arith.addi %add3A_105, %mul3A_104 : i32
    %add3A_107 = arith.constant 0 : i32
    %add3A_108 = arith.addi %add3A_106, %add3A_107 : i32
    %broadcast_in_dim3A = vector.broadcast %add3A_108 : i32 to vector<16xi32>
    %select_n3A_109 = arith.select %and3A_76, %select_n3A_102, %broadcast_in_dim3A : vector<16xi1>, vector<16xi32>
    %swap3A_110 = arith.constant 0 : index
    %swap3A_111 = tpu.vector_load %arg12[%swap3A_110] {strides = array<i32>} : memref<80xi32, #tpu.memory_space<vmem>>, vector<16xi32>,
    %swap3A_112 = vector.shape_cast %swap3A_111 : vector<16xi32> to vector<16xi32>
    %swap3A_113 = vector.shape_cast %select_n3A_109 : vector<16xi32> to vector<16xi32>
    tpu.vector_store %arg12[%swap3A_110], %swap3A_113 {strides = array<i32>} : memref<80xi32, #tpu.memory_space<vmem>>, vector<16xi32>,
    %get3A_114 = arith.constant 16 : index
    %get3A_115 = tpu.vector_load %arg6[%get3A_114] {strides = array<i32>} : memref<80xi32, #tpu.memory_space<vmem>>, vector<16xi32>,
    %get3A_116 = vector.shape_cast %get3A_115 : vector<16xi32> to vector<16xi32>
    %get3A_117 = arith.constant 16 : index
    %get3A_118 = tpu.vector_load %arg7[%get3A_117] {strides = array<i32>} : memref<80xi32, #tpu.memory_space<vmem>>, vector<16xi32>,
    %get3A_119 = vector.shape_cast %get3A_118 : vector<16xi32> to vector<16xi32>
    %lt3A_120 = arith.cmpi slt, %get3A_116, %get3A_119 : vector<16xi32>
    %ge3A_121 = vector.broadcast %mul3A_0 : i32 to vector<16xi32>
    %ge3A_122 = arith.cmpi sge, %get3A_116, %ge3A_121 : vector<16xi32>
    %add3A_123 = arith.constant 5000 : i32
    %add3A_124 = arith.addi %mul3A_0, %add3A_123 : i32
    %lt3A_125 = vector.broadcast %add3A_124 : i32 to vector<16xi32>
    %lt3A_126 = arith.cmpi slt, %get3A_116, %lt3A_125 : vector<16xi32>
    %and3A_127 = arith.andi %ge3A_122, %lt3A_126 : vector<16xi1>
    %ne3A_128 = arith.cmpi ne, %get3A_116, %get3A_119 : vector<16xi32>
    %and3A_129 = arith.andi %and3A_127, %ne3A_128 : vector<16xi1>
    %add3A_130 = arith.constant 16 : i32
    %add3A_131 = arith.addi %add3A_60, %add3A_130 : i32
    %add3A_132 = vector.broadcast %add3A_131 : i32 to vector<16xi32>
    %add3A_133 = arith.addi %add3A_132, %iota3A : vector<16xi32>
    %add3A_134 = arith.constant 10000 : i32
    %add3A_135 = vector.broadcast %add3A_134 : i32 to vector<16xi32>
    %add3A_136 = arith.addi %get3A_119, %add3A_135 : vector<16xi32>
    %select_n3A_137 = arith.select %lt3A_120, %add3A_136, %get3A_119 : vector<16xi1>, vector<16xi32>
    %swap3A_138 = arith.constant 16 : index
    %swap3A_139 = tpu.vector_load %arg10[%swap3A_138] {strides = array<i32>} : memref<80xi32, #tpu.memory_space<vmem>>, vector<16xi32>,
    %swap3A_140 = vector.shape_cast %swap3A_139 : vector<16xi32> to vector<16xi32>
    %swap3A_141 = vector.shape_cast %select_n3A_137 : vector<16xi32> to vector<16xi32>
    tpu.vector_store %arg10[%swap3A_138], %swap3A_141 {strides = array<i32>} : memref<80xi32, #tpu.memory_space<vmem>>, vector<16xi32>,
    %add3A_142 = arith.constant 320000 : i32
    %add3A_143 = vector.broadcast %add3A_142 : i32 to vector<16xi32>
    %add3A_144 = arith.addi %add3A_133, %add3A_143 : vector<16xi32>
    %select_n3A_145 = arith.select %lt3A_120, %add3A_144, %add3A_133 : vector<16xi1>, vector<16xi32>
    %swap3A_146 = arith.constant 16 : index
    %swap3A_147 = tpu.vector_load %arg11[%swap3A_146] {strides = array<i32>} : memref<80xi32, #tpu.memory_space<vmem>>, vector<16xi32>,
    %swap3A_148 = vector.shape_cast %swap3A_147 : vector<16xi32> to vector<16xi32>
    %swap3A_149 = vector.shape_cast %select_n3A_145 : vector<16xi32> to vector<16xi32>
    tpu.vector_store %arg11[%swap3A_146], %swap3A_149 {strides = array<i32>} : memref<80xi32, #tpu.memory_space<vmem>>, vector<16xi32>,
    %sub3A_150 = vector.broadcast %mul3A_0 : i32 to vector<16xi32>
    %sub3A_151 = arith.subi %get3A_116, %sub3A_150 : vector<16xi32>
    %mul3A_152 = arith.constant 2 : i32
    %mul3A_153 = vector.broadcast %mul3A_152 : i32 to vector<16xi32>
    %mul3A_154 = arith.muli %sub3A_151, %mul3A_153 : vector<16xi32>
    %add3A_155 = arith.constant 1 : i32
    %add3A_156 = vector.broadcast %add3A_155 : i32 to vector<16xi32>
    %add3A_157 = arith.addi %mul3A_154, %add3A_156 : vector<16xi32>
    %select_n3A_158 = arith.select %lt3A_120, %add3A_157, %mul3A_154 : vector<16xi1>, vector<16xi32>
    %mul3A_159 = arith.constant 15 : i32
    %mul3A_160 = arith.muli %arg1, %mul3A_159 : i32
    %add3A_161 = arith.constant 10000 : i32
    %add3A_162 = arith.addi %add3A_161, %mul3A_160 : i32
    %add3A_163 = arith.constant 1 : i32
    %add3A_164 = arith.addi %add3A_162, %add3A_163 : i32
    %broadcast_in_dim3A_165 = vector.broadcast %add3A_164 : i32 to vector<16xi32>
    %select_n3A_166 = arith.select %and3A_129, %select_n3A_158, %broadcast_in_dim3A_165 : vector<16xi1>, vector<16xi32>
    %swap3A_167 = arith.constant 16 : index
    %swap3A_168 = tpu.vector_load %arg12[%swap3A_167] {strides = array<i32>} : memref<80xi32, #tpu.memory_space<vmem>>, vector<16xi32>,
    %swap3A_169 = vector.shape_cast %swap3A_168 : vector<16xi32> to vector<16xi32>
    %swap3A_170 = vector.shape_cast %select_n3A_166 : vector<16xi32> to vector<16xi32>
    tpu.vector_store %arg12[%swap3A_167], %swap3A_170 {strides = array<i32>} : memref<80xi32, #tpu.memory_space<vmem>>, vector<16xi32>,
    %get3A_171 = arith.constant 32 : index
    %get3A_172 = tpu.vector_load %arg6[%get3A_171] {strides = array<i32>} : memref<80xi32, #tpu.memory_space<vmem>>, vector<16xi32>,
    %get3A_173 = vector.shape_cast %get3A_172 : vector<16xi32> to vector<16xi32>
    %get3A_174 = arith.constant 32 : index
    %get3A_175 = tpu.vector_load %arg7[%get3A_174] {strides = array<i32>} : memref<80xi32, #tpu.memory_space<vmem>>, vector<16xi32>,
    %get3A_176 = vector.shape_cast %get3A_175 : vector<16xi32> to vector<16xi32>
    %lt3A_177 = arith.cmpi slt, %get3A_173, %get3A_176 : vector<16xi32>
    %ge3A_178 = vector.broadcast %mul3A_0 : i32 to vector<16xi32>
    %ge3A_179 = arith.cmpi sge, %get3A_173, %ge3A_178 : vector<16xi32>
    %add3A_180 = arith.constant 5000 : i32
    %add3A_181 = arith.addi %mul3A_0, %add3A_180 : i32
    %lt3A_182 = vector.broadcast %add3A_181 : i32 to vector<16xi32>
    %lt3A_183 = arith.cmpi slt, %get3A_173, %lt3A_182 : vector<16xi32>
    %and3A_184 = arith.andi %ge3A_179, %lt3A_183 : vector<16xi1>
    %ne3A_185 = arith.cmpi ne, %get3A_173, %get3A_176 : vector<16xi32>
    %and3A_186 = arith.andi %and3A_184, %ne3A_185 : vector<16xi1>
    %add3A_187 = arith.constant 32 : i32
    %add3A_188 = arith.addi %add3A_60, %add3A_187 : i32
    %add3A_189 = vector.broadcast %add3A_188 : i32 to vector<16xi32>
    %add3A_190 = arith.addi %add3A_189, %iota3A : vector<16xi32>
    %add3A_191 = arith.constant 10000 : i32
    %add3A_192 = vector.broadcast %add3A_191 : i32 to vector<16xi32>
    %add3A_193 = arith.addi %get3A_176, %add3A_192 : vector<16xi32>
    %select_n3A_194 = arith.select %lt3A_177, %add3A_193, %get3A_176 : vector<16xi1>, vector<16xi32>
    %swap3A_195 = arith.constant 32 : index
    %swap3A_196 = tpu.vector_load %arg10[%swap3A_195] {strides = array<i32>} : memref<80xi32, #tpu.memory_space<vmem>>, vector<16xi32>,
    %swap3A_197 = vector.shape_cast %swap3A_196 : vector<16xi32> to vector<16xi32>
    %swap3A_198 = vector.shape_cast %select_n3A_194 : vector<16xi32> to vector<16xi32>
    tpu.vector_store %arg10[%swap3A_195], %swap3A_198 {strides = array<i32>} : memref<80xi32, #tpu.memory_space<vmem>>, vector<16xi32>,
    %add3A_199 = arith.constant 320000 : i32
    %add3A_200 = vector.broadcast %add3A_199 : i32 to vector<16xi32>
    %add3A_201 = arith.addi %add3A_190, %add3A_200 : vector<16xi32>
    %select_n3A_202 = arith.select %lt3A_177, %add3A_201, %add3A_190 : vector<16xi1>, vector<16xi32>
    %swap3A_203 = arith.constant 32 : index
    %swap3A_204 = tpu.vector_load %arg11[%swap3A_203] {strides = array<i32>} : memref<80xi32, #tpu.memory_space<vmem>>, vector<16xi32>,
    %swap3A_205 = vector.shape_cast %swap3A_204 : vector<16xi32> to vector<16xi32>
    %swap3A_206 = vector.shape_cast %select_n3A_202 : vector<16xi32> to vector<16xi32>
    tpu.vector_store %arg11[%swap3A_203], %swap3A_206 {strides = array<i32>} : memref<80xi32, #tpu.memory_space<vmem>>, vector<16xi32>,
    %sub3A_207 = vector.broadcast %mul3A_0 : i32 to vector<16xi32>
    %sub3A_208 = arith.subi %get3A_173, %sub3A_207 : vector<16xi32>
    %mul3A_209 = arith.constant 2 : i32
    %mul3A_210 = vector.broadcast %mul3A_209 : i32 to vector<16xi32>
    %mul3A_211 = arith.muli %sub3A_208, %mul3A_210 : vector<16xi32>
    %add3A_212 = arith.constant 1 : i32
    %add3A_213 = vector.broadcast %add3A_212 : i32 to vector<16xi32>
    %add3A_214 = arith.addi %mul3A_211, %add3A_213 : vector<16xi32>
    %select_n3A_215 = arith.select %lt3A_177, %add3A_214, %mul3A_211 : vector<16xi1>, vector<16xi32>
    %mul3A_216 = arith.constant 15 : i32
    %mul3A_217 = arith.muli %arg1, %mul3A_216 : i32
    %add3A_218 = arith.constant 10000 : i32
    %add3A_219 = arith.addi %add3A_218, %mul3A_217 : i32
    %add3A_220 = arith.constant 2 : i32
    %add3A_221 = arith.addi %add3A_219, %add3A_220 : i32
    %broadcast_in_dim3A_222 = vector.broadcast %add3A_221 : i32 to vector<16xi32>
    %select_n3A_223 = arith.select %and3A_186, %select_n3A_215, %broadcast_in_dim3A_222 : vector<16xi1>, vector<16xi32>
    %swap3A_224 = arith.constant 32 : index
    %swap3A_225 = tpu.vector_load %arg12[%swap3A_224] {strides = array<i32>} : memref<80xi32, #tpu.memory_space<vmem>>, vector<16xi32>,
    %swap3A_226 = vector.shape_cast %swap3A_225 : vector<16xi32> to vector<16xi32>
    %swap3A_227 = vector.shape_cast %select_n3A_223 : vector<16xi32> to vector<16xi32>
    tpu.vector_store %arg12[%swap3A_224], %swap3A_227 {strides = array<i32>} : memref<80xi32, #tpu.memory_space<vmem>>, vector<16xi32>,
    %get3A_228 = arith.constant 48 : index
    %get3A_229 = tpu.vector_load %arg6[%get3A_228] {strides = array<i32>} : memref<80xi32, #tpu.memory_space<vmem>>, vector<16xi32>,
    %get3A_230 = vector.shape_cast %get3A_229 : vector<16xi32> to vector<16xi32>
    %get3A_231 = arith.constant 48 : index
    %get3A_232 = tpu.vector_load %arg7[%get3A_231] {strides = array<i32>} : memref<80xi32, #tpu.memory_space<vmem>>, vector<16xi32>,
    %get3A_233 = vector.shape_cast %get3A_232 : vector<16xi32> to vector<16xi32>
    %lt3A_234 = arith.cmpi slt, %get3A_230, %get3A_233 : vector<16xi32>
    %ge3A_235 = vector.broadcast %mul3A_0 : i32 to vector<16xi32>
    %ge3A_236 = arith.cmpi sge, %get3A_230, %ge3A_235 : vector<16xi32>
    %add3A_237 = arith.constant 5000 : i32
    %add3A_238 = arith.addi %mul3A_0, %add3A_237 : i32
    %lt3A_239 = vector.broadcast %add3A_238 : i32 to vector<16xi32>
    %lt3A_240 = arith.cmpi slt, %get3A_230, %lt3A_239 : vector<16xi32>
    %and3A_241 = arith.andi %ge3A_236, %lt3A_240 : vector<16xi1>
    %ne3A_242 = arith.cmpi ne, %get3A_230, %get3A_233 : vector<16xi32>
    %and3A_243 = arith.andi %and3A_241, %ne3A_242 : vector<16xi1>
    %add3A_244 = arith.constant 48 : i32
    %add3A_245 = arith.addi %add3A_60, %add3A_244 : i32
    %add3A_246 = vector.broadcast %add3A_245 : i32 to vector<16xi32>
    %add3A_247 = arith.addi %add3A_246, %iota3A : vector<16xi32>
    %add3A_248 = arith.constant 10000 : i32
    %add3A_249 = vector.broadcast %add3A_248 : i32 to vector<16xi32>
    %add3A_250 = arith.addi %get3A_233, %add3A_249 : vector<16xi32>
    %select_n3A_251 = arith.select %lt3A_234, %add3A_250, %get3A_233 : vector<16xi1>, vector<16xi32>
    %swap3A_252 = arith.constant 48 : index
    %swap3A_253 = tpu.vector_load %arg10[%swap3A_252] {strides = array<i32>} : memref<80xi32, #tpu.memory_space<vmem>>, vector<16xi32>,
    %swap3A_254 = vector.shape_cast %swap3A_253 : vector<16xi32> to vector<16xi32>
    %swap3A_255 = vector.shape_cast %select_n3A_251 : vector<16xi32> to vector<16xi32>
    tpu.vector_store %arg10[%swap3A_252], %swap3A_255 {strides = array<i32>} : memref<80xi32, #tpu.memory_space<vmem>>, vector<16xi32>,
    %add3A_256 = arith.constant 320000 : i32
    %add3A_257 = vector.broadcast %add3A_256 : i32 to vector<16xi32>
    %add3A_258 = arith.addi %add3A_247, %add3A_257 : vector<16xi32>
    %select_n3A_259 = arith.select %lt3A_234, %add3A_258, %add3A_247 : vector<16xi1>, vector<16xi32>
    %swap3A_260 = arith.constant 48 : index
    %swap3A_261 = tpu.vector_load %arg11[%swap3A_260] {strides = array<i32>} : memref<80xi32, #tpu.memory_space<vmem>>, vector<16xi32>,
    %swap3A_262 = vector.shape_cast %swap3A_261 : vector<16xi32> to vector<16xi32>
    %swap3A_263 = vector.shape_cast %select_n3A_259 : vector<16xi32> to vector<16xi32>
    tpu.vector_store %arg11[%swap3A_260], %swap3A_263 {strides = array<i32>} : memref<80xi32, #tpu.memory_space<vmem>>, vector<16xi32>,
    %sub3A_264 = vector.broadcast %mul3A_0 : i32 to vector<16xi32>
    %sub3A_265 = arith.subi %get3A_230, %sub3A_264 : vector<16xi32>
    %mul3A_266 = arith.constant 2 : i32
    %mul3A_267 = vector.broadcast %mul3A_266 : i32 to vector<16xi32>
    %mul3A_268 = arith.muli %sub3A_265, %mul3A_267 : vector<16xi32>
    %add3A_269 = arith.constant 1 : i32
    %add3A_270 = vector.broadcast %add3A_269 : i32 to vector<16xi32>
    %add3A_271 = arith.addi %mul3A_268, %add3A_270 : vector<16xi32>
    %select_n3A_272 = arith.select %lt3A_234, %add3A_271, %mul3A_268 : vector<16xi1>, vector<16xi32>
    %mul3A_273 = arith.constant 15 : i32
    %mul3A_274 = arith.muli %arg1, %mul3A_273 : i32
    %add3A_275 = arith.constant 10000 : i32
    %add3A_276 = arith.addi %add3A_275, %mul3A_274 : i32
    %add3A_277 = arith.constant 3 : i32
    %add3A_278 = arith.addi %add3A_276, %add3A_277 : i32
    %broadcast_in_dim3A_279 = vector.broadcast %add3A_278 : i32 to vector<16xi32>
    %select_n3A_280 = arith.select %and3A_243, %select_n3A_272, %broadcast_in_dim3A_279 : vector<16xi1>, vector<16xi32>
    %swap3A_281 = arith.constant 48 : index
    %swap3A_282 = tpu.vector_load %arg12[%swap3A_281] {strides = array<i32>} : memref<80xi32, #tpu.memory_space<vmem>>, vector<16xi32>,
    %swap3A_283 = vector.shape_cast %swap3A_282 : vector<16xi32> to vector<16xi32>
    %swap3A_284 = vector.shape_cast %select_n3A_280 : vector<16xi32> to vector<16xi32>
    tpu.vector_store %arg12[%swap3A_281], %swap3A_284 {strides = array<i32>} : memref<80xi32, #tpu.memory_space<vmem>>, vector<16xi32>,
    %get3A_285 = arith.constant 64 : index
    %get3A_286 = tpu.vector_load %arg6[%get3A_285] {strides = array<i32>} : memref<80xi32, #tpu.memory_space<vmem>>, vector<16xi32>,
    %get3A_287 = vector.shape_cast %get3A_286 : vector<16xi32> to vector<16xi32>
    %get3A_288 = arith.constant 64 : index
    %get3A_289 = tpu.vector_load %arg7[%get3A_288] {strides = array<i32>} : memref<80xi32, #tpu.memory_space<vmem>>, vector<16xi32>,
    %get3A_290 = vector.shape_cast %get3A_289 : vector<16xi32> to vector<16xi32>
    %lt3A_291 = arith.cmpi slt, %get3A_287, %get3A_290 : vector<16xi32>
    %ge3A_292 = vector.broadcast %mul3A_0 : i32 to vector<16xi32>
    %ge3A_293 = arith.cmpi sge, %get3A_287, %ge3A_292 : vector<16xi32>
    %add3A_294 = arith.constant 5000 : i32
    %add3A_295 = arith.addi %mul3A_0, %add3A_294 : i32
    %lt3A_296 = vector.broadcast %add3A_295 : i32 to vector<16xi32>
    %lt3A_297 = arith.cmpi slt, %get3A_287, %lt3A_296 : vector<16xi32>
    %and3A_298 = arith.andi %ge3A_293, %lt3A_297 : vector<16xi1>
    %ne3A_299 = arith.cmpi ne, %get3A_287, %get3A_290 : vector<16xi32>
    %and3A_300 = arith.andi %and3A_298, %ne3A_299 : vector<16xi1>
    %add3A_301 = arith.constant 64 : i32
    %add3A_302 = arith.addi %add3A_60, %add3A_301 : i32
    %add3A_303 = vector.broadcast %add3A_302 : i32 to vector<16xi32>
    %add3A_304 = arith.addi %add3A_303, %iota3A : vector<16xi32>
    %add3A_305 = arith.constant 10000 : i32
    %add3A_306 = vector.broadcast %add3A_305 : i32 to vector<16xi32>
    %add3A_307 = arith.addi %get3A_290, %add3A_306 : vector<16xi32>
    %select_n3A_308 = arith.select %lt3A_291, %add3A_307, %get3A_290 : vector<16xi1>, vector<16xi32>
    %swap3A_309 = arith.constant 64 : index
    %swap3A_310 = tpu.vector_load %arg10[%swap3A_309] {strides = array<i32>} : memref<80xi32, #tpu.memory_space<vmem>>, vector<16xi32>,
    %swap3A_311 = vector.shape_cast %swap3A_310 : vector<16xi32> to vector<16xi32>
    %swap3A_312 = vector.shape_cast %select_n3A_308 : vector<16xi32> to vector<16xi32>
    tpu.vector_store %arg10[%swap3A_309], %swap3A_312 {strides = array<i32>} : memref<80xi32, #tpu.memory_space<vmem>>, vector<16xi32>,
    %add3A_313 = arith.constant 320000 : i32
    %add3A_314 = vector.broadcast %add3A_313 : i32 to vector<16xi32>
    %add3A_315 = arith.addi %add3A_304, %add3A_314 : vector<16xi32>
    %select_n3A_316 = arith.select %lt3A_291, %add3A_315, %add3A_304 : vector<16xi1>, vector<16xi32>
    %swap3A_317 = arith.constant 64 : index
    %swap3A_318 = tpu.vector_load %arg11[%swap3A_317] {strides = array<i32>} : memref<80xi32, #tpu.memory_space<vmem>>, vector<16xi32>,
    %swap3A_319 = vector.shape_cast %swap3A_318 : vector<16xi32> to vector<16xi32>
    %swap3A_320 = vector.shape_cast %select_n3A_316 : vector<16xi32> to vector<16xi32>
    tpu.vector_store %arg11[%swap3A_317], %swap3A_320 {strides = array<i32>} : memref<80xi32, #tpu.memory_space<vmem>>, vector<16xi32>,
    %sub3A_321 = vector.broadcast %mul3A_0 : i32 to vector<16xi32>
    %sub3A_322 = arith.subi %get3A_287, %sub3A_321 : vector<16xi32>
    %mul3A_323 = arith.constant 2 : i32
    %mul3A_324 = vector.broadcast %mul3A_323 : i32 to vector<16xi32>
    %mul3A_325 = arith.muli %sub3A_322, %mul3A_324 : vector<16xi32>
    %add3A_326 = arith.constant 1 : i32
    %add3A_327 = vector.broadcast %add3A_326 : i32 to vector<16xi32>
    %add3A_328 = arith.addi %mul3A_325, %add3A_327 : vector<16xi32>
    %select_n3A_329 = arith.select %lt3A_291, %add3A_328, %mul3A_325 : vector<16xi1>, vector<16xi32>
    %mul3A_330 = arith.constant 15 : i32
    %mul3A_331 = arith.muli %arg1, %mul3A_330 : i32
    %add3A_332 = arith.constant 10000 : i32
    %add3A_333 = arith.addi %add3A_332, %mul3A_331 : i32
    %add3A_334 = arith.constant 4 : i32
    %add3A_335 = arith.addi %add3A_333, %add3A_334 : i32
    %broadcast_in_dim3A_336 = vector.broadcast %add3A_335 : i32 to vector<16xi32>
    %select_n3A_337 = arith.select %and3A_300, %select_n3A_329, %broadcast_in_dim3A_336 : vector<16xi1>, vector<16xi32>
    %swap3A_338 = arith.constant 64 : index
    %swap3A_339 = tpu.vector_load %arg12[%swap3A_338] {strides = array<i32>} : memref<80xi32, #tpu.memory_space<vmem>>, vector<16xi32>,
    %swap3A_340 = vector.shape_cast %swap3A_339 : vector<16xi32> to vector<16xi32>
    %swap3A_341 = vector.shape_cast %select_n3A_337 : vector<16xi32> to vector<16xi32>
    tpu.vector_store %arg12[%swap3A_338], %swap3A_341 {strides = array<i32>} : memref<80xi32, #tpu.memory_space<vmem>>, vector<16xi32>,
    %dma_start3A_342 = arith.constant 0 : i32
    %dma_start3A_343 = arith.constant 0 : i32
    %dma_start3A_344 = tpu.memref_slice %arg2[%dma_start3A_342, %dma_start3A_343] : memref<20000x128xf32, #tpu.memory_space<hbm>> -> memref<20000x128xf32, #tpu.memory_space<hbm>>
    tpu.enqueue_indirect_dma source(%dma_start3A_344 : memref<20000x128xf32, #tpu.memory_space<hbm>>) target(%arg16 : memref<80x128xf32, #tpu.memory_space<vmem>>) offsets(%arg10 : memref<80xi32, #tpu.memory_space<vmem>>) semaphore(%arg22 : memref<!tpu.dma_semaphore, #tpu.memory_space<semaphore_mem>>)
    %dma_start3A_345 = arith.constant 0 : i32
    %dma_start3A_346 = arith.constant 0 : i32
    %dma_start3A_347 = tpu.memref_slice %arg3[%dma_start3A_345, %dma_start3A_346] : memref<640000x128xf32, #tpu.memory_space<hbm>> -> memref<640000x128xf32, #tpu.memory_space<hbm>>
    tpu.enqueue_indirect_dma source(%dma_start3A_347 : memref<640000x128xf32, #tpu.memory_space<hbm>>) target(%arg17 : memref<80x128xf32, #tpu.memory_space<vmem>>) offsets(%arg11 : memref<80xi32, #tpu.memory_space<vmem>>) semaphore(%arg22 : memref<!tpu.dma_semaphore, #tpu.memory_space<semaphore_mem>>)
    %mul3A_348 = arith.constant 20000 : i32
    %mul3A_349 = arith.muli %arg1, %mul3A_348 : i32
    %add3A_350 = arith.constant 80 : i32
    %add3A_351 = arith.addi %mul3A_349, %add3A_350 : i32
    %dma_start3A_352 = tpu.memref_slice %arg4[%add3A_351] : memref<640000xi32, #tpu.memory_space<hbm>> -> memref<80xi32, #tpu.memory_space<hbm>>
    %dma_start3A_353 = tpu.memref_slice %arg4[%add3A_351] : memref<640000xi32, #tpu.memory_space<hbm>> -> memref<80xi32, #tpu.memory_space<hbm>>
    tpu.enqueue_dma source(%dma_start3A_353 : memref<80xi32, #tpu.memory_space<hbm>>) target(%arg8 : memref<80xi32, #tpu.memory_space<vmem>>) target_semaphore(%arg25 : memref<!tpu.dma_semaphore, #tpu.memory_space<semaphore_mem>>)
    %add3A_354 = arith.constant 320000 : i32
    %add3A_355 = arith.addi %add3A_354, %add3A_351 : i32
    %dma_start3A_356 = tpu.memref_slice %arg4[%add3A_355] : memref<640000xi32, #tpu.memory_space<hbm>> -> memref<80xi32, #tpu.memory_space<hbm>>
    %dma_start3A_357 = tpu.memref_slice %arg4[%add3A_355] : memref<640000xi32, #tpu.memory_space<hbm>> -> memref<80xi32, #tpu.memory_space<hbm>>
    tpu.enqueue_dma source(%dma_start3A_357 : memref<80xi32, #tpu.memory_space<hbm>>) target(%arg9 : memref<80xi32, #tpu.memory_space<vmem>>) target_semaphore(%arg25 : memref<!tpu.dma_semaphore, #tpu.memory_space<semaphore_mem>>)
    %scan3A_358 = arith.constant 0 : i32
    %scan3A_359 = arith.constant 0 : i32
    %scan3A_360 = arith.constant 125 : i32
    %scan3A_361 = arith.addi %scan3A_359, %scan3A_360 : i32
    %scan3A_362 = arith.constant 1 : i32
    %scan3A_363 = scf.for %scan3A_375 = %scan3A_359 to %scan3A_361 step %scan3A_362 iter_args(%scan3A_376 = %scan3A_358) -> (i32)  : i32 {
      %mul3A_377 = arith.constant 2 : i32
      %mul3A_378 = arith.muli %scan3A_375, %mul3A_377 : i32
      %add3A_379 = arith.constant 1 : i32
      %add3A_380 = arith.addi %mul3A_378, %add3A_379 : i32
      %mul3A_381 = arith.constant 20000 : i32
      %mul3A_382 = arith.muli %arg1, %mul3A_381 : i32
      %mul3A_383 = arith.constant 80 : i32
      %mul3A_384 = arith.muli %add3A_380, %mul3A_383 : i32
      %add3A_385 = arith.addi %mul3A_382, %mul3A_384 : i32
      %dma_wait3A_386 = tpu.memref_slice %arg4[%add3A_385] : memref<640000xi32, #tpu.memory_space<hbm>> -> memref<80xi32, #tpu.memory_space<hbm>>
      %dma_wait3A_387 = tpu.memref_slice %arg4[%add3A_385] : memref<640000xi32, #tpu.memory_space<hbm>> -> memref<80xi32, #tpu.memory_space<hbm>>
      tpu.wait_dma2 semaphore(%arg25 : memref<!tpu.dma_semaphore, #tpu.memory_space<semaphore_mem>>) src(%dma_wait3A_387 : memref<80xi32, #tpu.memory_space<hbm>>) dst(%arg8 : memref<80xi32, #tpu.memory_space<vmem>>)
      %add3A_388 = arith.constant 320000 : i32
      %add3A_389 = arith.addi %add3A_388, %add3A_385 : i32
      %dma_wait3A_390 = tpu.memref_slice %arg4[%add3A_389] : memref<640000xi32, #tpu.memory_space<hbm>> -> memref<80xi32, #tpu.memory_space<hbm>>
      %dma_wait3A_391 = tpu.memref_slice %arg4[%add3A_389] : memref<640000xi32, #tpu.memory_space<hbm>> -> memref<80xi32, #tpu.memory_space<hbm>>
      tpu.wait_dma2 semaphore(%arg25 : memref<!tpu.dma_semaphore, #tpu.memory_space<semaphore_mem>>) src(%dma_wait3A_391 : memref<80xi32, #tpu.memory_space<hbm>>) dst(%arg9 : memref<80xi32, #tpu.memory_space<vmem>>)
      %get3A_392 = arith.constant 0 : index
      %get3A_393 = tpu.vector_load %arg8[%get3A_392] {strides = array<i32>} : memref<80xi32, #tpu.memory_space<vmem>>, vector<16xi32>,
      %get3A_394 = vector.shape_cast %get3A_393 : vector<16xi32> to vector<16xi32>
      %get3A_395 = arith.constant 0 : index
      %get3A_396 = tpu.vector_load %arg9[%get3A_395] {strides = array<i32>} : memref<80xi32, #tpu.memory_space<vmem>>, vector<16xi32>,
      %get3A_397 = vector.shape_cast %get3A_396 : vector<16xi32> to vector<16xi32>
      %lt3A_398 = arith.cmpi slt, %get3A_394, %get3A_397 : vector<16xi32>
      %ge3A_399 = vector.broadcast %mul3A_0 : i32 to vector<16xi32>
      %ge3A_400 = arith.cmpi sge, %get3A_394, %ge3A_399 : vector<16xi32>
      %add3A_401 = arith.constant 5000 : i32
      %add3A_402 = arith.addi %mul3A_0, %add3A_401 : i32
      %lt3A_403 = vector.broadcast %add3A_402 : i32 to vector<16xi32>
      %lt3A_404 = arith.cmpi slt, %get3A_394, %lt3A_403 : vector<16xi32>
      %and3A_405 = arith.andi %ge3A_400, %lt3A_404 : vector<16xi1>
      %ne3A_406 = arith.cmpi ne, %get3A_394, %get3A_397 : vector<16xi32>
      %and3A_407 = arith.andi %and3A_405, %ne3A_406 : vector<16xi1>
      %add3A_408 = arith.constant 0 : i32
      %add3A_409 = arith.addi %add3A_385, %add3A_408 : i32
      %add3A_410 = vector.broadcast %add3A_409 : i32 to vector<16xi32>
      %add3A_411 = arith.addi %add3A_410, %iota3A : vector<16xi32>
      %add3A_412 = arith.constant 10000 : i32
      %add3A_413 = vector.broadcast %add3A_412 : i32 to vector<16xi32>
      %add3A_414 = arith.addi %get3A_397, %add3A_413 : vector<16xi32>
      %select_n3A_415 = arith.select %lt3A_398, %add3A_414, %get3A_397 : vector<16xi1>, vector<16xi32>
      %swap3A_416 = arith.constant 0 : index
      %swap3A_417 = tpu.vector_load %arg13[%swap3A_416] {strides = array<i32>} : memref<80xi32, #tpu.memory_space<vmem>>, vector<16xi32>,
      %swap3A_418 = vector.shape_cast %swap3A_417 : vector<16xi32> to vector<16xi32>
      %swap3A_419 = vector.shape_cast %select_n3A_415 : vector<16xi32> to vector<16xi32>
      tpu.vector_store %arg13[%swap3A_416], %swap3A_419 {strides = array<i32>} : memref<80xi32, #tpu.memory_space<vmem>>, vector<16xi32>,
      %add3A_420 = arith.constant 320000 : i32
      %add3A_421 = vector.broadcast %add3A_420 : i32 to vector<16xi32>
      %add3A_422 = arith.addi %add3A_411, %add3A_421 : vector<16xi32>
      %select_n3A_423 = arith.select %lt3A_398, %add3A_422, %add3A_411 : vector<16xi1>, vector<16xi32>
      %swap3A_424 = arith.constant 0 : index
      %swap3A_425 = tpu.vector_load %arg14[%swap3A_424] {strides = array<i32>} : memref<80xi32, #tpu.memory_space<vmem>>, vector<16xi32>,
      %swap3A_426 = vector.shape_cast %swap3A_425 : vector<16xi32> to vector<16xi32>
      %swap3A_427 = vector.shape_cast %select_n3A_423 : vector<16xi32> to vector<16xi32>
      tpu.vector_store %arg14[%swap3A_424], %swap3A_427 {strides = array<i32>} : memref<80xi32, #tpu.memory_space<vmem>>, vector<16xi32>,
      %sub3A_428 = vector.broadcast %mul3A_0 : i32 to vector<16xi32>
      %sub3A_429 = arith.subi %get3A_394, %sub3A_428 : vector<16xi32>
      %mul3A_430 = arith.constant 2 : i32
      %mul3A_431 = vector.broadcast %mul3A_430 : i32 to vector<16xi32>
      %mul3A_432 = arith.muli %sub3A_429, %mul3A_431 : vector<16xi32>
      %add3A_433 = arith.constant 1 : i32
      %add3A_434 = vector.broadcast %add3A_433 : i32 to vector<16xi32>
      %add3A_435 = arith.addi %mul3A_432, %add3A_434 : vector<16xi32>
      %select_n3A_436 = arith.select %lt3A_398, %add3A_435, %mul3A_432 : vector<16xi1>, vector<16xi32>
      %mul3A_437 = arith.constant 15 : i32
      %mul3A_438 = arith.muli %arg1, %mul3A_437 : i32
      %add3A_439 = arith.constant 10000 : i32
      %add3A_440 = arith.addi %add3A_439, %mul3A_438 : i32
      %add3A_441 = arith.constant 0 : i32
      %add3A_442 = arith.addi %add3A_440, %add3A_441 : i32
      %broadcast_in_dim3A_443 = vector.broadcast %add3A_442 : i32 to vector<16xi32>
      %select_n3A_444 = arith.select %and3A_407, %select_n3A_436, %broadcast_in_dim3A_443 : vector<16xi1>, vector<16xi32>
      %swap3A_445 = arith.constant 0 : index
      %swap3A_446 = tpu.vector_load %arg15[%swap3A_445] {strides = array<i32>} : memref<80xi32, #tpu.memory_space<vmem>>, vector<16xi32>,
      %swap3A_447 = vector.shape_cast %swap3A_446 : vector<16xi32> to vector<16xi32>
      %swap3A_448 = vector.shape_cast %select_n3A_444 : vector<16xi32> to vector<16xi32>
      tpu.vector_store %arg15[%swap3A_445], %swap3A_448 {strides = array<i32>} : memref<80xi32, #tpu.memory_space<vmem>>, vector<16xi32>,
      %get3A_449 = arith.constant 16 : index
      %get3A_450 = tpu.vector_load %arg8[%get3A_449] {strides = array<i32>} : memref<80xi32, #tpu.memory_space<vmem>>, vector<16xi32>,
      %get3A_451 = vector.shape_cast %get3A_450 : vector<16xi32> to vector<16xi32>
      %get3A_452 = arith.constant 16 : index
      %get3A_453 = tpu.vector_load %arg9[%get3A_452] {strides = array<i32>} : memref<80xi32, #tpu.memory_space<vmem>>, vector<16xi32>,
      %get3A_454 = vector.shape_cast %get3A_453 : vector<16xi32> to vector<16xi32>
      %lt3A_455 = arith.cmpi slt, %get3A_451, %get3A_454 : vector<16xi32>
      %ge3A_456 = vector.broadcast %mul3A_0 : i32 to vector<16xi32>
      %ge3A_457 = arith.cmpi sge, %get3A_451, %ge3A_456 : vector<16xi32>
      %add3A_458 = arith.constant 5000 : i32
      %add3A_459 = arith.addi %mul3A_0, %add3A_458 : i32
      %lt3A_460 = vector.broadcast %add3A_459 : i32 to vector<16xi32>
      %lt3A_461 = arith.cmpi slt, %get3A_451, %lt3A_460 : vector<16xi32>
      %and3A_462 = arith.andi %ge3A_457, %lt3A_461 : vector<16xi1>
      %ne3A_463 = arith.cmpi ne, %get3A_451, %get3A_454 : vector<16xi32>
      %and3A_464 = arith.andi %and3A_462, %ne3A_463 : vector<16xi1>
      %add3A_465 = arith.constant 16 : i32
      %add3A_466 = arith.addi %add3A_385, %add3A_465 : i32
      %add3A_467 = vector.broadcast %add3A_466 : i32 to vector<16xi32>
      %add3A_468 = arith.addi %add3A_467, %iota3A : vector<16xi32>
      %add3A_469 = arith.constant 10000 : i32
      %add3A_470 = vector.broadcast %add3A_469 : i32 to vector<16xi32>
      %add3A_471 = arith.addi %get3A_454, %add3A_470 : vector<16xi32>
      %select_n3A_472 = arith.select %lt3A_455, %add3A_471, %get3A_454 : vector<16xi1>, vector<16xi32>
      %swap3A_473 = arith.constant 16 : index
      %swap3A_474 = tpu.vector_load %arg13[%swap3A_473] {strides = array<i32>} : memref<80xi32, #tpu.memory_space<vmem>>, vector<16xi32>,
      %swap3A_475 = vector.shape_cast %swap3A_474 : vector<16xi32> to vector<16xi32>
      %swap3A_476 = vector.shape_cast %select_n3A_472 : vector<16xi32> to vector<16xi32>
      tpu.vector_store %arg13[%swap3A_473], %swap3A_476 {strides = array<i32>} : memref<80xi32, #tpu.memory_space<vmem>>, vector<16xi32>,
      %add3A_477 = arith.constant 320000 : i32
      %add3A_478 = vector.broadcast %add3A_477 : i32 to vector<16xi32>
      %add3A_479 = arith.addi %add3A_468, %add3A_478 : vector<16xi32>
      %select_n3A_480 = arith.select %lt3A_455, %add3A_479, %add3A_468 : vector<16xi1>, vector<16xi32>
      %swap3A_481 = arith.constant 16 : index
      %swap3A_482 = tpu.vector_load %arg14[%swap3A_481] {strides = array<i32>} : memref<80xi32, #tpu.memory_space<vmem>>, vector<16xi32>,
      %swap3A_483 = vector.shape_cast %swap3A_482 : vector<16xi32> to vector<16xi32>
      %swap3A_484 = vector.shape_cast %select_n3A_480 : vector<16xi32> to vector<16xi32>
      tpu.vector_store %arg14[%swap3A_481], %swap3A_484 {strides = array<i32>} : memref<80xi32, #tpu.memory_space<vmem>>, vector<16xi32>,
      %sub3A_485 = vector.broadcast %mul3A_0 : i32 to vector<16xi32>
      %sub3A_486 = arith.subi %get3A_451, %sub3A_485 : vector<16xi32>
      %mul3A_487 = arith.constant 2 : i32
      %mul3A_488 = vector.broadcast %mul3A_487 : i32 to vector<16xi32>
      %mul3A_489 = arith.muli %sub3A_486, %mul3A_488 : vector<16xi32>
      %add3A_490 = arith.constant 1 : i32
      %add3A_491 = vector.broadcast %add3A_490 : i32 to vector<16xi32>
      %add3A_492 = arith.addi %mul3A_489, %add3A_491 : vector<16xi32>
      %select_n3A_493 = arith.select %lt3A_455, %add3A_492, %mul3A_489 : vector<16xi1>, vector<16xi32>
      %mul3A_494 = arith.constant 15 : i32
      %mul3A_495 = arith.muli %arg1, %mul3A_494 : i32
      %add3A_496 = arith.constant 10000 : i32
      %add3A_497 = arith.addi %add3A_496, %mul3A_495 : i32
      %add3A_498 = arith.constant 1 : i32
      %add3A_499 = arith.addi %add3A_497, %add3A_498 : i32
      %broadcast_in_dim3A_500 = vector.broadcast %add3A_499 : i32 to vector<16xi32>
      %select_n3A_501 = arith.select %and3A_464, %select_n3A_493, %broadcast_in_dim3A_500 : vector<16xi1>, vector<16xi32>
      %swap3A_502 = arith.constant 16 : index
      %swap3A_503 = tpu.vector_load %arg15[%swap3A_502] {strides = array<i32>} : memref<80xi32, #tpu.memory_space<vmem>>, vector<16xi32>,
      %swap3A_504 = vector.shape_cast %swap3A_503 : vector<16xi32> to vector<16xi32>
      %swap3A_505 = vector.shape_cast %select_n3A_501 : vector<16xi32> to vector<16xi32>
      tpu.vector_store %arg15[%swap3A_502], %swap3A_505 {strides = array<i32>} : memref<80xi32, #tpu.memory_space<vmem>>, vector<16xi32>,
      %get3A_506 = arith.constant 32 : index
      %get3A_507 = tpu.vector_load %arg8[%get3A_506] {strides = array<i32>} : memref<80xi32, #tpu.memory_space<vmem>>, vector<16xi32>,
      %get3A_508 = vector.shape_cast %get3A_507 : vector<16xi32> to vector<16xi32>
      %get3A_509 = arith.constant 32 : index
      %get3A_510 = tpu.vector_load %arg9[%get3A_509] {strides = array<i32>} : memref<80xi32, #tpu.memory_space<vmem>>, vector<16xi32>,
      %get3A_511 = vector.shape_cast %get3A_510 : vector<16xi32> to vector<16xi32>
      %lt3A_512 = arith.cmpi slt, %get3A_508, %get3A_511 : vector<16xi32>
      %ge3A_513 = vector.broadcast %mul3A_0 : i32 to vector<16xi32>
      %ge3A_514 = arith.cmpi sge, %get3A_508, %ge3A_513 : vector<16xi32>
      %add3A_515 = arith.constant 5000 : i32
      %add3A_516 = arith.addi %mul3A_0, %add3A_515 : i32
      %lt3A_517 = vector.broadcast %add3A_516 : i32 to vector<16xi32>
      %lt3A_518 = arith.cmpi slt, %get3A_508, %lt3A_517 : vector<16xi32>
      %and3A_519 = arith.andi %ge3A_514, %lt3A_518 : vector<16xi1>
      %ne3A_520 = arith.cmpi ne, %get3A_508, %get3A_511 : vector<16xi32>
      %and3A_521 = arith.andi %and3A_519, %ne3A_520 : vector<16xi1>
      %add3A_522 = arith.constant 32 : i32
      %add3A_523 = arith.addi %add3A_385, %add3A_522 : i32
      %add3A_524 = vector.broadcast %add3A_523 : i32 to vector<16xi32>
      %add3A_525 = arith.addi %add3A_524, %iota3A : vector<16xi32>
      %add3A_526 = arith.constant 10000 : i32
      %add3A_527 = vector.broadcast %add3A_526 : i32 to vector<16xi32>
      %add3A_528 = arith.addi %get3A_511, %add3A_527 : vector<16xi32>
      %select_n3A_529 = arith.select %lt3A_512, %add3A_528, %get3A_511 : vector<16xi1>, vector<16xi32>
      %swap3A_530 = arith.constant 32 : index
      %swap3A_531 = tpu.vector_load %arg13[%swap3A_530] {strides = array<i32>} : memref<80xi32, #tpu.memory_space<vmem>>, vector<16xi32>,
      %swap3A_532 = vector.shape_cast %swap3A_531 : vector<16xi32> to vector<16xi32>
      %swap3A_533 = vector.shape_cast %select_n3A_529 : vector<16xi32> to vector<16xi32>
      tpu.vector_store %arg13[%swap3A_530], %swap3A_533 {strides = array<i32>} : memref<80xi32, #tpu.memory_space<vmem>>, vector<16xi32>,
      %add3A_534 = arith.constant 320000 : i32
      %add3A_535 = vector.broadcast %add3A_534 : i32 to vector<16xi32>
      %add3A_536 = arith.addi %add3A_525, %add3A_535 : vector<16xi32>
      %select_n3A_537 = arith.select %lt3A_512, %add3A_536, %add3A_525 : vector<16xi1>, vector<16xi32>
      %swap3A_538 = arith.constant 32 : index
      %swap3A_539 = tpu.vector_load %arg14[%swap3A_538] {strides = array<i32>} : memref<80xi32, #tpu.memory_space<vmem>>, vector<16xi32>,
      %swap3A_540 = vector.shape_cast %swap3A_539 : vector<16xi32> to vector<16xi32>
      %swap3A_541 = vector.shape_cast %select_n3A_537 : vector<16xi32> to vector<16xi32>
      tpu.vector_store %arg14[%swap3A_538], %swap3A_541 {strides = array<i32>} : memref<80xi32, #tpu.memory_space<vmem>>, vector<16xi32>,
      %sub3A_542 = vector.broadcast %mul3A_0 : i32 to vector<16xi32>
      %sub3A_543 = arith.subi %get3A_508, %sub3A_542 : vector<16xi32>
      %mul3A_544 = arith.constant 2 : i32
      %mul3A_545 = vector.broadcast %mul3A_544 : i32 to vector<16xi32>
      %mul3A_546 = arith.muli %sub3A_543, %mul3A_545 : vector<16xi32>
      %add3A_547 = arith.constant 1 : i32
      %add3A_548 = vector.broadcast %add3A_547 : i32 to vector<16xi32>
      %add3A_549 = arith.addi %mul3A_546, %add3A_548 : vector<16xi32>
      %select_n3A_550 = arith.select %lt3A_512, %add3A_549, %mul3A_546 : vector<16xi1>, vector<16xi32>
      %mul3A_551 = arith.constant 15 : i32
      %mul3A_552 = arith.muli %arg1, %mul3A_551 : i32
      %add3A_553 = arith.constant 10000 : i32
      %add3A_554 = arith.addi %add3A_553, %mul3A_552 : i32
      %add3A_555 = arith.constant 2 : i32
      %add3A_556 = arith.addi %add3A_554, %add3A_555 : i32
      %broadcast_in_dim3A_557 = vector.broadcast %add3A_556 : i32 to vector<16xi32>
      %select_n3A_558 = arith.select %and3A_521, %select_n3A_550, %broadcast_in_dim3A_557 : vector<16xi1>, vector<16xi32>
      %swap3A_559 = arith.constant 32 : index
      %swap3A_560 = tpu.vector_load %arg15[%swap3A_559] {strides = array<i32>} : memref<80xi32, #tpu.memory_space<vmem>>, vector<16xi32>,
      %swap3A_561 = vector.shape_cast %swap3A_560 : vector<16xi32> to vector<16xi32>
      %swap3A_562 = vector.shape_cast %select_n3A_558 : vector<16xi32> to vector<16xi32>
      tpu.vector_store %arg15[%swap3A_559], %swap3A_562 {strides = array<i32>} : memref<80xi32, #tpu.memory_space<vmem>>, vector<16xi32>,
      %get3A_563 = arith.constant 48 : index
      %get3A_564 = tpu.vector_load %arg8[%get3A_563] {strides = array<i32>} : memref<80xi32, #tpu.memory_space<vmem>>, vector<16xi32>,
      %get3A_565 = vector.shape_cast %get3A_564 : vector<16xi32> to vector<16xi32>
      %get3A_566 = arith.constant 48 : index
      %get3A_567 = tpu.vector_load %arg9[%get3A_566] {strides = array<i32>} : memref<80xi32, #tpu.memory_space<vmem>>, vector<16xi32>,
      %get3A_568 = vector.shape_cast %get3A_567 : vector<16xi32> to vector<16xi32>
      %lt3A_569 = arith.cmpi slt, %get3A_565, %get3A_568 : vector<16xi32>
      %ge3A_570 = vector.broadcast %mul3A_0 : i32 to vector<16xi32>
      %ge3A_571 = arith.cmpi sge, %get3A_565, %ge3A_570 : vector<16xi32>
      %add3A_572 = arith.constant 5000 : i32
      %add3A_573 = arith.addi %mul3A_0, %add3A_572 : i32
      %lt3A_574 = vector.broadcast %add3A_573 : i32 to vector<16xi32>
      %lt3A_575 = arith.cmpi slt, %get3A_565, %lt3A_574 : vector<16xi32>
      %and3A_576 = arith.andi %ge3A_571, %lt3A_575 : vector<16xi1>
      %ne3A_577 = arith.cmpi ne, %get3A_565, %get3A_568 : vector<16xi32>
      %and3A_578 = arith.andi %and3A_576, %ne3A_577 : vector<16xi1>
      %add3A_579 = arith.constant 48 : i32
      %add3A_580 = arith.addi %add3A_385, %add3A_579 : i32
      %add3A_581 = vector.broadcast %add3A_580 : i32 to vector<16xi32>
      %add3A_582 = arith.addi %add3A_581, %iota3A : vector<16xi32>
      %add3A_583 = arith.constant 10000 : i32
      %add3A_584 = vector.broadcast %add3A_583 : i32 to vector<16xi32>
      %add3A_585 = arith.addi %get3A_568, %add3A_584 : vector<16xi32>
      %select_n3A_586 = arith.select %lt3A_569, %add3A_585, %get3A_568 : vector<16xi1>, vector<16xi32>
      %swap3A_587 = arith.constant 48 : index
      %swap3A_588 = tpu.vector_load %arg13[%swap3A_587] {strides = array<i32>} : memref<80xi32, #tpu.memory_space<vmem>>, vector<16xi32>,
      %swap3A_589 = vector.shape_cast %swap3A_588 : vector<16xi32> to vector<16xi32>
      %swap3A_590 = vector.shape_cast %select_n3A_586 : vector<16xi32> to vector<16xi32>
      tpu.vector_store %arg13[%swap3A_587], %swap3A_590 {strides = array<i32>} : memref<80xi32, #tpu.memory_space<vmem>>, vector<16xi32>,
      %add3A_591 = arith.constant 320000 : i32
      %add3A_592 = vector.broadcast %add3A_591 : i32 to vector<16xi32>
      %add3A_593 = arith.addi %add3A_582, %add3A_592 : vector<16xi32>
      %select_n3A_594 = arith.select %lt3A_569, %add3A_593, %add3A_582 : vector<16xi1>, vector<16xi32>
      %swap3A_595 = arith.constant 48 : index
      %swap3A_596 = tpu.vector_load %arg14[%swap3A_595] {strides = array<i32>} : memref<80xi32, #tpu.memory_space<vmem>>, vector<16xi32>,
      %swap3A_597 = vector.shape_cast %swap3A_596 : vector<16xi32> to vector<16xi32>
      %swap3A_598 = vector.shape_cast %select_n3A_594 : vector<16xi32> to vector<16xi32>
      tpu.vector_store %arg14[%swap3A_595], %swap3A_598 {strides = array<i32>} : memref<80xi32, #tpu.memory_space<vmem>>, vector<16xi32>,
      %sub3A_599 = vector.broadcast %mul3A_0 : i32 to vector<16xi32>
      %sub3A_600 = arith.subi %get3A_565, %sub3A_599 : vector<16xi32>
      %mul3A_601 = arith.constant 2 : i32
      %mul3A_602 = vector.broadcast %mul3A_601 : i32 to vector<16xi32>
      %mul3A_603 = arith.muli %sub3A_600, %mul3A_602 : vector<16xi32>
      %add3A_604 = arith.constant 1 : i32
      %add3A_605 = vector.broadcast %add3A_604 : i32 to vector<16xi32>
      %add3A_606 = arith.addi %mul3A_603, %add3A_605 : vector<16xi32>
      %select_n3A_607 = arith.select %lt3A_569, %add3A_606, %mul3A_603 : vector<16xi1>, vector<16xi32>
      %mul3A_608 = arith.constant 15 : i32
      %mul3A_609 = arith.muli %arg1, %mul3A_608 : i32
      %add3A_610 = arith.constant 10000 : i32
      %add3A_611 = arith.addi %add3A_610, %mul3A_609 : i32
      %add3A_612 = arith.constant 3 : i32
      %add3A_613 = arith.addi %add3A_611, %add3A_612 : i32
      %broadcast_in_dim3A_614 = vector.broadcast %add3A_613 : i32 to vector<16xi32>
      %select_n3A_615 = arith.select %and3A_578, %select_n3A_607, %broadcast_in_dim3A_614 : vector<16xi1>, vector<16xi32>
      %swap3A_616 = arith.constant 48 : index
      %swap3A_617 = tpu.vector_load %arg15[%swap3A_616] {strides = array<i32>} : memref<80xi32, #tpu.memory_space<vmem>>, vector<16xi32>,
      %swap3A_618 = vector.shape_cast %swap3A_617 : vector<16xi32> to vector<16xi32>
      %swap3A_619 = vector.shape_cast %select_n3A_615 : vector<16xi32> to vector<16xi32>
      tpu.vector_store %arg15[%swap3A_616], %swap3A_619 {strides = array<i32>} : memref<80xi32, #tpu.memory_space<vmem>>, vector<16xi32>,
      %get3A_620 = arith.constant 64 : index
      %get3A_621 = tpu.vector_load %arg8[%get3A_620] {strides = array<i32>} : memref<80xi32, #tpu.memory_space<vmem>>, vector<16xi32>,
      %get3A_622 = vector.shape_cast %get3A_621 : vector<16xi32> to vector<16xi32>
      %get3A_623 = arith.constant 64 : index
      %get3A_624 = tpu.vector_load %arg9[%get3A_623] {strides = array<i32>} : memref<80xi32, #tpu.memory_space<vmem>>, vector<16xi32>,
      %get3A_625 = vector.shape_cast %get3A_624 : vector<16xi32> to vector<16xi32>
      %lt3A_626 = arith.cmpi slt, %get3A_622, %get3A_625 : vector<16xi32>
      %ge3A_627 = vector.broadcast %mul3A_0 : i32 to vector<16xi32>
      %ge3A_628 = arith.cmpi sge, %get3A_622, %ge3A_627 : vector<16xi32>
      %add3A_629 = arith.constant 5000 : i32
      %add3A_630 = arith.addi %mul3A_0, %add3A_629 : i32
      %lt3A_631 = vector.broadcast %add3A_630 : i32 to vector<16xi32>
      %lt3A_632 = arith.cmpi slt, %get3A_622, %lt3A_631 : vector<16xi32>
      %and3A_633 = arith.andi %ge3A_628, %lt3A_632 : vector<16xi1>
      %ne3A_634 = arith.cmpi ne, %get3A_622, %get3A_625 : vector<16xi32>
      %and3A_635 = arith.andi %and3A_633, %ne3A_634 : vector<16xi1>
      %add3A_636 = arith.constant 64 : i32
      %add3A_637 = arith.addi %add3A_385, %add3A_636 : i32
      %add3A_638 = vector.broadcast %add3A_637 : i32 to vector<16xi32>
      %add3A_639 = arith.addi %add3A_638, %iota3A : vector<16xi32>
      %add3A_640 = arith.constant 10000 : i32
      %add3A_641 = vector.broadcast %add3A_640 : i32 to vector<16xi32>
      %add3A_642 = arith.addi %get3A_625, %add3A_641 : vector<16xi32>
      %select_n3A_643 = arith.select %lt3A_626, %add3A_642, %get3A_625 : vector<16xi1>, vector<16xi32>
      %swap3A_644 = arith.constant 64 : index
      %swap3A_645 = tpu.vector_load %arg13[%swap3A_644] {strides = array<i32>} : memref<80xi32, #tpu.memory_space<vmem>>, vector<16xi32>,
      %swap3A_646 = vector.shape_cast %swap3A_645 : vector<16xi32> to vector<16xi32>
      %swap3A_647 = vector.shape_cast %select_n3A_643 : vector<16xi32> to vector<16xi32>
      tpu.vector_store %arg13[%swap3A_644], %swap3A_647 {strides = array<i32>} : memref<80xi32, #tpu.memory_space<vmem>>, vector<16xi32>,
      %add3A_648 = arith.constant 320000 : i32
      %add3A_649 = vector.broadcast %add3A_648 : i32 to vector<16xi32>
      %add3A_650 = arith.addi %add3A_639, %add3A_649 : vector<16xi32>
      %select_n3A_651 = arith.select %lt3A_626, %add3A_650, %add3A_639 : vector<16xi1>, vector<16xi32>
      %swap3A_652 = arith.constant 64 : index
      %swap3A_653 = tpu.vector_load %arg14[%swap3A_652] {strides = array<i32>} : memref<80xi32, #tpu.memory_space<vmem>>, vector<16xi32>,
      %swap3A_654 = vector.shape_cast %swap3A_653 : vector<16xi32> to vector<16xi32>
      %swap3A_655 = vector.shape_cast %select_n3A_651 : vector<16xi32> to vector<16xi32>
      tpu.vector_store %arg14[%swap3A_652], %swap3A_655 {strides = array<i32>} : memref<80xi32, #tpu.memory_space<vmem>>, vector<16xi32>,
      %sub3A_656 = vector.broadcast %mul3A_0 : i32 to vector<16xi32>
      %sub3A_657 = arith.subi %get3A_622, %sub3A_656 : vector<16xi32>
      %mul3A_658 = arith.constant 2 : i32
      %mul3A_659 = vector.broadcast %mul3A_658 : i32 to vector<16xi32>
      %mul3A_660 = arith.muli %sub3A_657, %mul3A_659 : vector<16xi32>
      %add3A_661 = arith.constant 1 : i32
      %add3A_662 = vector.broadcast %add3A_661 : i32 to vector<16xi32>
      %add3A_663 = arith.addi %mul3A_660, %add3A_662 : vector<16xi32>
      %select_n3A_664 = arith.select %lt3A_626, %add3A_663, %mul3A_660 : vector<16xi1>, vector<16xi32>
      %mul3A_665 = arith.constant 15 : i32
      %mul3A_666 = arith.muli %arg1, %mul3A_665 : i32
      %add3A_667 = arith.constant 10000 : i32
      %add3A_668 = arith.addi %add3A_667, %mul3A_666 : i32
      %add3A_669 = arith.constant 4 : i32
      %add3A_670 = arith.addi %add3A_668, %add3A_669 : i32
      %broadcast_in_dim3A_671 = vector.broadcast %add3A_670 : i32 to vector<16xi32>
      %select_n3A_672 = arith.select %and3A_635, %select_n3A_664, %broadcast_in_dim3A_671 : vector<16xi1>, vector<16xi32>
      %swap3A_673 = arith.constant 64 : index
      %swap3A_674 = tpu.vector_load %arg15[%swap3A_673] {strides = array<i32>} : memref<80xi32, #tpu.memory_space<vmem>>, vector<16xi32>,
      %swap3A_675 = vector.shape_cast %swap3A_674 : vector<16xi32> to vector<16xi32>
      %swap3A_676 = vector.shape_cast %select_n3A_672 : vector<16xi32> to vector<16xi32>
      tpu.vector_store %arg15[%swap3A_673], %swap3A_676 {strides = array<i32>} : memref<80xi32, #tpu.memory_space<vmem>>, vector<16xi32>,
      %dma_start3A_677 = arith.constant 0 : i32
      %dma_start3A_678 = arith.constant 0 : i32
      %dma_start3A_679 = tpu.memref_slice %arg2[%dma_start3A_677, %dma_start3A_678] : memref<20000x128xf32, #tpu.memory_space<hbm>> -> memref<20000x128xf32, #tpu.memory_space<hbm>>
      tpu.enqueue_indirect_dma source(%dma_start3A_679 : memref<20000x128xf32, #tpu.memory_space<hbm>>) target(%arg18 : memref<80x128xf32, #tpu.memory_space<vmem>>) offsets(%arg13 : memref<80xi32, #tpu.memory_space<vmem>>) semaphore(%arg23 : memref<!tpu.dma_semaphore, #tpu.memory_space<semaphore_mem>>)
      %dma_start3A_680 = arith.constant 0 : i32
      %dma_start3A_681 = arith.constant 0 : i32
      %dma_start3A_682 = tpu.memref_slice %arg3[%dma_start3A_680, %dma_start3A_681] : memref<640000x128xf32, #tpu.memory_space<hbm>> -> memref<640000x128xf32, #tpu.memory_space<hbm>>
      tpu.enqueue_indirect_dma source(%dma_start3A_682 : memref<640000x128xf32, #tpu.memory_space<hbm>>) target(%arg19 : memref<80x128xf32, #tpu.memory_space<vmem>>) offsets(%arg14 : memref<80xi32, #tpu.memory_space<vmem>>) semaphore(%arg23 : memref<!tpu.dma_semaphore, #tpu.memory_space<semaphore_mem>>)
      %add3A_683 = arith.constant 2 : i32
      %add3A_684 = arith.addi %mul3A_378, %add3A_683 : i32
      %lt3A_685 = arith.constant 250 : i32
      %lt3A_686 = arith.cmpi slt, %add3A_684, %lt3A_685 : i32
      %convert_element_type3A_687 = arith.extui %lt3A_686 : i1 to i32
      %cond3A_688 = arith.constant 0 : i32
      %cond3A_689 = arith.cmpi ne, %convert_element_type3A_687, %cond3A_688 : i32
      scf.if %cond3A_689 {
        %add3A_731 = arith.constant 2 : i32
        %add3A_732 = arith.addi %mul3A_378, %add3A_731 : i32
        %mul3A_733 = arith.constant 20000 : i32
        %mul3A_734 = arith.muli %arg1, %mul3A_733 : i32
        %mul3A_735 = arith.constant 80 : i32
        %mul3A_736 = arith.muli %add3A_732, %mul3A_735 : i32
        %add3A_737 = arith.addi %mul3A_734, %mul3A_736 : i32
        %dma_start3A_738 = tpu.memref_slice %arg4[%add3A_737] : memref<640000xi32, #tpu.memory_space<hbm>> -> memref<80xi32, #tpu.memory_space<hbm>>
        %dma_start3A_739 = tpu.memref_slice %arg4[%add3A_737] : memref<640000xi32, #tpu.memory_space<hbm>> -> memref<80xi32, #tpu.memory_space<hbm>>
        tpu.enqueue_dma source(%dma_start3A_739 : memref<80xi32, #tpu.memory_space<hbm>>) target(%arg6 : memref<80xi32, #tpu.memory_space<vmem>>) target_semaphore(%arg24 : memref<!tpu.dma_semaphore, #tpu.memory_space<semaphore_mem>>)
        %add3A_740 = arith.constant 320000 : i32
        %add3A_741 = arith.addi %add3A_740, %add3A_737 : i32
        %dma_start3A_742 = tpu.memref_slice %arg4[%add3A_741] : memref<640000xi32, #tpu.memory_space<hbm>> -> memref<80xi32, #tpu.memory_space<hbm>>
        %dma_start3A_743 = tpu.memref_slice %arg4[%add3A_741] : memref<640000xi32, #tpu.memory_space<hbm>> -> memref<80xi32, #tpu.memory_space<hbm>>
        tpu.enqueue_dma source(%dma_start3A_743 : memref<80xi32, #tpu.memory_space<hbm>>) target(%arg7 : memref<80xi32, #tpu.memory_space<vmem>>) target_semaphore(%arg24 : memref<!tpu.dma_semaphore, #tpu.memory_space<semaphore_mem>>)
      } else {
      }
      %dma_wait3A_690 = arith.constant 0 : i32
      %dma_wait3A_691 = arith.constant 0 : i32
      %dma_wait3A_692 = tpu.memref_slice %arg2[%dma_wait3A_690, %dma_wait3A_691] : memref<20000x128xf32, #tpu.memory_space<hbm>> -> memref<20000x128xf32, #tpu.memory_space<hbm>>
      tpu.wait_indirect_dma semaphore(%arg22 : memref<!tpu.dma_semaphore, #tpu.memory_space<semaphore_mem>>) src(%dma_wait3A_692 : memref<20000x128xf32, #tpu.memory_space<hbm>>) dst(%arg16 : memref<80x128xf32, #tpu.memory_space<vmem>>)
      %dma_wait3A_693 = arith.constant 0 : i32
      %dma_wait3A_694 = arith.constant 0 : i32
      %dma_wait3A_695 = tpu.memref_slice %arg3[%dma_wait3A_693, %dma_wait3A_694] : memref<640000x128xf32, #tpu.memory_space<hbm>> -> memref<640000x128xf32, #tpu.memory_space<hbm>>
      tpu.wait_indirect_dma semaphore(%arg22 : memref<!tpu.dma_semaphore, #tpu.memory_space<semaphore_mem>>) src(%dma_wait3A_695 : memref<640000x128xf32, #tpu.memory_space<hbm>>) dst(%arg17 : memref<80x128xf32, #tpu.memory_space<vmem>>)
      %scan3A_696 = arith.constant 0 : i32
      %scan3A_697 = arith.constant 0 : i32
      %scan3A_698 = arith.constant 80 : i32
      %scan3A_699 = arith.addi %scan3A_697, %scan3A_698 : i32
      %scan3A_700 = arith.constant 1 : i32
      %scan3A_701 = scf.for %scan3A_731 = %scan3A_697 to %scan3A_699 step %scan3A_700 iter_args(%scan3A_732 = %scan3A_696) -> (i32)  : i32 {
        %get3A_733 = arith.index_cast %scan3A_731 : i32 to index
        %get3A_734 = arith.constant 0 : index
        %get3A_735 = tpu.vector_load %arg17[%get3A_733, %get3A_734] {strides = array<i32>} : memref<80x128xf32, #tpu.memory_space<vmem>>, vector<1x16xf32>,
        %get3A_736 = vector.shape_cast %get3A_735 : vector<1x16xf32> to vector<16xf32>
        %get3A_737 = arith.index_cast %scan3A_731 : i32 to index
        %get3A_738 = arith.constant 0 : index
        %get3A_739 = tpu.vector_load %arg16[%get3A_737, %get3A_738] {strides = array<i32>} : memref<80x128xf32, #tpu.memory_space<vmem>>, vector<1x16xf32>,
        %get3A_740 = vector.shape_cast %get3A_739 : vector<1x16xf32> to vector<16xf32>
        %add3A_741 = arith.addf %get3A_736, %get3A_740 : vector<16xf32>
        %max3A = arith.constant 0.000000e+00 : f32
        %max3A_742 = vector.broadcast %max3A : f32 to vector<16xf32>
        %max3A_743 = arith.maximumf %add3A_741, %max3A_742 : vector<16xf32>
        %swap3A_744 = arith.index_cast %scan3A_731 : i32 to index
        %swap3A_745 = arith.constant 0 : index
        %swap3A_746 = tpu.vector_load %arg17[%swap3A_744, %swap3A_745] {strides = array<i32>} : memref<80x128xf32, #tpu.memory_space<vmem>>, vector<1x16xf32>,
        %swap3A_747 = vector.shape_cast %swap3A_746 : vector<1x16xf32> to vector<16xf32>
        %swap3A_748 = vector.shape_cast %max3A_743 : vector<16xf32> to vector<1x16xf32>
        tpu.vector_store %arg17[%swap3A_744, %swap3A_745], %swap3A_748 {strides = array<i32>} : memref<80x128xf32, #tpu.memory_space<vmem>>, vector<1x16xf32>,
        %get3A_749 = arith.index_cast %scan3A_731 : i32 to index
        %get3A_750 = arith.constant 16 : index
        %get3A_751 = tpu.vector_load %arg17[%get3A_749, %get3A_750] {strides = array<i32>} : memref<80x128xf32, #tpu.memory_space<vmem>>, vector<1x16xf32>,
        %get3A_752 = vector.shape_cast %get3A_751 : vector<1x16xf32> to vector<16xf32>
        %get3A_753 = arith.index_cast %scan3A_731 : i32 to index
        %get3A_754 = arith.constant 16 : index
        %get3A_755 = tpu.vector_load %arg16[%get3A_753, %get3A_754] {strides = array<i32>} : memref<80x128xf32, #tpu.memory_space<vmem>>, vector<1x16xf32>,
        %get3A_756 = vector.shape_cast %get3A_755 : vector<1x16xf32> to vector<16xf32>
        %add3A_757 = arith.addf %get3A_752, %get3A_756 : vector<16xf32>
        %max3A_758 = arith.constant 0.000000e+00 : f32
        %max3A_759 = vector.broadcast %max3A_758 : f32 to vector<16xf32>
        %max3A_760 = arith.maximumf %add3A_757, %max3A_759 : vector<16xf32>
        %swap3A_761 = arith.index_cast %scan3A_731 : i32 to index
        %swap3A_762 = arith.constant 16 : index
        %swap3A_763 = tpu.vector_load %arg17[%swap3A_761, %swap3A_762] {strides = array<i32>} : memref<80x128xf32, #tpu.memory_space<vmem>>, vector<1x16xf32>,
        %swap3A_764 = vector.shape_cast %swap3A_763 : vector<1x16xf32> to vector<16xf32>
        %swap3A_765 = vector.shape_cast %max3A_760 : vector<16xf32> to vector<1x16xf32>
        tpu.vector_store %arg17[%swap3A_761, %swap3A_762], %swap3A_765 {strides = array<i32>} : memref<80x128xf32, #tpu.memory_space<vmem>>, vector<1x16xf32>,
        %get3A_766 = arith.index_cast %scan3A_731 : i32 to index
        %get3A_767 = arith.constant 32 : index
        %get3A_768 = tpu.vector_load %arg17[%get3A_766, %get3A_767] {strides = array<i32>} : memref<80x128xf32, #tpu.memory_space<vmem>>, vector<1x16xf32>,
        %get3A_769 = vector.shape_cast %get3A_768 : vector<1x16xf32> to vector<16xf32>
        %get3A_770 = arith.index_cast %scan3A_731 : i32 to index
        %get3A_771 = arith.constant 32 : index
        %get3A_772 = tpu.vector_load %arg16[%get3A_770, %get3A_771] {strides = array<i32>} : memref<80x128xf32, #tpu.memory_space<vmem>>, vector<1x16xf32>,
        %get3A_773 = vector.shape_cast %get3A_772 : vector<1x16xf32> to vector<16xf32>
        %add3A_774 = arith.addf %get3A_769, %get3A_773 : vector<16xf32>
        %max3A_775 = arith.constant 0.000000e+00 : f32
        %max3A_776 = vector.broadcast %max3A_775 : f32 to vector<16xf32>
        %max3A_777 = arith.maximumf %add3A_774, %max3A_776 : vector<16xf32>
        %swap3A_778 = arith.index_cast %scan3A_731 : i32 to index
        %swap3A_779 = arith.constant 32 : index
        %swap3A_780 = tpu.vector_load %arg17[%swap3A_778, %swap3A_779] {strides = array<i32>} : memref<80x128xf32, #tpu.memory_space<vmem>>, vector<1x16xf32>,
        %swap3A_781 = vector.shape_cast %swap3A_780 : vector<1x16xf32> to vector<16xf32>
        %swap3A_782 = vector.shape_cast %max3A_777 : vector<16xf32> to vector<1x16xf32>
        tpu.vector_store %arg17[%swap3A_778, %swap3A_779], %swap3A_782 {strides = array<i32>} : memref<80x128xf32, #tpu.memory_space<vmem>>, vector<1x16xf32>,
        %get3A_783 = arith.index_cast %scan3A_731 : i32 to index
        %get3A_784 = arith.constant 48 : index
        %get3A_785 = tpu.vector_load %arg17[%get3A_783, %get3A_784] {strides = array<i32>} : memref<80x128xf32, #tpu.memory_space<vmem>>, vector<1x16xf32>,
        %get3A_786 = vector.shape_cast %get3A_785 : vector<1x16xf32> to vector<16xf32>
        %get3A_787 = arith.index_cast %scan3A_731 : i32 to index
        %get3A_788 = arith.constant 48 : index
        %get3A_789 = tpu.vector_load %arg16[%get3A_787, %get3A_788] {strides = array<i32>} : memref<80x128xf32, #tpu.memory_space<vmem>>, vector<1x16xf32>,
        %get3A_790 = vector.shape_cast %get3A_789 : vector<1x16xf32> to vector<16xf32>
        %add3A_791 = arith.addf %get3A_786, %get3A_790 : vector<16xf32>
        %max3A_792 = arith.constant 0.000000e+00 : f32
        %max3A_793 = vector.broadcast %max3A_792 : f32 to vector<16xf32>
        %max3A_794 = arith.maximumf %add3A_791, %max3A_793 : vector<16xf32>
        %swap3A_795 = arith.index_cast %scan3A_731 : i32 to index
        %swap3A_796 = arith.constant 48 : index
        %swap3A_797 = tpu.vector_load %arg17[%swap3A_795, %swap3A_796] {strides = array<i32>} : memref<80x128xf32, #tpu.memory_space<vmem>>, vector<1x16xf32>,
        %swap3A_798 = vector.shape_cast %swap3A_797 : vector<1x16xf32> to vector<16xf32>
        %swap3A_799 = vector.shape_cast %max3A_794 : vector<16xf32> to vector<1x16xf32>
        tpu.vector_store %arg17[%swap3A_795, %swap3A_796], %swap3A_799 {strides = array<i32>} : memref<80x128xf32, #tpu.memory_space<vmem>>, vector<1x16xf32>,
        %get3A_800 = arith.index_cast %scan3A_731 : i32 to index
        %get3A_801 = arith.constant 64 : index
        %get3A_802 = tpu.vector_load %arg17[%get3A_800, %get3A_801] {strides = array<i32>} : memref<80x128xf32, #tpu.memory_space<vmem>>, vector<1x16xf32>,
        %get3A_803 = vector.shape_cast %get3A_802 : vector<1x16xf32> to vector<16xf32>
        %get3A_804 = arith.index_cast %scan3A_731 : i32 to index
        %get3A_805 = arith.constant 64 : index
        %get3A_806 = tpu.vector_load %arg16[%get3A_804, %get3A_805] {strides = array<i32>} : memref<80x128xf32, #tpu.memory_space<vmem>>, vector<1x16xf32>,
        %get3A_807 = vector.shape_cast %get3A_806 : vector<1x16xf32> to vector<16xf32>
        %add3A_808 = arith.addf %get3A_803, %get3A_807 : vector<16xf32>
        %max3A_809 = arith.constant 0.000000e+00 : f32
        %max3A_810 = vector.broadcast %max3A_809 : f32 to vector<16xf32>
        %max3A_811 = arith.maximumf %add3A_808, %max3A_810 : vector<16xf32>
        %swap3A_812 = arith.index_cast %scan3A_731 : i32 to index
        %swap3A_813 = arith.constant 64 : index
        %swap3A_814 = tpu.vector_load %arg17[%swap3A_812, %swap3A_813] {strides = array<i32>} : memref<80x128xf32, #tpu.memory_space<vmem>>, vector<1x16xf32>,
        %swap3A_815 = vector.shape_cast %swap3A_814 : vector<1x16xf32> to vector<16xf32>
        %swap3A_816 = vector.shape_cast %max3A_811 : vector<16xf32> to vector<1x16xf32>
        tpu.vector_store %arg17[%swap3A_812, %swap3A_813], %swap3A_816 {strides = array<i32>} : memref<80x128xf32, #tpu.memory_space<vmem>>, vector<1x16xf32>,
        %get3A_817 = arith.index_cast %scan3A_731 : i32 to index
        %get3A_818 = arith.constant 80 : index
        %get3A_819 = tpu.vector_load %arg17[%get3A_817, %get3A_818] {strides = array<i32>} : memref<80x128xf32, #tpu.memory_space<vmem>>, vector<1x16xf32>,
        %get3A_820 = vector.shape_cast %get3A_819 : vector<1x16xf32> to vector<16xf32>
        %get3A_821 = arith.index_cast %scan3A_731 : i32 to index
        %get3A_822 = arith.constant 80 : index
        %get3A_823 = tpu.vector_load %arg16[%get3A_821, %get3A_822] {strides = array<i32>} : memref<80x128xf32, #tpu.memory_space<vmem>>, vector<1x16xf32>,
        %get3A_824 = vector.shape_cast %get3A_823 : vector<1x16xf32> to vector<16xf32>
        %add3A_825 = arith.addf %get3A_820, %get3A_824 : vector<16xf32>
        %max3A_826 = arith.constant 0.000000e+00 : f32
        %max3A_827 = vector.broadcast %max3A_826 : f32 to vector<16xf32>
        %max3A_828 = arith.maximumf %add3A_825, %max3A_827 : vector<16xf32>
        %swap3A_829 = arith.index_cast %scan3A_731 : i32 to index
        %swap3A_830 = arith.constant 80 : index
        %swap3A_831 = tpu.vector_load %arg17[%swap3A_829, %swap3A_830] {strides = array<i32>} : memref<80x128xf32, #tpu.memory_space<vmem>>, vector<1x16xf32>,
        %swap3A_832 = vector.shape_cast %swap3A_831 : vector<1x16xf32> to vector<16xf32>
        %swap3A_833 = vector.shape_cast %max3A_828 : vector<16xf32> to vector<1x16xf32>
        tpu.vector_store %arg17[%swap3A_829, %swap3A_830], %swap3A_833 {strides = array<i32>} : memref<80x128xf32, #tpu.memory_space<vmem>>, vector<1x16xf32>,
        %get3A_834 = arith.index_cast %scan3A_731 : i32 to index
        %get3A_835 = arith.constant 96 : index
        %get3A_836 = tpu.vector_load %arg17[%get3A_834, %get3A_835] {strides = array<i32>} : memref<80x128xf32, #tpu.memory_space<vmem>>, vector<1x16xf32>,
        %get3A_837 = vector.shape_cast %get3A_836 : vector<1x16xf32> to vector<16xf32>
        %get3A_838 = arith.index_cast %scan3A_731 : i32 to index
        %get3A_839 = arith.constant 96 : index
        %get3A_840 = tpu.vector_load %arg16[%get3A_838, %get3A_839] {strides = array<i32>} : memref<80x128xf32, #tpu.memory_space<vmem>>, vector<1x16xf32>,
        %get3A_841 = vector.shape_cast %get3A_840 : vector<1x16xf32> to vector<16xf32>
        %add3A_842 = arith.addf %get3A_837, %get3A_841 : vector<16xf32>
        %max3A_843 = arith.constant 0.000000e+00 : f32
        %max3A_844 = vector.broadcast %max3A_843 : f32 to vector<16xf32>
        %max3A_845 = arith.maximumf %add3A_842, %max3A_844 : vector<16xf32>
        %swap3A_846 = arith.index_cast %scan3A_731 : i32 to index
        %swap3A_847 = arith.constant 96 : index
        %swap3A_848 = tpu.vector_load %arg17[%swap3A_846, %swap3A_847] {strides = array<i32>} : memref<80x128xf32, #tpu.memory_space<vmem>>, vector<1x16xf32>,
        %swap3A_849 = vector.shape_cast %swap3A_848 : vector<1x16xf32> to vector<16xf32>
        %swap3A_850 = vector.shape_cast %max3A_845 : vector<16xf32> to vector<1x16xf32>
        tpu.vector_store %arg17[%swap3A_846, %swap3A_847], %swap3A_850 {strides = array<i32>} : memref<80x128xf32, #tpu.memory_space<vmem>>, vector<1x16xf32>,
        %get3A_851 = arith.index_cast %scan3A_731 : i32 to index
        %get3A_852 = arith.constant 112 : index
        %get3A_853 = tpu.vector_load %arg17[%get3A_851, %get3A_852] {strides = array<i32>} : memref<80x128xf32, #tpu.memory_space<vmem>>, vector<1x16xf32>,
        %get3A_854 = vector.shape_cast %get3A_853 : vector<1x16xf32> to vector<16xf32>
        %get3A_855 = arith.index_cast %scan3A_731 : i32 to index
        %get3A_856 = arith.constant 112 : index
        %get3A_857 = tpu.vector_load %arg16[%get3A_855, %get3A_856] {strides = array<i32>} : memref<80x128xf32, #tpu.memory_space<vmem>>, vector<1x16xf32>,
        %get3A_858 = vector.shape_cast %get3A_857 : vector<1x16xf32> to vector<16xf32>
        %add3A_859 = arith.addf %get3A_854, %get3A_858 : vector<16xf32>
        %max3A_860 = arith.constant 0.000000e+00 : f32
        %max3A_861 = vector.broadcast %max3A_860 : f32 to vector<16xf32>
        %max3A_862 = arith.maximumf %add3A_859, %max3A_861 : vector<16xf32>
        %swap3A_863 = arith.index_cast %scan3A_731 : i32 to index
        %swap3A_864 = arith.constant 112 : index
        %swap3A_865 = tpu.vector_load %arg17[%swap3A_863, %swap3A_864] {strides = array<i32>} : memref<80x128xf32, #tpu.memory_space<vmem>>, vector<1x16xf32>,
        %swap3A_866 = vector.shape_cast %swap3A_865 : vector<1x16xf32> to vector<16xf32>
        %swap3A_867 = vector.shape_cast %max3A_862 : vector<16xf32> to vector<1x16xf32>
        tpu.vector_store %arg17[%swap3A_863, %swap3A_864], %swap3A_867 {strides = array<i32>} : memref<80x128xf32, #tpu.memory_space<vmem>>, vector<1x16xf32>,
        %scan3A_868 = arith.constant 0 : i32
        scf.yield %scan3A_868 : i32
      }
      %scan3A_702 = arith.constant 80 : i32
      "tpu.region"() ({
        %run_scoped3A = tpu.sem_alloc : memref<!tpu.dma_semaphore, #tpu.memory_space<semaphore_mem>>
        %dma_start3A_731 = arith.constant 0 : i32
        %dma_start3A_732 = arith.constant 0 : i32
        %dma_start3A_733 = tpu.memref_slice %arg21[%dma_start3A_731, %dma_start3A_732] : memref<10240x128xf32, #tpu.memory_space<vmem_shared>> -> memref<10240x128xf32, #tpu.memory_space<vmem_shared>>
        tpu.enqueue_indirect_dma source(%arg17 : memref<80x128xf32, #tpu.memory_space<vmem>>) target(%dma_start3A_733 : memref<10240x128xf32, #tpu.memory_space<vmem_shared>>) offsets(%arg12 : memref<80xi32, #tpu.memory_space<vmem>>) semaphore(%run_scoped3A : memref<!tpu.dma_semaphore, #tpu.memory_space<semaphore_mem>>) {add = true}
        %dma_wait3A_734 = arith.constant 0 : i32
        %dma_wait3A_735 = arith.constant 0 : i32
        %dma_wait3A_736 = tpu.memref_slice %arg21[%dma_wait3A_734, %dma_wait3A_735] : memref<10240x128xf32, #tpu.memory_space<vmem_shared>> -> memref<10240x128xf32, #tpu.memory_space<vmem_shared>>
        tpu.wait_indirect_dma semaphore(%run_scoped3A : memref<!tpu.dma_semaphore, #tpu.memory_space<semaphore_mem>>) src(%arg17 : memref<80x128xf32, #tpu.memory_space<vmem>>) dst(%dma_wait3A_736 : memref<10240x128xf32, #tpu.memory_space<vmem_shared>>)
        tpu.yield
      }) : () -> ()
      %add3A_703 = arith.constant 2 : i32
      %add3A_704 = arith.addi %mul3A_378, %add3A_703 : i32
      %lt3A_705 = arith.constant 250 : i32
      %lt3A_706 = arith.cmpi slt, %add3A_704, %lt3A_705 : i32
      %convert_element_type3A_707 = arith.extui %lt3A_706 : i1 to i32
      %cond3A_708 = arith.constant 0 : i32
      %cond3A_709 = arith.cmpi ne, %convert_element_type3A_707, %cond3A_708 : i32
      scf.if %cond3A_709 {
        %add3A_731 = arith.constant 2 : i32
        %add3A_732 = arith.addi %mul3A_378, %add3A_731 : i32
        %mul3A_733 = arith.constant 20000 : i32
        %mul3A_734 = arith.muli %arg1, %mul3A_733 : i32
        %mul3A_735 = arith.constant 80 : i32
        %mul3A_736 = arith.muli %add3A_732, %mul3A_735 : i32
        %add3A_737 = arith.addi %mul3A_734, %mul3A_736 : i32
        %dma_wait3A_738 = tpu.memref_slice %arg4[%add3A_737] : memref<640000xi32, #tpu.memory_space<hbm>> -> memref<80xi32, #tpu.memory_space<hbm>>
        %dma_wait3A_739 = tpu.memref_slice %arg4[%add3A_737] : memref<640000xi32, #tpu.memory_space<hbm>> -> memref<80xi32, #tpu.memory_space<hbm>>
        tpu.wait_dma2 semaphore(%arg24 : memref<!tpu.dma_semaphore, #tpu.memory_space<semaphore_mem>>) src(%dma_wait3A_739 : memref<80xi32, #tpu.memory_space<hbm>>) dst(%arg6 : memref<80xi32, #tpu.memory_space<vmem>>)
        %add3A_740 = arith.constant 320000 : i32
        %add3A_741 = arith.addi %add3A_740, %add3A_737 : i32
        %dma_wait3A_742 = tpu.memref_slice %arg4[%add3A_741] : memref<640000xi32, #tpu.memory_space<hbm>> -> memref<80xi32, #tpu.memory_space<hbm>>
        %dma_wait3A_743 = tpu.memref_slice %arg4[%add3A_741] : memref<640000xi32, #tpu.memory_space<hbm>> -> memref<80xi32, #tpu.memory_space<hbm>>
        tpu.wait_dma2 semaphore(%arg24 : memref<!tpu.dma_semaphore, #tpu.memory_space<semaphore_mem>>) src(%dma_wait3A_743 : memref<80xi32, #tpu.memory_space<hbm>>) dst(%arg7 : memref<80xi32, #tpu.memory_space<vmem>>)
        %get3A_744 = arith.constant 0 : index
        %get3A_745 = tpu.vector_load %arg6[%get3A_744] {strides = array<i32>} : memref<80xi32, #tpu.memory_space<vmem>>, vector<16xi32>,
        %get3A_746 = vector.shape_cast %get3A_745 : vector<16xi32> to vector<16xi32>
        %get3A_747 = arith.constant 0 : index
        %get3A_748 = tpu.vector_load %arg7[%get3A_747] {strides = array<i32>} : memref<80xi32, #tpu.memory_space<vmem>>, vector<16xi32>,
        %get3A_749 = vector.shape_cast %get3A_748 : vector<16xi32> to vector<16xi32>
        %lt3A_750 = arith.cmpi slt, %get3A_746, %get3A_749 : vector<16xi32>
        %ge3A_751 = vector.broadcast %mul3A_0 : i32 to vector<16xi32>
        %ge3A_752 = arith.cmpi sge, %get3A_746, %ge3A_751 : vector<16xi32>
        %add3A_753 = arith.constant 5000 : i32
        %add3A_754 = arith.addi %mul3A_0, %add3A_753 : i32
        %lt3A_755 = vector.broadcast %add3A_754 : i32 to vector<16xi32>
        %lt3A_756 = arith.cmpi slt, %get3A_746, %lt3A_755 : vector<16xi32>
        %and3A_757 = arith.andi %ge3A_752, %lt3A_756 : vector<16xi1>
        %ne3A_758 = arith.cmpi ne, %get3A_746, %get3A_749 : vector<16xi32>
        %and3A_759 = arith.andi %and3A_757, %ne3A_758 : vector<16xi1>
        %add3A_760 = arith.constant 0 : i32
        %add3A_761 = arith.addi %add3A_737, %add3A_760 : i32
        %add3A_762 = vector.broadcast %add3A_761 : i32 to vector<16xi32>
        %add3A_763 = arith.addi %add3A_762, %iota3A : vector<16xi32>
        %add3A_764 = arith.constant 10000 : i32
        %add3A_765 = vector.broadcast %add3A_764 : i32 to vector<16xi32>
        %add3A_766 = arith.addi %get3A_749, %add3A_765 : vector<16xi32>
        %select_n3A_767 = arith.select %lt3A_750, %add3A_766, %get3A_749 : vector<16xi1>, vector<16xi32>
        %swap3A_768 = arith.constant 0 : index
        %swap3A_769 = tpu.vector_load %arg10[%swap3A_768] {strides = array<i32>} : memref<80xi32, #tpu.memory_space<vmem>>, vector<16xi32>,
        %swap3A_770 = vector.shape_cast %swap3A_769 : vector<16xi32> to vector<16xi32>
        %swap3A_771 = vector.shape_cast %select_n3A_767 : vector<16xi32> to vector<16xi32>
        tpu.vector_store %arg10[%swap3A_768], %swap3A_771 {strides = array<i32>} : memref<80xi32, #tpu.memory_space<vmem>>, vector<16xi32>,
        %add3A_772 = arith.constant 320000 : i32
        %add3A_773 = vector.broadcast %add3A_772 : i32 to vector<16xi32>
        %add3A_774 = arith.addi %add3A_763, %add3A_773 : vector<16xi32>
        %select_n3A_775 = arith.select %lt3A_750, %add3A_774, %add3A_763 : vector<16xi1>, vector<16xi32>
        %swap3A_776 = arith.constant 0 : index
        %swap3A_777 = tpu.vector_load %arg11[%swap3A_776] {strides = array<i32>} : memref<80xi32, #tpu.memory_space<vmem>>, vector<16xi32>,
        %swap3A_778 = vector.shape_cast %swap3A_777 : vector<16xi32> to vector<16xi32>
        %swap3A_779 = vector.shape_cast %select_n3A_775 : vector<16xi32> to vector<16xi32>
        tpu.vector_store %arg11[%swap3A_776], %swap3A_779 {strides = array<i32>} : memref<80xi32, #tpu.memory_space<vmem>>, vector<16xi32>,
        %sub3A_780 = vector.broadcast %mul3A_0 : i32 to vector<16xi32>
        %sub3A_781 = arith.subi %get3A_746, %sub3A_780 : vector<16xi32>
        %mul3A_782 = arith.constant 2 : i32
        %mul3A_783 = vector.broadcast %mul3A_782 : i32 to vector<16xi32>
        %mul3A_784 = arith.muli %sub3A_781, %mul3A_783 : vector<16xi32>
        %add3A_785 = arith.constant 1 : i32
        %add3A_786 = vector.broadcast %add3A_785 : i32 to vector<16xi32>
        %add3A_787 = arith.addi %mul3A_784, %add3A_786 : vector<16xi32>
        %select_n3A_788 = arith.select %lt3A_750, %add3A_787, %mul3A_784 : vector<16xi1>, vector<16xi32>
        %mul3A_789 = arith.constant 15 : i32
        %mul3A_790 = arith.muli %arg1, %mul3A_789 : i32
        %add3A_791 = arith.constant 10000 : i32
        %add3A_792 = arith.addi %add3A_791, %mul3A_790 : i32
        %add3A_793 = arith.constant 0 : i32
        %add3A_794 = arith.addi %add3A_792, %add3A_793 : i32
        %broadcast_in_dim3A_795 = vector.broadcast %add3A_794 : i32 to vector<16xi32>
        %select_n3A_796 = arith.select %and3A_759, %select_n3A_788, %broadcast_in_dim3A_795 : vector<16xi1>, vector<16xi32>
        %swap3A_797 = arith.constant 0 : index
        %swap3A_798 = tpu.vector_load %arg12[%swap3A_797] {strides = array<i32>} : memref<80xi32, #tpu.memory_space<vmem>>, vector<16xi32>,
        %swap3A_799 = vector.shape_cast %swap3A_798 : vector<16xi32> to vector<16xi32>
        %swap3A_800 = vector.shape_cast %select_n3A_796 : vector<16xi32> to vector<16xi32>
        tpu.vector_store %arg12[%swap3A_797], %swap3A_800 {strides = array<i32>} : memref<80xi32, #tpu.memory_space<vmem>>, vector<16xi32>,
        %get3A_801 = arith.constant 16 : index
        %get3A_802 = tpu.vector_load %arg6[%get3A_801] {strides = array<i32>} : memref<80xi32, #tpu.memory_space<vmem>>, vector<16xi32>,
        %get3A_803 = vector.shape_cast %get3A_802 : vector<16xi32> to vector<16xi32>
        %get3A_804 = arith.constant 16 : index
        %get3A_805 = tpu.vector_load %arg7[%get3A_804] {strides = array<i32>} : memref<80xi32, #tpu.memory_space<vmem>>, vector<16xi32>,
        %get3A_806 = vector.shape_cast %get3A_805 : vector<16xi32> to vector<16xi32>
        %lt3A_807 = arith.cmpi slt, %get3A_803, %get3A_806 : vector<16xi32>
        %ge3A_808 = vector.broadcast %mul3A_0 : i32 to vector<16xi32>
        %ge3A_809 = arith.cmpi sge, %get3A_803, %ge3A_808 : vector<16xi32>
        %add3A_810 = arith.constant 5000 : i32
        %add3A_811 = arith.addi %mul3A_0, %add3A_810 : i32
        %lt3A_812 = vector.broadcast %add3A_811 : i32 to vector<16xi32>
        %lt3A_813 = arith.cmpi slt, %get3A_803, %lt3A_812 : vector<16xi32>
        %and3A_814 = arith.andi %ge3A_809, %lt3A_813 : vector<16xi1>
        %ne3A_815 = arith.cmpi ne, %get3A_803, %get3A_806 : vector<16xi32>
        %and3A_816 = arith.andi %and3A_814, %ne3A_815 : vector<16xi1>
        %add3A_817 = arith.constant 16 : i32
        %add3A_818 = arith.addi %add3A_737, %add3A_817 : i32
        %add3A_819 = vector.broadcast %add3A_818 : i32 to vector<16xi32>
        %add3A_820 = arith.addi %add3A_819, %iota3A : vector<16xi32>
        %add3A_821 = arith.constant 10000 : i32
        %add3A_822 = vector.broadcast %add3A_821 : i32 to vector<16xi32>
        %add3A_823 = arith.addi %get3A_806, %add3A_822 : vector<16xi32>
        %select_n3A_824 = arith.select %lt3A_807, %add3A_823, %get3A_806 : vector<16xi1>, vector<16xi32>
        %swap3A_825 = arith.constant 16 : index
        %swap3A_826 = tpu.vector_load %arg10[%swap3A_825] {strides = array<i32>} : memref<80xi32, #tpu.memory_space<vmem>>, vector<16xi32>,
        %swap3A_827 = vector.shape_cast %swap3A_826 : vector<16xi32> to vector<16xi32>
        %swap3A_828 = vector.shape_cast %select_n3A_824 : vector<16xi32> to vector<16xi32>
        tpu.vector_store %arg10[%swap3A_825], %swap3A_828 {strides = array<i32>} : memref<80xi32, #tpu.memory_space<vmem>>, vector<16xi32>,
        %add3A_829 = arith.constant 320000 : i32
        %add3A_830 = vector.broadcast %add3A_829 : i32 to vector<16xi32>
        %add3A_831 = arith.addi %add3A_820, %add3A_830 : vector<16xi32>
        %select_n3A_832 = arith.select %lt3A_807, %add3A_831, %add3A_820 : vector<16xi1>, vector<16xi32>
        %swap3A_833 = arith.constant 16 : index
        %swap3A_834 = tpu.vector_load %arg11[%swap3A_833] {strides = array<i32>} : memref<80xi32, #tpu.memory_space<vmem>>, vector<16xi32>,
        %swap3A_835 = vector.shape_cast %swap3A_834 : vector<16xi32> to vector<16xi32>
        %swap3A_836 = vector.shape_cast %select_n3A_832 : vector<16xi32> to vector<16xi32>
        tpu.vector_store %arg11[%swap3A_833], %swap3A_836 {strides = array<i32>} : memref<80xi32, #tpu.memory_space<vmem>>, vector<16xi32>,
        %sub3A_837 = vector.broadcast %mul3A_0 : i32 to vector<16xi32>
        %sub3A_838 = arith.subi %get3A_803, %sub3A_837 : vector<16xi32>
        %mul3A_839 = arith.constant 2 : i32
        %mul3A_840 = vector.broadcast %mul3A_839 : i32 to vector<16xi32>
        %mul3A_841 = arith.muli %sub3A_838, %mul3A_840 : vector<16xi32>
        %add3A_842 = arith.constant 1 : i32
        %add3A_843 = vector.broadcast %add3A_842 : i32 to vector<16xi32>
        %add3A_844 = arith.addi %mul3A_841, %add3A_843 : vector<16xi32>
        %select_n3A_845 = arith.select %lt3A_807, %add3A_844, %mul3A_841 : vector<16xi1>, vector<16xi32>
        %mul3A_846 = arith.constant 15 : i32
        %mul3A_847 = arith.muli %arg1, %mul3A_846 : i32
        %add3A_848 = arith.constant 10000 : i32
        %add3A_849 = arith.addi %add3A_848, %mul3A_847 : i32
        %add3A_850 = arith.constant 1 : i32
        %add3A_851 = arith.addi %add3A_849, %add3A_850 : i32
        %broadcast_in_dim3A_852 = vector.broadcast %add3A_851 : i32 to vector<16xi32>
        %select_n3A_853 = arith.select %and3A_816, %select_n3A_845, %broadcast_in_dim3A_852 : vector<16xi1>, vector<16xi32>
        %swap3A_854 = arith.constant 16 : index
        %swap3A_855 = tpu.vector_load %arg12[%swap3A_854] {strides = array<i32>} : memref<80xi32, #tpu.memory_space<vmem>>, vector<16xi32>,
        %swap3A_856 = vector.shape_cast %swap3A_855 : vector<16xi32> to vector<16xi32>
        %swap3A_857 = vector.shape_cast %select_n3A_853 : vector<16xi32> to vector<16xi32>
        tpu.vector_store %arg12[%swap3A_854], %swap3A_857 {strides = array<i32>} : memref<80xi32, #tpu.memory_space<vmem>>, vector<16xi32>,
        %get3A_858 = arith.constant 32 : index
        %get3A_859 = tpu.vector_load %arg6[%get3A_858] {strides = array<i32>} : memref<80xi32, #tpu.memory_space<vmem>>, vector<16xi32>,
        %get3A_860 = vector.shape_cast %get3A_859 : vector<16xi32> to vector<16xi32>
        %get3A_861 = arith.constant 32 : index
        %get3A_862 = tpu.vector_load %arg7[%get3A_861] {strides = array<i32>} : memref<80xi32, #tpu.memory_space<vmem>>, vector<16xi32>,
        %get3A_863 = vector.shape_cast %get3A_862 : vector<16xi32> to vector<16xi32>
        %lt3A_864 = arith.cmpi slt, %get3A_860, %get3A_863 : vector<16xi32>
        %ge3A_865 = vector.broadcast %mul3A_0 : i32 to vector<16xi32>
        %ge3A_866 = arith.cmpi sge, %get3A_860, %ge3A_865 : vector<16xi32>
        %add3A_867 = arith.constant 5000 : i32
        %add3A_868 = arith.addi %mul3A_0, %add3A_867 : i32
        %lt3A_869 = vector.broadcast %add3A_868 : i32 to vector<16xi32>
        %lt3A_870 = arith.cmpi slt, %get3A_860, %lt3A_869 : vector<16xi32>
        %and3A_871 = arith.andi %ge3A_866, %lt3A_870 : vector<16xi1>
        %ne3A_872 = arith.cmpi ne, %get3A_860, %get3A_863 : vector<16xi32>
        %and3A_873 = arith.andi %and3A_871, %ne3A_872 : vector<16xi1>
        %add3A_874 = arith.constant 32 : i32
        %add3A_875 = arith.addi %add3A_737, %add3A_874 : i32
        %add3A_876 = vector.broadcast %add3A_875 : i32 to vector<16xi32>
        %add3A_877 = arith.addi %add3A_876, %iota3A : vector<16xi32>
        %add3A_878 = arith.constant 10000 : i32
        %add3A_879 = vector.broadcast %add3A_878 : i32 to vector<16xi32>
        %add3A_880 = arith.addi %get3A_863, %add3A_879 : vector<16xi32>
        %select_n3A_881 = arith.select %lt3A_864, %add3A_880, %get3A_863 : vector<16xi1>, vector<16xi32>
        %swap3A_882 = arith.constant 32 : index
        %swap3A_883 = tpu.vector_load %arg10[%swap3A_882] {strides = array<i32>} : memref<80xi32, #tpu.memory_space<vmem>>, vector<16xi32>,
        %swap3A_884 = vector.shape_cast %swap3A_883 : vector<16xi32> to vector<16xi32>
        %swap3A_885 = vector.shape_cast %select_n3A_881 : vector<16xi32> to vector<16xi32>
        tpu.vector_store %arg10[%swap3A_882], %swap3A_885 {strides = array<i32>} : memref<80xi32, #tpu.memory_space<vmem>>, vector<16xi32>,
        %add3A_886 = arith.constant 320000 : i32
        %add3A_887 = vector.broadcast %add3A_886 : i32 to vector<16xi32>
        %add3A_888 = arith.addi %add3A_877, %add3A_887 : vector<16xi32>
        %select_n3A_889 = arith.select %lt3A_864, %add3A_888, %add3A_877 : vector<16xi1>, vector<16xi32>
        %swap3A_890 = arith.constant 32 : index
        %swap3A_891 = tpu.vector_load %arg11[%swap3A_890] {strides = array<i32>} : memref<80xi32, #tpu.memory_space<vmem>>, vector<16xi32>,
        %swap3A_892 = vector.shape_cast %swap3A_891 : vector<16xi32> to vector<16xi32>
        %swap3A_893 = vector.shape_cast %select_n3A_889 : vector<16xi32> to vector<16xi32>
        tpu.vector_store %arg11[%swap3A_890], %swap3A_893 {strides = array<i32>} : memref<80xi32, #tpu.memory_space<vmem>>, vector<16xi32>,
        %sub3A_894 = vector.broadcast %mul3A_0 : i32 to vector<16xi32>
        %sub3A_895 = arith.subi %get3A_860, %sub3A_894 : vector<16xi32>
        %mul3A_896 = arith.constant 2 : i32
        %mul3A_897 = vector.broadcast %mul3A_896 : i32 to vector<16xi32>
        %mul3A_898 = arith.muli %sub3A_895, %mul3A_897 : vector<16xi32>
        %add3A_899 = arith.constant 1 : i32
        %add3A_900 = vector.broadcast %add3A_899 : i32 to vector<16xi32>
        %add3A_901 = arith.addi %mul3A_898, %add3A_900 : vector<16xi32>
        %select_n3A_902 = arith.select %lt3A_864, %add3A_901, %mul3A_898 : vector<16xi1>, vector<16xi32>
        %mul3A_903 = arith.constant 15 : i32
        %mul3A_904 = arith.muli %arg1, %mul3A_903 : i32
        %add3A_905 = arith.constant 10000 : i32
        %add3A_906 = arith.addi %add3A_905, %mul3A_904 : i32
        %add3A_907 = arith.constant 2 : i32
        %add3A_908 = arith.addi %add3A_906, %add3A_907 : i32
        %broadcast_in_dim3A_909 = vector.broadcast %add3A_908 : i32 to vector<16xi32>
        %select_n3A_910 = arith.select %and3A_873, %select_n3A_902, %broadcast_in_dim3A_909 : vector<16xi1>, vector<16xi32>
        %swap3A_911 = arith.constant 32 : index
        %swap3A_912 = tpu.vector_load %arg12[%swap3A_911] {strides = array<i32>} : memref<80xi32, #tpu.memory_space<vmem>>, vector<16xi32>,
        %swap3A_913 = vector.shape_cast %swap3A_912 : vector<16xi32> to vector<16xi32>
        %swap3A_914 = vector.shape_cast %select_n3A_910 : vector<16xi32> to vector<16xi32>
        tpu.vector_store %arg12[%swap3A_911], %swap3A_914 {strides = array<i32>} : memref<80xi32, #tpu.memory_space<vmem>>, vector<16xi32>,
        %get3A_915 = arith.constant 48 : index
        %get3A_916 = tpu.vector_load %arg6[%get3A_915] {strides = array<i32>} : memref<80xi32, #tpu.memory_space<vmem>>, vector<16xi32>,
        %get3A_917 = vector.shape_cast %get3A_916 : vector<16xi32> to vector<16xi32>
        %get3A_918 = arith.constant 48 : index
        %get3A_919 = tpu.vector_load %arg7[%get3A_918] {strides = array<i32>} : memref<80xi32, #tpu.memory_space<vmem>>, vector<16xi32>,
        %get3A_920 = vector.shape_cast %get3A_919 : vector<16xi32> to vector<16xi32>
        %lt3A_921 = arith.cmpi slt, %get3A_917, %get3A_920 : vector<16xi32>
        %ge3A_922 = vector.broadcast %mul3A_0 : i32 to vector<16xi32>
        %ge3A_923 = arith.cmpi sge, %get3A_917, %ge3A_922 : vector<16xi32>
        %add3A_924 = arith.constant 5000 : i32
        %add3A_925 = arith.addi %mul3A_0, %add3A_924 : i32
        %lt3A_926 = vector.broadcast %add3A_925 : i32 to vector<16xi32>
        %lt3A_927 = arith.cmpi slt, %get3A_917, %lt3A_926 : vector<16xi32>
        %and3A_928 = arith.andi %ge3A_923, %lt3A_927 : vector<16xi1>
        %ne3A_929 = arith.cmpi ne, %get3A_917, %get3A_920 : vector<16xi32>
        %and3A_930 = arith.andi %and3A_928, %ne3A_929 : vector<16xi1>
        %add3A_931 = arith.constant 48 : i32
        %add3A_932 = arith.addi %add3A_737, %add3A_931 : i32
        %add3A_933 = vector.broadcast %add3A_932 : i32 to vector<16xi32>
        %add3A_934 = arith.addi %add3A_933, %iota3A : vector<16xi32>
        %add3A_935 = arith.constant 10000 : i32
        %add3A_936 = vector.broadcast %add3A_935 : i32 to vector<16xi32>
        %add3A_937 = arith.addi %get3A_920, %add3A_936 : vector<16xi32>
        %select_n3A_938 = arith.select %lt3A_921, %add3A_937, %get3A_920 : vector<16xi1>, vector<16xi32>
        %swap3A_939 = arith.constant 48 : index
        %swap3A_940 = tpu.vector_load %arg10[%swap3A_939] {strides = array<i32>} : memref<80xi32, #tpu.memory_space<vmem>>, vector<16xi32>,
        %swap3A_941 = vector.shape_cast %swap3A_940 : vector<16xi32> to vector<16xi32>
        %swap3A_942 = vector.shape_cast %select_n3A_938 : vector<16xi32> to vector<16xi32>
        tpu.vector_store %arg10[%swap3A_939], %swap3A_942 {strides = array<i32>} : memref<80xi32, #tpu.memory_space<vmem>>, vector<16xi32>,
        %add3A_943 = arith.constant 320000 : i32
        %add3A_944 = vector.broadcast %add3A_943 : i32 to vector<16xi32>
        %add3A_945 = arith.addi %add3A_934, %add3A_944 : vector<16xi32>
        %select_n3A_946 = arith.select %lt3A_921, %add3A_945, %add3A_934 : vector<16xi1>, vector<16xi32>
        %swap3A_947 = arith.constant 48 : index
        %swap3A_948 = tpu.vector_load %arg11[%swap3A_947] {strides = array<i32>} : memref<80xi32, #tpu.memory_space<vmem>>, vector<16xi32>,
        %swap3A_949 = vector.shape_cast %swap3A_948 : vector<16xi32> to vector<16xi32>
        %swap3A_950 = vector.shape_cast %select_n3A_946 : vector<16xi32> to vector<16xi32>
        tpu.vector_store %arg11[%swap3A_947], %swap3A_950 {strides = array<i32>} : memref<80xi32, #tpu.memory_space<vmem>>, vector<16xi32>,
        %sub3A_951 = vector.broadcast %mul3A_0 : i32 to vector<16xi32>
        %sub3A_952 = arith.subi %get3A_917, %sub3A_951 : vector<16xi32>
        %mul3A_953 = arith.constant 2 : i32
        %mul3A_954 = vector.broadcast %mul3A_953 : i32 to vector<16xi32>
        %mul3A_955 = arith.muli %sub3A_952, %mul3A_954 : vector<16xi32>
        %add3A_956 = arith.constant 1 : i32
        %add3A_957 = vector.broadcast %add3A_956 : i32 to vector<16xi32>
        %add3A_958 = arith.addi %mul3A_955, %add3A_957 : vector<16xi32>
        %select_n3A_959 = arith.select %lt3A_921, %add3A_958, %mul3A_955 : vector<16xi1>, vector<16xi32>
        %mul3A_960 = arith.constant 15 : i32
        %mul3A_961 = arith.muli %arg1, %mul3A_960 : i32
        %add3A_962 = arith.constant 10000 : i32
        %add3A_963 = arith.addi %add3A_962, %mul3A_961 : i32
        %add3A_964 = arith.constant 3 : i32
        %add3A_965 = arith.addi %add3A_963, %add3A_964 : i32
        %broadcast_in_dim3A_966 = vector.broadcast %add3A_965 : i32 to vector<16xi32>
        %select_n3A_967 = arith.select %and3A_930, %select_n3A_959, %broadcast_in_dim3A_966 : vector<16xi1>, vector<16xi32>
        %swap3A_968 = arith.constant 48 : index
        %swap3A_969 = tpu.vector_load %arg12[%swap3A_968] {strides = array<i32>} : memref<80xi32, #tpu.memory_space<vmem>>, vector<16xi32>,
        %swap3A_970 = vector.shape_cast %swap3A_969 : vector<16xi32> to vector<16xi32>
        %swap3A_971 = vector.shape_cast %select_n3A_967 : vector<16xi32> to vector<16xi32>
        tpu.vector_store %arg12[%swap3A_968], %swap3A_971 {strides = array<i32>} : memref<80xi32, #tpu.memory_space<vmem>>, vector<16xi32>,
        %get3A_972 = arith.constant 64 : index
        %get3A_973 = tpu.vector_load %arg6[%get3A_972] {strides = array<i32>} : memref<80xi32, #tpu.memory_space<vmem>>, vector<16xi32>,
        %get3A_974 = vector.shape_cast %get3A_973 : vector<16xi32> to vector<16xi32>
        %get3A_975 = arith.constant 64 : index
        %get3A_976 = tpu.vector_load %arg7[%get3A_975] {strides = array<i32>} : memref<80xi32, #tpu.memory_space<vmem>>, vector<16xi32>,
        %get3A_977 = vector.shape_cast %get3A_976 : vector<16xi32> to vector<16xi32>
        %lt3A_978 = arith.cmpi slt, %get3A_974, %get3A_977 : vector<16xi32>
        %ge3A_979 = vector.broadcast %mul3A_0 : i32 to vector<16xi32>
        %ge3A_980 = arith.cmpi sge, %get3A_974, %ge3A_979 : vector<16xi32>
        %add3A_981 = arith.constant 5000 : i32
        %add3A_982 = arith.addi %mul3A_0, %add3A_981 : i32
        %lt3A_983 = vector.broadcast %add3A_982 : i32 to vector<16xi32>
        %lt3A_984 = arith.cmpi slt, %get3A_974, %lt3A_983 : vector<16xi32>
        %and3A_985 = arith.andi %ge3A_980, %lt3A_984 : vector<16xi1>
        %ne3A_986 = arith.cmpi ne, %get3A_974, %get3A_977 : vector<16xi32>
        %and3A_987 = arith.andi %and3A_985, %ne3A_986 : vector<16xi1>
        %add3A_988 = arith.constant 64 : i32
        %add3A_989 = arith.addi %add3A_737, %add3A_988 : i32
        %add3A_990 = vector.broadcast %add3A_989 : i32 to vector<16xi32>
        %add3A_991 = arith.addi %add3A_990, %iota3A : vector<16xi32>
        %add3A_992 = arith.constant 10000 : i32
        %add3A_993 = vector.broadcast %add3A_992 : i32 to vector<16xi32>
        %add3A_994 = arith.addi %get3A_977, %add3A_993 : vector<16xi32>
        %select_n3A_995 = arith.select %lt3A_978, %add3A_994, %get3A_977 : vector<16xi1>, vector<16xi32>
        %swap3A_996 = arith.constant 64 : index
        %swap3A_997 = tpu.vector_load %arg10[%swap3A_996] {strides = array<i32>} : memref<80xi32, #tpu.memory_space<vmem>>, vector<16xi32>,
        %swap3A_998 = vector.shape_cast %swap3A_997 : vector<16xi32> to vector<16xi32>
        %swap3A_999 = vector.shape_cast %select_n3A_995 : vector<16xi32> to vector<16xi32>
        tpu.vector_store %arg10[%swap3A_996], %swap3A_999 {strides = array<i32>} : memref<80xi32, #tpu.memory_space<vmem>>, vector<16xi32>,
        %add3A_1000 = arith.constant 320000 : i32
        %add3A_1001 = vector.broadcast %add3A_1000 : i32 to vector<16xi32>
        %add3A_1002 = arith.addi %add3A_991, %add3A_1001 : vector<16xi32>
        %select_n3A_1003 = arith.select %lt3A_978, %add3A_1002, %add3A_991 : vector<16xi1>, vector<16xi32>
        %swap3A_1004 = arith.constant 64 : index
        %swap3A_1005 = tpu.vector_load %arg11[%swap3A_1004] {strides = array<i32>} : memref<80xi32, #tpu.memory_space<vmem>>, vector<16xi32>,
        %swap3A_1006 = vector.shape_cast %swap3A_1005 : vector<16xi32> to vector<16xi32>
        %swap3A_1007 = vector.shape_cast %select_n3A_1003 : vector<16xi32> to vector<16xi32>
        tpu.vector_store %arg11[%swap3A_1004], %swap3A_1007 {strides = array<i32>} : memref<80xi32, #tpu.memory_space<vmem>>, vector<16xi32>,
        %sub3A_1008 = vector.broadcast %mul3A_0 : i32 to vector<16xi32>
        %sub3A_1009 = arith.subi %get3A_974, %sub3A_1008 : vector<16xi32>
        %mul3A_1010 = arith.constant 2 : i32
        %mul3A_1011 = vector.broadcast %mul3A_1010 : i32 to vector<16xi32>
        %mul3A_1012 = arith.muli %sub3A_1009, %mul3A_1011 : vector<16xi32>
        %add3A_1013 = arith.constant 1 : i32
        %add3A_1014 = vector.broadcast %add3A_1013 : i32 to vector<16xi32>
        %add3A_1015 = arith.addi %mul3A_1012, %add3A_1014 : vector<16xi32>
        %select_n3A_1016 = arith.select %lt3A_978, %add3A_1015, %mul3A_1012 : vector<16xi1>, vector<16xi32>
        %mul3A_1017 = arith.constant 15 : i32
        %mul3A_1018 = arith.muli %arg1, %mul3A_1017 : i32
        %add3A_1019 = arith.constant 10000 : i32
        %add3A_1020 = arith.addi %add3A_1019, %mul3A_1018 : i32
        %add3A_1021 = arith.constant 4 : i32
        %add3A_1022 = arith.addi %add3A_1020, %add3A_1021 : i32
        %broadcast_in_dim3A_1023 = vector.broadcast %add3A_1022 : i32 to vector<16xi32>
        %select_n3A_1024 = arith.select %and3A_987, %select_n3A_1016, %broadcast_in_dim3A_1023 : vector<16xi1>, vector<16xi32>
        %swap3A_1025 = arith.constant 64 : index
        %swap3A_1026 = tpu.vector_load %arg12[%swap3A_1025] {strides = array<i32>} : memref<80xi32, #tpu.memory_space<vmem>>, vector<16xi32>,
        %swap3A_1027 = vector.shape_cast %swap3A_1026 : vector<16xi32> to vector<16xi32>
        %swap3A_1028 = vector.shape_cast %select_n3A_1024 : vector<16xi32> to vector<16xi32>
        tpu.vector_store %arg12[%swap3A_1025], %swap3A_1028 {strides = array<i32>} : memref<80xi32, #tpu.memory_space<vmem>>, vector<16xi32>,
        %dma_start3A_1029 = arith.constant 0 : i32
        %dma_start3A_1030 = arith.constant 0 : i32
        %dma_start3A_1031 = tpu.memref_slice %arg2[%dma_start3A_1029, %dma_start3A_1030] : memref<20000x128xf32, #tpu.memory_space<hbm>> -> memref<20000x128xf32, #tpu.memory_space<hbm>>
        tpu.enqueue_indirect_dma source(%dma_start3A_1031 : memref<20000x128xf32, #tpu.memory_space<hbm>>) target(%arg16 : memref<80x128xf32, #tpu.memory_space<vmem>>) offsets(%arg10 : memref<80xi32, #tpu.memory_space<vmem>>) semaphore(%arg22 : memref<!tpu.dma_semaphore, #tpu.memory_space<semaphore_mem>>)
        %dma_start3A_1032 = arith.constant 0 : i32
        %dma_start3A_1033 = arith.constant 0 : i32
        %dma_start3A_1034 = tpu.memref_slice %arg3[%dma_start3A_1032, %dma_start3A_1033] : memref<640000x128xf32, #tpu.memory_space<hbm>> -> memref<640000x128xf32, #tpu.memory_space<hbm>>
        tpu.enqueue_indirect_dma source(%dma_start3A_1034 : memref<640000x128xf32, #tpu.memory_space<hbm>>) target(%arg17 : memref<80x128xf32, #tpu.memory_space<vmem>>) offsets(%arg11 : memref<80xi32, #tpu.memory_space<vmem>>) semaphore(%arg22 : memref<!tpu.dma_semaphore, #tpu.memory_space<semaphore_mem>>)
      } else {
      }
      %add3A_710 = arith.constant 3 : i32
      %add3A_711 = arith.addi %mul3A_378, %add3A_710 : i32
      %lt3A_712 = arith.constant 250 : i32
      %lt3A_713 = arith.cmpi slt, %add3A_711, %lt3A_712 : i32
      %convert_element_type3A_714 = arith.extui %lt3A_713 : i1 to i32
      %cond3A_715 = arith.constant 0 : i32
      %cond3A_716 = arith.cmpi ne, %convert_element_type3A_714, %cond3A_715 : i32
      scf.if %cond3A_716 {
        %add3A_731 = arith.constant 3 : i32
        %add3A_732 = arith.addi %mul3A_378, %add3A_731 : i32
        %mul3A_733 = arith.constant 20000 : i32
        %mul3A_734 = arith.muli %arg1, %mul3A_733 : i32
        %mul3A_735 = arith.constant 80 : i32
        %mul3A_736 = arith.muli %add3A_732, %mul3A_735 : i32
        %add3A_737 = arith.addi %mul3A_734, %mul3A_736 : i32
        %dma_start3A_738 = tpu.memref_slice %arg4[%add3A_737] : memref<640000xi32, #tpu.memory_space<hbm>> -> memref<80xi32, #tpu.memory_space<hbm>>
        %dma_start3A_739 = tpu.memref_slice %arg4[%add3A_737] : memref<640000xi32, #tpu.memory_space<hbm>> -> memref<80xi32, #tpu.memory_space<hbm>>
        tpu.enqueue_dma source(%dma_start3A_739 : memref<80xi32, #tpu.memory_space<hbm>>) target(%arg8 : memref<80xi32, #tpu.memory_space<vmem>>) target_semaphore(%arg25 : memref<!tpu.dma_semaphore, #tpu.memory_space<semaphore_mem>>)
        %add3A_740 = arith.constant 320000 : i32
        %add3A_741 = arith.addi %add3A_740, %add3A_737 : i32
        %dma_start3A_742 = tpu.memref_slice %arg4[%add3A_741] : memref<640000xi32, #tpu.memory_space<hbm>> -> memref<80xi32, #tpu.memory_space<hbm>>
        %dma_start3A_743 = tpu.memref_slice %arg4[%add3A_741] : memref<640000xi32, #tpu.memory_space<hbm>> -> memref<80xi32, #tpu.memory_space<hbm>>
        tpu.enqueue_dma source(%dma_start3A_743 : memref<80xi32, #tpu.memory_space<hbm>>) target(%arg9 : memref<80xi32, #tpu.memory_space<vmem>>) target_semaphore(%arg25 : memref<!tpu.dma_semaphore, #tpu.memory_space<semaphore_mem>>)
      } else {
      }
      %dma_wait3A_717 = arith.constant 0 : i32
      %dma_wait3A_718 = arith.constant 0 : i32
      %dma_wait3A_719 = tpu.memref_slice %arg2[%dma_wait3A_717, %dma_wait3A_718] : memref<20000x128xf32, #tpu.memory_space<hbm>> -> memref<20000x128xf32, #tpu.memory_space<hbm>>
      tpu.wait_indirect_dma semaphore(%arg23 : memref<!tpu.dma_semaphore, #tpu.memory_space<semaphore_mem>>) src(%dma_wait3A_719 : memref<20000x128xf32, #tpu.memory_space<hbm>>) dst(%arg18 : memref<80x128xf32, #tpu.memory_space<vmem>>)
      %dma_wait3A_720 = arith.constant 0 : i32
      %dma_wait3A_721 = arith.constant 0 : i32
      %dma_wait3A_722 = tpu.memref_slice %arg3[%dma_wait3A_720, %dma_wait3A_721] : memref<640000x128xf32, #tpu.memory_space<hbm>> -> memref<640000x128xf32, #tpu.memory_space<hbm>>
      tpu.wait_indirect_dma semaphore(%arg23 : memref<!tpu.dma_semaphore, #tpu.memory_space<semaphore_mem>>) src(%dma_wait3A_722 : memref<640000x128xf32, #tpu.memory_space<hbm>>) dst(%arg19 : memref<80x128xf32, #tpu.memory_space<vmem>>)
      %scan3A_723 = arith.constant 0 : i32
      %scan3A_724 = arith.constant 0 : i32
      %scan3A_725 = arith.constant 80 : i32
      %scan3A_726 = arith.addi %scan3A_724, %scan3A_725 : i32
      %scan3A_727 = arith.constant 1 : i32
      %scan3A_728 = scf.for %scan3A_731 = %scan3A_724 to %scan3A_726 step %scan3A_727 iter_args(%scan3A_732 = %scan3A_723) -> (i32)  : i32 {
        %get3A_733 = arith.index_cast %scan3A_731 : i32 to index
        %get3A_734 = arith.constant 0 : index
        %get3A_735 = tpu.vector_load %arg19[%get3A_733, %get3A_734] {strides = array<i32>} : memref<80x128xf32, #tpu.memory_space<vmem>>, vector<1x16xf32>,
        %get3A_736 = vector.shape_cast %get3A_735 : vector<1x16xf32> to vector<16xf32>
        %get3A_737 = arith.index_cast %scan3A_731 : i32 to index
        %get3A_738 = arith.constant 0 : index
        %get3A_739 = tpu.vector_load %arg18[%get3A_737, %get3A_738] {strides = array<i32>} : memref<80x128xf32, #tpu.memory_space<vmem>>, vector<1x16xf32>,
        %get3A_740 = vector.shape_cast %get3A_739 : vector<1x16xf32> to vector<16xf32>
        %add3A_741 = arith.addf %get3A_736, %get3A_740 : vector<16xf32>
        %max3A = arith.constant 0.000000e+00 : f32
        %max3A_742 = vector.broadcast %max3A : f32 to vector<16xf32>
        %max3A_743 = arith.maximumf %add3A_741, %max3A_742 : vector<16xf32>
        %swap3A_744 = arith.index_cast %scan3A_731 : i32 to index
        %swap3A_745 = arith.constant 0 : index
        %swap3A_746 = tpu.vector_load %arg19[%swap3A_744, %swap3A_745] {strides = array<i32>} : memref<80x128xf32, #tpu.memory_space<vmem>>, vector<1x16xf32>,
        %swap3A_747 = vector.shape_cast %swap3A_746 : vector<1x16xf32> to vector<16xf32>
        %swap3A_748 = vector.shape_cast %max3A_743 : vector<16xf32> to vector<1x16xf32>
        tpu.vector_store %arg19[%swap3A_744, %swap3A_745], %swap3A_748 {strides = array<i32>} : memref<80x128xf32, #tpu.memory_space<vmem>>, vector<1x16xf32>,
        %get3A_749 = arith.index_cast %scan3A_731 : i32 to index
        %get3A_750 = arith.constant 16 : index
        %get3A_751 = tpu.vector_load %arg19[%get3A_749, %get3A_750] {strides = array<i32>} : memref<80x128xf32, #tpu.memory_space<vmem>>, vector<1x16xf32>,
        %get3A_752 = vector.shape_cast %get3A_751 : vector<1x16xf32> to vector<16xf32>
        %get3A_753 = arith.index_cast %scan3A_731 : i32 to index
        %get3A_754 = arith.constant 16 : index
        %get3A_755 = tpu.vector_load %arg18[%get3A_753, %get3A_754] {strides = array<i32>} : memref<80x128xf32, #tpu.memory_space<vmem>>, vector<1x16xf32>,
        %get3A_756 = vector.shape_cast %get3A_755 : vector<1x16xf32> to vector<16xf32>
        %add3A_757 = arith.addf %get3A_752, %get3A_756 : vector<16xf32>
        %max3A_758 = arith.constant 0.000000e+00 : f32
        %max3A_759 = vector.broadcast %max3A_758 : f32 to vector<16xf32>
        %max3A_760 = arith.maximumf %add3A_757, %max3A_759 : vector<16xf32>
        %swap3A_761 = arith.index_cast %scan3A_731 : i32 to index
        %swap3A_762 = arith.constant 16 : index
        %swap3A_763 = tpu.vector_load %arg19[%swap3A_761, %swap3A_762] {strides = array<i32>} : memref<80x128xf32, #tpu.memory_space<vmem>>, vector<1x16xf32>,
        %swap3A_764 = vector.shape_cast %swap3A_763 : vector<1x16xf32> to vector<16xf32>
        %swap3A_765 = vector.shape_cast %max3A_760 : vector<16xf32> to vector<1x16xf32>
        tpu.vector_store %arg19[%swap3A_761, %swap3A_762], %swap3A_765 {strides = array<i32>} : memref<80x128xf32, #tpu.memory_space<vmem>>, vector<1x16xf32>,
        %get3A_766 = arith.index_cast %scan3A_731 : i32 to index
        %get3A_767 = arith.constant 32 : index
        %get3A_768 = tpu.vector_load %arg19[%get3A_766, %get3A_767] {strides = array<i32>} : memref<80x128xf32, #tpu.memory_space<vmem>>, vector<1x16xf32>,
        %get3A_769 = vector.shape_cast %get3A_768 : vector<1x16xf32> to vector<16xf32>
        %get3A_770 = arith.index_cast %scan3A_731 : i32 to index
        %get3A_771 = arith.constant 32 : index
        %get3A_772 = tpu.vector_load %arg18[%get3A_770, %get3A_771] {strides = array<i32>} : memref<80x128xf32, #tpu.memory_space<vmem>>, vector<1x16xf32>,
        %get3A_773 = vector.shape_cast %get3A_772 : vector<1x16xf32> to vector<16xf32>
        %add3A_774 = arith.addf %get3A_769, %get3A_773 : vector<16xf32>
        %max3A_775 = arith.constant 0.000000e+00 : f32
        %max3A_776 = vector.broadcast %max3A_775 : f32 to vector<16xf32>
        %max3A_777 = arith.maximumf %add3A_774, %max3A_776 : vector<16xf32>
        %swap3A_778 = arith.index_cast %scan3A_731 : i32 to index
        %swap3A_779 = arith.constant 32 : index
        %swap3A_780 = tpu.vector_load %arg19[%swap3A_778, %swap3A_779] {strides = array<i32>} : memref<80x128xf32, #tpu.memory_space<vmem>>, vector<1x16xf32>,
        %swap3A_781 = vector.shape_cast %swap3A_780 : vector<1x16xf32> to vector<16xf32>
        %swap3A_782 = vector.shape_cast %max3A_777 : vector<16xf32> to vector<1x16xf32>
        tpu.vector_store %arg19[%swap3A_778, %swap3A_779], %swap3A_782 {strides = array<i32>} : memref<80x128xf32, #tpu.memory_space<vmem>>, vector<1x16xf32>,
        %get3A_783 = arith.index_cast %scan3A_731 : i32 to index
        %get3A_784 = arith.constant 48 : index
        %get3A_785 = tpu.vector_load %arg19[%get3A_783, %get3A_784] {strides = array<i32>} : memref<80x128xf32, #tpu.memory_space<vmem>>, vector<1x16xf32>,
        %get3A_786 = vector.shape_cast %get3A_785 : vector<1x16xf32> to vector<16xf32>
        %get3A_787 = arith.index_cast %scan3A_731 : i32 to index
        %get3A_788 = arith.constant 48 : index
        %get3A_789 = tpu.vector_load %arg18[%get3A_787, %get3A_788] {strides = array<i32>} : memref<80x128xf32, #tpu.memory_space<vmem>>, vector<1x16xf32>,
        %get3A_790 = vector.shape_cast %get3A_789 : vector<1x16xf32> to vector<16xf32>
        %add3A_791 = arith.addf %get3A_786, %get3A_790 : vector<16xf32>
        %max3A_792 = arith.constant 0.000000e+00 : f32
        %max3A_793 = vector.broadcast %max3A_792 : f32 to vector<16xf32>
        %max3A_794 = arith.maximumf %add3A_791, %max3A_793 : vector<16xf32>
        %swap3A_795 = arith.index_cast %scan3A_731 : i32 to index
        %swap3A_796 = arith.constant 48 : index
        %swap3A_797 = tpu.vector_load %arg19[%swap3A_795, %swap3A_796] {strides = array<i32>} : memref<80x128xf32, #tpu.memory_space<vmem>>, vector<1x16xf32>,
        %swap3A_798 = vector.shape_cast %swap3A_797 : vector<1x16xf32> to vector<16xf32>
        %swap3A_799 = vector.shape_cast %max3A_794 : vector<16xf32> to vector<1x16xf32>
        tpu.vector_store %arg19[%swap3A_795, %swap3A_796], %swap3A_799 {strides = array<i32>} : memref<80x128xf32, #tpu.memory_space<vmem>>, vector<1x16xf32>,
        %get3A_800 = arith.index_cast %scan3A_731 : i32 to index
        %get3A_801 = arith.constant 64 : index
        %get3A_802 = tpu.vector_load %arg19[%get3A_800, %get3A_801] {strides = array<i32>} : memref<80x128xf32, #tpu.memory_space<vmem>>, vector<1x16xf32>,
        %get3A_803 = vector.shape_cast %get3A_802 : vector<1x16xf32> to vector<16xf32>
        %get3A_804 = arith.index_cast %scan3A_731 : i32 to index
        %get3A_805 = arith.constant 64 : index
        %get3A_806 = tpu.vector_load %arg18[%get3A_804, %get3A_805] {strides = array<i32>} : memref<80x128xf32, #tpu.memory_space<vmem>>, vector<1x16xf32>,
        %get3A_807 = vector.shape_cast %get3A_806 : vector<1x16xf32> to vector<16xf32>
        %add3A_808 = arith.addf %get3A_803, %get3A_807 : vector<16xf32>
        %max3A_809 = arith.constant 0.000000e+00 : f32
        %max3A_810 = vector.broadcast %max3A_809 : f32 to vector<16xf32>
        %max3A_811 = arith.maximumf %add3A_808, %max3A_810 : vector<16xf32>
        %swap3A_812 = arith.index_cast %scan3A_731 : i32 to index
        %swap3A_813 = arith.constant 64 : index
        %swap3A_814 = tpu.vector_load %arg19[%swap3A_812, %swap3A_813] {strides = array<i32>} : memref<80x128xf32, #tpu.memory_space<vmem>>, vector<1x16xf32>,
        %swap3A_815 = vector.shape_cast %swap3A_814 : vector<1x16xf32> to vector<16xf32>
        %swap3A_816 = vector.shape_cast %max3A_811 : vector<16xf32> to vector<1x16xf32>
        tpu.vector_store %arg19[%swap3A_812, %swap3A_813], %swap3A_816 {strides = array<i32>} : memref<80x128xf32, #tpu.memory_space<vmem>>, vector<1x16xf32>,
        %get3A_817 = arith.index_cast %scan3A_731 : i32 to index
        %get3A_818 = arith.constant 80 : index
        %get3A_819 = tpu.vector_load %arg19[%get3A_817, %get3A_818] {strides = array<i32>} : memref<80x128xf32, #tpu.memory_space<vmem>>, vector<1x16xf32>,
        %get3A_820 = vector.shape_cast %get3A_819 : vector<1x16xf32> to vector<16xf32>
        %get3A_821 = arith.index_cast %scan3A_731 : i32 to index
        %get3A_822 = arith.constant 80 : index
        %get3A_823 = tpu.vector_load %arg18[%get3A_821, %get3A_822] {strides = array<i32>} : memref<80x128xf32, #tpu.memory_space<vmem>>, vector<1x16xf32>,
        %get3A_824 = vector.shape_cast %get3A_823 : vector<1x16xf32> to vector<16xf32>
        %add3A_825 = arith.addf %get3A_820, %get3A_824 : vector<16xf32>
        %max3A_826 = arith.constant 0.000000e+00 : f32
        %max3A_827 = vector.broadcast %max3A_826 : f32 to vector<16xf32>
        %max3A_828 = arith.maximumf %add3A_825, %max3A_827 : vector<16xf32>
        %swap3A_829 = arith.index_cast %scan3A_731 : i32 to index
        %swap3A_830 = arith.constant 80 : index
        %swap3A_831 = tpu.vector_load %arg19[%swap3A_829, %swap3A_830] {strides = array<i32>} : memref<80x128xf32, #tpu.memory_space<vmem>>, vector<1x16xf32>,
        %swap3A_832 = vector.shape_cast %swap3A_831 : vector<1x16xf32> to vector<16xf32>
        %swap3A_833 = vector.shape_cast %max3A_828 : vector<16xf32> to vector<1x16xf32>
        tpu.vector_store %arg19[%swap3A_829, %swap3A_830], %swap3A_833 {strides = array<i32>} : memref<80x128xf32, #tpu.memory_space<vmem>>, vector<1x16xf32>,
        %get3A_834 = arith.index_cast %scan3A_731 : i32 to index
        %get3A_835 = arith.constant 96 : index
        %get3A_836 = tpu.vector_load %arg19[%get3A_834, %get3A_835] {strides = array<i32>} : memref<80x128xf32, #tpu.memory_space<vmem>>, vector<1x16xf32>,
        %get3A_837 = vector.shape_cast %get3A_836 : vector<1x16xf32> to vector<16xf32>
        %get3A_838 = arith.index_cast %scan3A_731 : i32 to index
        %get3A_839 = arith.constant 96 : index
        %get3A_840 = tpu.vector_load %arg18[%get3A_838, %get3A_839] {strides = array<i32>} : memref<80x128xf32, #tpu.memory_space<vmem>>, vector<1x16xf32>,
        %get3A_841 = vector.shape_cast %get3A_840 : vector<1x16xf32> to vector<16xf32>
        %add3A_842 = arith.addf %get3A_837, %get3A_841 : vector<16xf32>
        %max3A_843 = arith.constant 0.000000e+00 : f32
        %max3A_844 = vector.broadcast %max3A_843 : f32 to vector<16xf32>
        %max3A_845 = arith.maximumf %add3A_842, %max3A_844 : vector<16xf32>
        %swap3A_846 = arith.index_cast %scan3A_731 : i32 to index
        %swap3A_847 = arith.constant 96 : index
        %swap3A_848 = tpu.vector_load %arg19[%swap3A_846, %swap3A_847] {strides = array<i32>} : memref<80x128xf32, #tpu.memory_space<vmem>>, vector<1x16xf32>,
        %swap3A_849 = vector.shape_cast %swap3A_848 : vector<1x16xf32> to vector<16xf32>
        %swap3A_850 = vector.shape_cast %max3A_845 : vector<16xf32> to vector<1x16xf32>
        tpu.vector_store %arg19[%swap3A_846, %swap3A_847], %swap3A_850 {strides = array<i32>} : memref<80x128xf32, #tpu.memory_space<vmem>>, vector<1x16xf32>,
        %get3A_851 = arith.index_cast %scan3A_731 : i32 to index
        %get3A_852 = arith.constant 112 : index
        %get3A_853 = tpu.vector_load %arg19[%get3A_851, %get3A_852] {strides = array<i32>} : memref<80x128xf32, #tpu.memory_space<vmem>>, vector<1x16xf32>,
        %get3A_854 = vector.shape_cast %get3A_853 : vector<1x16xf32> to vector<16xf32>
        %get3A_855 = arith.index_cast %scan3A_731 : i32 to index
        %get3A_856 = arith.constant 112 : index
        %get3A_857 = tpu.vector_load %arg18[%get3A_855, %get3A_856] {strides = array<i32>} : memref<80x128xf32, #tpu.memory_space<vmem>>, vector<1x16xf32>,
        %get3A_858 = vector.shape_cast %get3A_857 : vector<1x16xf32> to vector<16xf32>
        %add3A_859 = arith.addf %get3A_854, %get3A_858 : vector<16xf32>
        %max3A_860 = arith.constant 0.000000e+00 : f32
        %max3A_861 = vector.broadcast %max3A_860 : f32 to vector<16xf32>
        %max3A_862 = arith.maximumf %add3A_859, %max3A_861 : vector<16xf32>
        %swap3A_863 = arith.index_cast %scan3A_731 : i32 to index
        %swap3A_864 = arith.constant 112 : index
        %swap3A_865 = tpu.vector_load %arg19[%swap3A_863, %swap3A_864] {strides = array<i32>} : memref<80x128xf32, #tpu.memory_space<vmem>>, vector<1x16xf32>,
        %swap3A_866 = vector.shape_cast %swap3A_865 : vector<1x16xf32> to vector<16xf32>
        %swap3A_867 = vector.shape_cast %max3A_862 : vector<16xf32> to vector<1x16xf32>
        tpu.vector_store %arg19[%swap3A_863, %swap3A_864], %swap3A_867 {strides = array<i32>} : memref<80x128xf32, #tpu.memory_space<vmem>>, vector<1x16xf32>,
        %scan3A_868 = arith.constant 0 : i32
        scf.yield %scan3A_868 : i32
      }
      %scan3A_729 = arith.constant 80 : i32
      "tpu.region"() ({
        %run_scoped3A = tpu.sem_alloc : memref<!tpu.dma_semaphore, #tpu.memory_space<semaphore_mem>>
        %dma_start3A_731 = arith.constant 0 : i32
        %dma_start3A_732 = arith.constant 0 : i32
        %dma_start3A_733 = tpu.memref_slice %arg21[%dma_start3A_731, %dma_start3A_732] : memref<10240x128xf32, #tpu.memory_space<vmem_shared>> -> memref<10240x128xf32, #tpu.memory_space<vmem_shared>>
        tpu.enqueue_indirect_dma source(%arg19 : memref<80x128xf32, #tpu.memory_space<vmem>>) target(%dma_start3A_733 : memref<10240x128xf32, #tpu.memory_space<vmem_shared>>) offsets(%arg15 : memref<80xi32, #tpu.memory_space<vmem>>) semaphore(%run_scoped3A : memref<!tpu.dma_semaphore, #tpu.memory_space<semaphore_mem>>) {add = true}
        %dma_wait3A_734 = arith.constant 0 : i32
        %dma_wait3A_735 = arith.constant 0 : i32
        %dma_wait3A_736 = tpu.memref_slice %arg21[%dma_wait3A_734, %dma_wait3A_735] : memref<10240x128xf32, #tpu.memory_space<vmem_shared>> -> memref<10240x128xf32, #tpu.memory_space<vmem_shared>>
        tpu.wait_indirect_dma semaphore(%run_scoped3A : memref<!tpu.dma_semaphore, #tpu.memory_space<semaphore_mem>>) src(%arg19 : memref<80x128xf32, #tpu.memory_space<vmem>>) dst(%dma_wait3A_736 : memref<10240x128xf32, #tpu.memory_space<vmem_shared>>)
        tpu.yield
      }) : () -> ()
      %scan3A_730 = arith.constant 0 : i32
      scf.yield %scan3A_730 : i32
    }
    %scan3A_364 = arith.constant 125 : i32
    %barrier3A_365 = arith.constant 0 : index
    tpu.barrier barrier_id(%barrier3A_365)
    %mul3A_366 = arith.constant 640 : i32
    %mul3A_367 = arith.muli %arg1, %mul3A_366 : i32
    %lt3A_368 = arith.constant 15 : i32
    %lt3A_369 = arith.cmpi slt, %arg1, %lt3A_368 : i32
    %convert_element_type3A = arith.extui %lt3A_369 : i1 to i32
    %cond3A = arith.constant 0 : i32
    %cond3A_370 = arith.cmpi ne, %convert_element_type3A, %cond3A : i32
    scf.if %cond3A_370 {
      %mul3A_375 = arith.constant 10000 : i32
      %mul3A_376 = arith.muli %arg0, %mul3A_375 : i32
      %add3A_377 = arith.addi %mul3A_376, %mul3A_367 : i32
      "tpu.region"() ({
        %run_scoped3A = tpu.sem_alloc : memref<!tpu.dma_semaphore, #tpu.memory_space<semaphore_mem>>
        %dma_start3A_378 = arith.constant 0 : i32
        %dma_start3A_379 = tpu.memref_slice %arg5[%add3A_377, %dma_start3A_378] : memref<20000x128xf32, #tpu.memory_space<hbm>> -> memref<640x128xf32, #tpu.memory_space<hbm>>
        %dma_start3A_380 = arith.constant 0 : i32
        %dma_start3A_381 = tpu.memref_slice %arg21[%mul3A_367, %dma_start3A_380] : memref<10240x128xf32, #tpu.memory_space<vmem_shared>> -> memref<640x128xf32, #tpu.memory_space<vmem_shared>>
        tpu.enqueue_dma source(%dma_start3A_381 : memref<640x128xf32, #tpu.memory_space<vmem_shared>>) target(%dma_start3A_379 : memref<640x128xf32, #tpu.memory_space<hbm>>) target_semaphore(%run_scoped3A : memref<!tpu.dma_semaphore, #tpu.memory_space<semaphore_mem>>)
        %dma_wait3A_382 = arith.constant 0 : i32
        %dma_wait3A_383 = tpu.memref_slice %arg5[%add3A_377, %dma_wait3A_382] : memref<20000x128xf32, #tpu.memory_space<hbm>> -> memref<640x128xf32, #tpu.memory_space<hbm>>
        %dma_wait3A_384 = arith.constant 0 : i32
        %dma_wait3A_385 = tpu.memref_slice %arg21[%mul3A_367, %dma_wait3A_384] : memref<10240x128xf32, #tpu.memory_space<vmem_shared>> -> memref<640x128xf32, #tpu.memory_space<vmem_shared>>
        tpu.wait_dma2 semaphore(%run_scoped3A : memref<!tpu.dma_semaphore, #tpu.memory_space<semaphore_mem>>) src(%dma_wait3A_385 : memref<640x128xf32, #tpu.memory_space<vmem_shared>>) dst(%dma_wait3A_383 : memref<640x128xf32, #tpu.memory_space<hbm>>)
        tpu.yield
      }) : () -> ()
    } else {
    }
    %eq3A = arith.constant 15 : i32
    %eq3A_371 = arith.cmpi eq, %arg1, %eq3A : i32
    %convert_element_type3A_372 = arith.extui %eq3A_371 : i1 to i32
    %cond3A_373 = arith.constant 0 : i32
    %cond3A_374 = arith.cmpi ne, %convert_element_type3A_372, %cond3A_373 : i32
    scf.if %cond3A_374 {
      %mul3A_375 = arith.constant 10000 : i32
      %mul3A_376 = arith.muli %arg0, %mul3A_375 : i32
      %add3A_377 = arith.addi %mul3A_376, %mul3A_367 : i32
      "tpu.region"() ({
        %run_scoped3A = tpu.sem_alloc : memref<!tpu.dma_semaphore, #tpu.memory_space<semaphore_mem>>
        %dma_start3A_378 = arith.constant 0 : i32
        %dma_start3A_379 = tpu.memref_slice %arg5[%add3A_377, %dma_start3A_378] : memref<20000x128xf32, #tpu.memory_space<hbm>> -> memref<400x128xf32, #tpu.memory_space<hbm>>
        %dma_start3A_380 = arith.constant 0 : i32
        %dma_start3A_381 = tpu.memref_slice %arg21[%mul3A_367, %dma_start3A_380] : memref<10240x128xf32, #tpu.memory_space<vmem_shared>> -> memref<400x128xf32, #tpu.memory_space<vmem_shared>>
        tpu.enqueue_dma source(%dma_start3A_381 : memref<400x128xf32, #tpu.memory_space<vmem_shared>>) target(%dma_start3A_379 : memref<400x128xf32, #tpu.memory_space<hbm>>) target_semaphore(%run_scoped3A : memref<!tpu.dma_semaphore, #tpu.memory_space<semaphore_mem>>)
        %dma_wait3A_382 = arith.constant 0 : i32
        %dma_wait3A_383 = tpu.memref_slice %arg5[%add3A_377, %dma_wait3A_382] : memref<20000x128xf32, #tpu.memory_space<hbm>> -> memref<400x128xf32, #tpu.memory_space<hbm>>
        %dma_wait3A_384 = arith.constant 0 : i32
        %dma_wait3A_385 = tpu.memref_slice %arg21[%mul3A_367, %dma_wait3A_384] : memref<10240x128xf32, #tpu.memory_space<vmem_shared>> -> memref<400x128xf32, #tpu.memory_space<vmem_shared>>
        tpu.wait_dma2 semaphore(%run_scoped3A : memref<!tpu.dma_semaphore, #tpu.memory_space<semaphore_mem>>) src(%dma_wait3A_385 : memref<400x128xf32, #tpu.memory_space<vmem_shared>>) dst(%dma_wait3A_383 : memref<400x128xf32, #tpu.memory_space<hbm>>)
        tpu.yield
      }) : () -> ()
    } else {
    }
    return
  }
}

module attributes {stable_mosaic.version = 14 : i64} {
  func.func @_a_body(%arg0: i32, %arg1: i32, %arg2: memref<16x12800xf32, #tpu.memory_space<vmem>>, %arg3: memref<1x16x128xf32, #tpu.memory_space<vmem>>, %arg4: memref<1x1x128xf32, #tpu.memory_space<vmem>>, %arg5: memref<12800x128xf32, #tpu.memory_space<vmem>>) attributes {dimension_semantics = [#tpu.dimension_semantics<arbitrary>, #tpu.dimension_semantics<arbitrary>], iteration_bounds = array<i64: 2, 25>, scalar_prefetch = 0 : i64, scratch_operands = 0 : i64, tpu.core_type = #tpu.core_type<tc>, window_params = [{transform_indices = @transform_0, window_bounds = array<i64: 16, 12800>}, {transform_indices = @transform_1, window_bounds = array<i64: 1, 16, 128>}, {transform_indices = @transform_2, window_bounds = array<i64: 1, 1, 128>}, {transform_indices = @transform_3, window_bounds = array<i64: 12800, 128>}]} {
    %get3A = arith.constant 0 : index
    %get3A_0 = arith.constant 0 : index
    %get3A_1 = vector.load %arg2[%get3A, %get3A_0] : memref<16x12800xf32, #tpu.memory_space<vmem>>, vector<16x12800xf32>
    %get3A_2 = arith.constant 0 : index
    %get3A_3 = arith.constant 0 : index
    %get3A_4 = arith.constant 0 : index
    %get3A_5 = vector.load %arg3[%get3A_2, %get3A_3, %get3A_4] : memref<1x16x128xf32, #tpu.memory_space<vmem>>, vector<1x16x128xf32>
    %get3A_6 = vector.shape_cast %get3A_5 : vector<1x16x128xf32> to vector<16x128xf32>
    %dot_general3A = arith.constant dense<0.000000e+00> : vector<12800x128xf32>
    %dot_general3A_7 = tpu.matmul %get3A_1, %get3A_6, %dot_general3A {dimension_numbers = #tpu.dot_dimension_numbers<[0], [0], [1], [1], [0, 1, 1, 1], [], []>, transpose_lhs_hint = false} : vector<16x12800xf32>, vector<16x128xf32>, vector<12800x128xf32> -> vector<12800x128xf32>
    %get3A_8 = arith.constant 0 : index
    %get3A_9 = arith.constant 0 : index
    %get3A_10 = arith.constant 0 : index
    %get3A_11 = vector.load %arg4[%get3A_8, %get3A_9, %get3A_10] : memref<1x1x128xf32, #tpu.memory_space<vmem>>, vector<1x1x128xf32>
    %get3A_12 = vector.shape_cast %get3A_11 : vector<1x1x128xf32> to vector<1x128xf32>
    %add3A = vector.broadcast %get3A_12 : vector<1x128xf32> to vector<12800x128xf32>
    %add3A_13 = arith.addf %dot_general3A_7, %add3A : vector<12800x128xf32>
    %swap3A = arith.constant 0 : index
    %swap3A_14 = arith.constant 0 : index
    %swap3A_15 = vector.load %arg5[%swap3A, %swap3A_14] : memref<12800x128xf32, #tpu.memory_space<vmem>>, vector<12800x128xf32>
    tpu.vector_store %arg5[%swap3A, %swap3A_14], %add3A_13 {strides = array<i32>} : memref<12800x128xf32, #tpu.memory_space<vmem>>, vector<12800x128xf32>,
    return
  }
  func.func @transform_0(%arg0: i32, %arg1: i32) -> (i32, i32) {
    %c0_i32 = arith.constant 0 : i32
    %c0_i32_0 = arith.constant 0 : i32
    return %c0_i32, %arg1 : i32, i32
  }
  func.func @transform_1(%arg0: i32, %arg1: i32) -> (i32, i32, i32) {
    %c0_i32 = arith.constant 0 : i32
    %c0_i32_0 = arith.constant 0 : i32
    %c0_i32_1 = arith.constant 0 : i32
    return %arg0, %c0_i32, %c0_i32_0 : i32, i32, i32
  }
  func.func @transform_2(%arg0: i32, %arg1: i32) -> (i32, i32, i32) {
    %c0_i32 = arith.constant 0 : i32
    %c0_i32_0 = arith.constant 0 : i32
    %c0_i32_1 = arith.constant 0 : i32
    return %arg0, %c0_i32, %c0_i32_0 : i32, i32, i32
  }
  func.func @transform_3(%arg0: i32, %arg1: i32) -> (i32, i32) {
    %mul3A = arith.constant 25 : i32
    %mul3A_0 = arith.muli %arg0, %mul3A : i32
    %add3A = arith.addi %mul3A_0, %arg1 : i32
    %c0_i32 = arith.constant 0 : i32
    %c0_i32_1 = arith.constant 0 : i32
    return %add3A, %c0_i32 : i32, i32
  }
}

module attributes {stable_mosaic.version = 14 : i64} {
  func.func @_p_body(%arg0: i32, %arg1: memref<10000x128xf32, #tpu.memory_space<vmem>>, %arg2: memref<1x128x128xf32, #tpu.memory_space<vmem>>, %arg3: memref<10000x128xf32, #tpu.memory_space<vmem>>) attributes {dimension_semantics = [#tpu.dimension_semantics<arbitrary>], iteration_bounds = array<i64: 2>, scalar_prefetch = 0 : i64, scratch_operands = 0 : i64, tpu.core_type = #tpu.core_type<tc>, window_params = [{pipeline_mode = #tpu.pipeline_mode<synchronous>, transform_indices = @transform_0, window_bounds = array<i64: 10000, 128>}, {transform_indices = @transform_1, window_bounds = array<i64: 1, 128, 128>}, {transform_indices = @transform_2, window_bounds = array<i64: 10000, 128>}]} {
    %get3A = arith.constant 0 : index
    %get3A_0 = arith.constant 0 : index
    %get3A_1 = vector.load %arg1[%get3A, %get3A_0] : memref<10000x128xf32, #tpu.memory_space<vmem>>, vector<10000x128xf32>
    %get3A_2 = arith.constant 0 : index
    %get3A_3 = arith.constant 0 : index
    %get3A_4 = arith.constant 0 : index
    %get3A_5 = vector.load %arg2[%get3A_2, %get3A_3, %get3A_4] : memref<1x128x128xf32, #tpu.memory_space<vmem>>, vector<1x128x128xf32>
    %get3A_6 = vector.shape_cast %get3A_5 : vector<1x128x128xf32> to vector<128x128xf32>
    %dot_general3A = arith.constant dense<0.000000e+00> : vector<10000x128xf32>
    %dot_general3A_7 = tpu.matmul %get3A_1, %get3A_6, %dot_general3A {dimension_numbers = #tpu.dot_dimension_numbers<[1], [0], [0], [1], [0, 0, 1, 1], [], []>, transpose_lhs_hint = false} : vector<10000x128xf32>, vector<128x128xf32>, vector<10000x128xf32> -> vector<10000x128xf32>
    %swap3A = arith.constant 0 : index
    %swap3A_8 = arith.constant 0 : index
    %swap3A_9 = vector.load %arg3[%swap3A, %swap3A_8] : memref<10000x128xf32, #tpu.memory_space<vmem>>, vector<10000x128xf32>
    tpu.vector_store %arg3[%swap3A, %swap3A_8], %dot_general3A_7 {strides = array<i32>} : memref<10000x128xf32, #tpu.memory_space<vmem>>, vector<10000x128xf32>,
    return
  }
  func.func @transform_0(%arg0: i32) -> (i32, i32) {
    %c0_i32 = arith.constant 0 : i32
    %c0_i32_0 = arith.constant 0 : i32
    %c0_i32_1 = arith.constant 0 : i32
    return %c0_i32, %c0_i32_0 : i32, i32
  }
  func.func @transform_1(%arg0: i32) -> (i32, i32, i32) {
    %c0_i32 = arith.constant 0 : i32
    %c0_i32_0 = arith.constant 0 : i32
    %c0_i32_1 = arith.constant 0 : i32
    return %arg0, %c0_i32, %c0_i32_0 : i32, i32, i32
  }
  func.func @transform_2(%arg0: i32) -> (i32, i32) {
    %c0_i32 = arith.constant 0 : i32
    %c0_i32_0 = arith.constant 0 : i32
    return %arg0, %c0_i32 : i32, i32
  }
}

</mosaic_0001>

<sc_bundles>
// kernel: _run.5.cloned.1.call-start
scs
__scs_entry_jumppad:
0x0: {  	(pc) =	sbr.rel $0x88, $3  }
0x1: {  	(tag) =	ssettag $0x0;
	lr =	simm.s32 $0x1  }
0x2: {  	[smem:$0x3F9A] =	sst lr;
	_ =	strace $0xD0000000  }
0x3: {  	_ = 	snop  }
0x4: {  	_ = 	snop  }
0x5: {  	_ = 	snop  }
0x6: {  	_ = 	snop  }
0x7: {  	_ = 	snop  }
__scs_overlays_trampoline_lowered:
0x8: {  	[smem:$0x3FA9] =	sst s0  }
0x9: {  	[smem:$0x3FAA] =	sst s1  }
0xa: {  	[smem:$0x3FAB] =	sst s2  }
0xb: {  	[smem:$0x3FAC] =	sst s3  }
0xc: {  	[smem:$0x3FAD] =	sst s4  }
0xd: {  	[smem:$0x3FAE] =	sst s5  }
0xe: {  	[smem:$0x3FAF] =	sst s6  }
0xf: {  	[smem:$0x3FB0] =	sst s7  }
0x10: {  	[smem:$0x3FB1] =	sst s8  }
0x11: {  	[smem:$0x3FB2] =	sst s9;
	s0 =	simm.s32 @!p0 $0x0  }
0x12: {  	s1 =	sld [smem:$0x3F98];
	s0 =	simm.s32 @p0 $0x1  }
0x13: {  	[smem:$0x3FB3] =	sst s0;
	s0 =	simm.s32 @!p1 $0x0  }
0x14: {  	s2 =	sld [smem:$0x3F97];
	s0 =	simm.s32 @p1 $0x1  }
0x15: {  	[smem:$0x3FB4] =	sst s0;
	s0 =	simm.s32 @!p2 $0x0  }
0x16: {  	s3 =	sld [smem:$0x3FDB];
	s0 =	simm.s32 @p2 $0x1  }
0x17: {  	s4 =	simm.s32 $0x1BF5;
	[smem:$0x3FB6] =	sst s0  }
0x18: {  	s0 =	sld [smem:$0x3F99];
	_ =	swait.ge [sflag:s4], $0x0  }
0x19: {  	s7 =	sld [smem:$0x3F9A]  }
0x1a: {  	s8 =	sadd.s32 $0xFFFFE003, lr  }
0x1b: {  	s9 =	sadd.s32 $0xFFFFFEF7, lr;
	s5 =	simm.s32 $0xFFFFFFFF;
	p2 =	slt.u32 s8, $0xFFFFF086  }
0x1c: {  	p1 =	slt.u32 s9, $0xF7A;
	s5 =	simm.s32 @!p2 $0x0  }
0x1d: {  	s5 =	simm.s32 @p1 $0x1;
	p0 =	seq.s32 s7, s2  }
0x1e: {  	s7 =	smul.u32 @!p0 $0xF7A, s2;
	p2 =	seq.s32 @!p0 s5, $0x0  }
0x1f: {  	s9 =	smul.u32 $0xF7A, s1;
	s8 =	simm.s32 @!p0 $0x1BF5;
	p2 =	por !p2, p0  }
0x20: {  	[sflag:s8] =	ssyncset.s32 @!p0 $0xFFFFF086;
	s6 =	sadd.s32 @!p0 s3, s7;
	s7 =	simm.s32 @!p0 $0x108  }
0x21: {  	s3 =	sadd.s32 s3, s9;
	s6 =	sadd.s32 @!p0 $0x88, s6;
	s7 =	simm.s32 @p2 $0x1082  }
0x22: {  	[simem:s7], [sflag:s8] =	dma.local @!p0 [hbm:s6], $0xF7A  }
0x23: {  	s9 =	sor.u32 $0xD0000000, s2;
	s6 =	simm.s32 $0x108;
	_ =	swait.ge @!p0 [sflag:s8], $0x0  }
0x24: {  	s3 =	sadd.s32 $0x88, s3;
	s6 =	simm.s32 @!p1 $0x1082;
	[sflag:s4] =	ssyncset.s32 $0xFFFFF086  }
0x25: {  	[simem:s6], [sflag:s4] =	dma.local [hbm:s3], $0xF7A  }
0x26: {  	[smem:$0x3F9A] =	sst s1;
	(tag) =	ssettag s2;
	_ =	strace s9  }
0x27: {  	s1 =	sld [smem:$0x3FAA]  }
0x28: {  	s2 =	sld [smem:$0x3FAB]  }
0x29: {  	s4 =	sld [smem:$0x3FAD]  }
0x2a: {  	p0 =	seq.s32 s5, $0x0;
	s5 =	sld [smem:$0x3FAE]  }
0x2b: {  	s6 =	sld [smem:$0x3FAF]  }
0x2c: {  	s7 =	sld [smem:$0x3FB0]  }
0x2d: {  	s3 =	simm.s32 $0x108;
	s8 =	sld [smem:$0x3FB1]  }
0x2e: {  	s3 =	simm.s32 @!p0 $0x1082;
	s9 =	sld [smem:$0x3FB2]  }
0x2f: {  	lr =	sadd.s32 s0, s3;
	s0 =	sld [smem:$0x3FA9]  }
0x30: {  	s3 =	sld [smem:$0x3FAC]  }
0x31: {  	[smem:$0x3FB5] =	sst s10  }
0x32: {  	s10 =	sld [smem:$0x3FB3];
	_ =	sdelay $0x3  }
0x33: {  	p0 =	seq.s32 s10, $0x1;
	s10 =	sld [smem:$0x3FB5];
	_ =	sdelay $0x3  }
0x34: {  	[smem:$0x3FB5] =	sst s10  }
0x35: {  	s10 =	sld [smem:$0x3FB4];
	_ =	sdelay $0x3  }
0x36: {  	p1 =	seq.s32 s10, $0x1;
	s10 =	sld [smem:$0x3FB5];
	_ =	sdelay $0x3  }
0x37: {  	[smem:$0x3FB5] =	sst s10  }
0x38: {  	s10 =	sld [smem:$0x3FB6]  }
0x39: {  	_ = 	snop;
	(pc) =	sbr.ind lr, $3  }
0x3a: {  	_ = 	snop  }
0x3b: {  	_ = 	snop  }
0x3c: {  	p2 =	seq.s32 s10, $0x1;
	s10 =	sld [smem:$0x3FB5]  }
0x3d: {  	_ =	shalt  }
0x3e: {  	_ =	shalt  }
0x3f: {  	_ =	shalt  }
0x40: {  	_ =	shalt  }
0x41: {  	_ =	shalt  }
0x42: {  	_ =	shalt  }
0x43: {  	_ =	shalt  }
0x44: {  	_ =	shalt  }
0x45: {  	_ =	shalt  }
0x46: {  	_ =	shalt  }
0x47: {  	_ =	shalt  }
0x48: {  	_ =	shalt  }
0x49: {  	_ =	shalt  }
0x4a: {  	_ =	shalt  }
0x4b: {  	_ =	shalt  }
0x4c: {  	_ =	shalt  }
0x4d: {  	_ =	shalt  }
0x4e: {  	_ =	shalt  }
0x4f: {  	_ =	shalt  }
0x50: {  	_ =	shalt  }
0x51: {  	_ =	shalt  }
0x52: {  	_ =	shalt  }
0x53: {  	_ =	shalt  }
0x54: {  	_ =	shalt  }
0x55: {  	_ =	shalt  }
0x56: {  	_ =	shalt  }
0x57: {  	_ =	shalt  }
0x58: {  	_ =	shalt  }
0x59: {  	_ =	shalt  }
0x5a: {  	_ =	shalt  }
0x5b: {  	_ =	shalt  }
0x5c: {  	_ =	shalt  }
0x5d: {  	_ =	shalt  }
0x5e: {  	_ =	shalt  }
0x5f: {  	_ =	shalt  }
0x60: {  	_ =	shalt  }
0x61: {  	_ =	shalt  }
0x62: {  	_ =	shalt  }
0x63: {  	_ =	shalt  }
0x64: {  	_ =	shalt  }
0x65: {  	_ =	shalt  }
0x66: {  	_ =	shalt  }
0x67: {  	_ =	shalt  }
0x68: {  	_ =	shalt  }
0x69: {  	_ =	shalt  }
0x6a: {  	_ =	shalt  }
0x6b: {  	_ =	shalt  }
0x6c: {  	_ =	shalt  }
0x6d: {  	_ =	shalt  }
0x6e: {  	_ =	shalt  }
0x6f: {  	_ =	shalt  }
0x70: {  	_ =	shalt  }
0x71: {  	_ =	shalt  }
0x72: {  	_ =	shalt  }
0x73: {  	_ =	shalt  }
0x74: {  	_ =	shalt  }
0x75: {  	_ =	shalt  }
0x76: {  	_ =	shalt  }
0x77: {  	_ =	shalt  }
0x78: {  	_ =	shalt  }
0x79: {  	_ =	shalt  }
0x7a: {  	_ =	shalt  }
0x7b: {  	_ =	shalt  }
0x7c: {  	_ =	shalt  }
0x7d: {  	_ =	shalt  }
0x7e: {  	_ =	shalt  }
0x7f: {  	_ =	shalt  }
0x80: {  	_ =	shalt  }
0x81: {  	_ =	shalt  }
0x82: {  	_ =	shalt  }
0x83: {  	_ =	shalt  }
0x84: {  	_ =	shalt  }
0x85: {  	_ =	shalt  }
0x86: {  	_ =	shalt  }
0x87: {  	_ =	shalt  }
.Lfunc_end0:
.L_simem_size_0:
called_computation_lowered:
.L_overlay_start_0:
0x88: {  	s2 =	sld [smem:$0x3FD9]  }
0x89: {  	s3 =	sld [smem:$0x3FFE];
	_ =	sdelay $0x1  }
0x8a: {  	s1 =	srdreg.scid  }
0x8b: {  	s0 =	sand.u32 $0x1, s1  }
0x8c: {  	s17 =	sshll.u32 s0, $0xA;
	s2 =	sadd.s32 s3, s2  }
0x8d: {  	s2 =	sadd.s32 s2, s17  }
0x8e: {  	[smem:$0x3FC1] =	sst s2  }
0x8f: {  	_ = 	snop  }
0x90: {  	s2 =	sld [smem:$0x3FC8]  }
0x91: {  	s18 =	sld [smem:$0x3FD0];
	(tm) =	ssettm $0x1  }
0x92: {  	s4 =	sld [smem:$0x3FFB];
	_ =	sdelay $0x3  }
0x93: {  	_ =	strace s4  }
0x94: {  	s4 =	sld [smem:$0x3FFC];
	_ =	sdelay $0x3  }
0x95: {  	_ =	strace s4  }
0x96: {  	s4 =	sld [smem:$0x3FFD];
	_ =	sdelay $0x3  }
0x97: {  	_ =	strace s4  }
0x98: {  	_ =	strace $0x8FFFFFFF  }
0x99: {  	s19 =	sld [smem:$0x3FDB];
	_ =	sdelay $0x1  }
0x9a: {  	s5 =	simm.s32 $_scs_section_size  }
0x9b: {  	s6 =	simm.s32 $_size__tile_overlayer_lowered;
	s7 =	simm.s32 $_tile_overlayer_lowered  }
0x9c: {  	s22 =	simm.s32 $0x1BFF;
	s21 =	sshll.u32 s7, $0x1;
	s4 =	sadd.s32 s5, s19  }
0x9d: {  	s8 =	simm.s32 $0x0;
	s20 =	sshll.u32 s6, $0x1;
	s6 =	sadd.s32 s21, s4  }
0x9e: {  	[timem:s8], [sflag:s22] =	dma.local [hbm:s6], s20  }
0x9f: {  	_ =	swait.ge [sflag:s22], s20  }
0xa0: {  	s5 =	ssub.s32 $0x0, s20;
	[sflag:s22] =	ssyncset.done $0x0  }
0xa1: {  	[sflag:s22] =	ssyncadd.s32 s5;
	_ =	sdelay $0x1  }
0xa2: {  	s23 =	simm.s32 $0x1B8B  }
0xa3: {  	_ =	swait.ge [sflag:s23], $0x1  }
0xa4: {  	[sflag:s23] =	ssyncset.done $0x0  }
0xa5: {  	s25 =	simm.s32 $0x1B8E;
	s24 =	sld [smem:$0x3FFE];
	[sflag:s23] =	ssyncadd.s32 $0xFFFFFFFF  }
0xa6: {  	s26 =	simm.s32 $execute0_lowered;
	[smem:$0x3FD2] =	sst s25  }
0xa7: {  	s6 =	sshll.u32 s26, $0x1;
	_ =	strace $0x80000046;
	[dreg:$0x1] =	wrdreg $0xFFFFFFFF  }
0xa8: {  	s28 =	simm.s32 $_size_execute0_lowered;
	s4 =	sadd.s32 s4, s6;
	[dreg:$0x0] =	wrdreg $0x0  }
0xa9: {  	s6 =	sshll.u32 s28, $0x1;
	[dreg:$0x2] =	wrdreg s4  }
0xaa: {  	[dreg:$0x3] =	wrdreg s6  }
0xab: {  	[dreg:$0x4] =	wrdreg $0xC0  }
0xac: {  	_ =	task [dreg:s8], $0x5FFFF  }
0xad: {  	[dreg:$0x1] =	wrdreg $0xFFFFFFFF  }
0xae: {  	[dreg:$0x0] =	wrdreg $0x60  }
0xaf: {  	[dreg:$0x2] =	wrdreg s18  }
0xb0: {  	[dreg:$0x3] =	wrdreg s24  }
0xb1: {  	[dreg:$0x4] =	wrdreg s2  }
0xb2: {  	[dreg:$0x5] =	wrdreg $0xB5000  }
0xb3: {  	[dreg:$0x6] =	wrdreg $0x9  }
0xb4: {  	_ =	task.clear_ibuf [dreg:s8], $0x7FFFF;
	_ =	strace $0x90000046  }
0xb5: {  	s29 =	simm.s32 $0x9;
	_ =	strace $0x80000048  }
0xb6: {  	_ =	swait.ge [sflag:s29], $0x1  }
0xb7: {  	[sflag:s29] =	ssyncadd.s32 $0xFFFFFFFF  }
0xb8: {  	_ =	strace $0x90000048  }
0xb9: {  	_ =	sfence  }
0xba: {  	s30 =	sld [smem:$0x0];
	_ =	sdelay $0x2  }
0xbb: {  	s31 =	sshll.u32 s1, $0xD;
	s1 =	sshrl.u32 s1, $0x2  }
0xbc: {  	s3 =	sand.u32 $0x4000, s31;
	s1 =	sadd.s32 s1, s30  }
0xbd: {  	s0 =	sor.u32 s3, s0;
	s1 =	sshll.u32 s1, $0x11  }
0xbe: {  	s0 =	sor.u32 s1, s0  }
0xbf: {  	s0 =	sadd.s32 $0x8F2B, s0  }
0xc0: {  	[sflag:s0] =	ssyncadd.remote.s32 $0x1  }
0xc1: {  	_ =	sfence.sel $0xFFFF  }
0xc2: {  	[dreg:$0x0] =	wrdreg $0xFFFFFFFF;
	(pc) =	sbr.abs _section_cstart, $3  }
0xc3: {  	[dreg:$0x1] =	wrdreg $0xFFFFFFFF  }
0xc4: {  	_ =	task.clear_ibuf [dreg:s8], $0x2FFFF;
	_ =	strace $0x9FFFFFFF  }
0xc5: {  	(tm) =	ssettm $0x7FFFFFFF  }
tec
execute0_lowered:
.L_overlay_start_1:
0x0: {  	(tag) =	ssettag $0x1  }
0x1: {  	s1 =	rddreg [dreg:$0x0]  }
0x2: {  	s0 =	rddreg [dreg:$0x1]  }
0x3: {  	s2 =	rddreg [dreg:$0x2]  }
0x4: {  	s3 =	rddreg [dreg:$0x3];
	s16 =	stileid.u32  }
0x5: {  	s5 =	simm.s32 $0x0;
	s4 =	srdreg.scid;
	s7 =	smul.u32 $0x50000, s16  }
0x6: {  	s28 =	simm.s32 $0x5500;
	s29 =	simm.s32 $0x400;
	s21 =	smul.u32 $0x2800, s16  }
0x7: {  	s31 =	simm.s32 $0x1;
	[smem:$0x7FF] =	sst s5;
	s10 =	smul.u32 $0x4E20, s16  }
0x8: {  	s4 =	sand.u32 $0x1, s4;
	s6 =	sadd.s32 $0xE00, s0;
	s25 =	smul.u32 $0xF, s16  }
0x9: {  	s0 =	sadd.s32 $0x9C4E00, s0;
	p0 =	seq.s32 s16, $0xF;
	s11 =	smul.u32 $0x1388, s4  }
0xa: {  	_ =	strace $0x80000047;
	s13 =	smul.u32 $0x27100, s4;
	s7 =	sshrl.u32 s7, $0x2  }
0xb: {  	s8 =	ssub.s32 $0x2, s4;
	s4 =	smul.u32 $0x138800, s4;
	s17 =	sadd.s32 s7, s3  }
0xc: {  	s9 =	sshrl.u32 s8, $0x1;
	s7 =	sadd.s32 $0x1000, s17;
	[dreg:$0x5] =	wrdreg s17  }
0xd: {  	s15 =	sshrl.u32 s10, $0x3;
	s22 =	sadd.s32 $0x2000, s17;
	[dreg:$0x6] =	wrdreg s7  }
0xe: {  	s14 =	sadd.s32 $0x2710, s25;
	s23 =	sadd.s32 $0x3000, s17;
	[dreg:$0x7] =	wrdreg s22  }
0xf: {  	s8 =	ssub.s32 s8, s9;
	s24 =	sadd.s32 $0x4000, s17;
	[dreg:$0x8] =	wrdreg s23  }
0x10: {  	s9 =	sadd.s32 s21, s13;
	s12 =	sadd.s32 $0x5000, s17;
	[dreg:$0x9] =	wrdreg s24  }
0x11: {  	s19 =	sadd.s32 $0x2711, s25;
	s9 =	sadd.s32 s0, s9;
	[dreg:$0xa] =	wrdreg s12  }
0x12: {  	s26 =	sadd.s32 $0x2713, s25;
	s20 =	smax.u32 s8, $0x1;
	[dreg:$0xc] =	wrdreg s9  }
0x13: {  	s30 =	sadd.s32 $0x40, s10;
	s21 =	sadd.s32 $0x6000, s17;
	[dreg:$0xf] =	wrdreg s20  }
0x14: {  	s4 =	sshrl.u32 s4, $0x3;
	s8 =	sadd.s32 $0xB000, s17;
	[dreg:$0x10] =	wrdreg s21  }
0x15: {  	v2 =	vlaneseq.u32;
	v13 =	vmov s26;
	s26 =	simm.s32 $0x380;
	s13 =	sadd.s32 $0xD000, s17;
	[dreg:$0x15] =	wrdreg s8  }
0x16: {  	v4 =	vor.u32 $0x4E200, v2;
	s0 =	sadd.s32 s0, s4;
	s16 =	sadd.s32 $0xE000, s17;
	[dreg:$0x17] =	wrdreg s13  }
0x17: {  	v14 =	vor.u32 s30, v2;
	v15 =	vadd.s32 s30, v4;
	s30 =	simm.s32 $0x7D00;
	s0 =	sadd.s32 $0x25800, s0;
	[dreg:$0x18] =	wrdreg s16  }
0x18: {  	s12 =	sadd.s32 s2, s15;
	s22 =	sadd.s32 $0x7000, s17;
	[dreg:$0xe] =	wrdreg s0  }
0x19: {  	s23 =	sadd.s32 $0x2712, s25;
	s24 =	sadd.s32 $0x8000, s17;
	[dreg:$0x11] =	wrdreg s22  }
0x1a: {  	s7 =	sadd.s32 $0x2714, s25;
	s25 =	sadd.s32 $0x9000, s17;
	[dreg:$0x12] =	wrdreg s24  }
0x1b: {  	s15 =	sadd.s32 $0x50, s10;
	s9 =	sadd.s32 $0xC000, s17;
	[dreg:$0x13] =	wrdreg s25  }
0x1c: {  	s20 =	sadd.s32 $0x10000, s17;
	s21 =	sadd.s32 $0x11000, s17;
	[dreg:$0x16] =	wrdreg s9  }
0x1d: {  	s8 =	sor.u32 $0x10, s10;
	s13 =	simm.s32 $0xA500;
	[dreg:$0x1a] =	wrdreg s20  }
0x1e: {  	s16 =	simm.s32 $0x5;
	s18 =	sshrl.u32 s15, $0x3;
	[dreg:$0x1b] =	wrdreg s21  }
0x1f: {  	s22 =	sadd.s32 $0x12000, s17;
	s24 =	sadd.s32 $0x13000, s17;
	s25 =	sadd.s32 $0x9C40, s12  }
0x20: {  	s9 =	sadd.s32 $0x20, s10;
	s20 =	sadd.s32 $0x30, s10;
	[dreg:$0xb] =	wrdreg s12  }
0x21: {  	s12 =	sadd.s32 $0x9C4A, s12;
	s21 =	simm.s32 $0x280;
	[dreg:$0x1c] =	wrdreg s22  }
0x22: {  	v10 =	vmov s23;
	s23 =	simm.s32 $0x100;
	s0 =	simm.s32 $0x300;
	[dreg:$0x1d] =	wrdreg s24  }
0x23: {  	v5 =	vor.u32 s8, v2;
	v6 =	vadd.s32 s8, v4;
	s8 =	simm.s32 $0x480;
	s4 =	sadd.s32 s2, s18;
	[dreg:$0x1e] =	wrdreg s25  }
0x24: {  	v19 =	vimm.f32 $0.0e+00;
	s18 =	sadd.s32 $0xF000, s17;
	[dreg:$0x1f] =	wrdreg s12;
	s12 =	sadd.s32 $0xF0, s10  }
0x25: {  	v20 =	vimm.s32 $0x0;
	v17 =	vor.u32 s10, v2;
	v18 =	vadd.s32 s10, v4;
	s22 =	simm.s32 $0x2D00;
	s24 =	simm.s32 $0x180;
	[dreg:$0xd] =	wrdreg s4  }
0x26: {  	v0 =	vmov s11;
	v3 =	vmov s14;
	v7 =	vmov s19;
	s25 =	simm.s32 $0x4;
	s4 =	sadd.s32 $0xA000, s17;
	[dreg:$0x19] =	wrdreg s18  }
0x27: {  	v16 =	vmov s7;
	v8 =	vor.u32 s9, v2;
	v9 =	vadd.s32 s9, v4;
	s17 =	simm.s32 $0x3;
	[dreg:$0x14] =	wrdreg s4;
	s4 =	sadd.s32 $0x1388, s11  }
0x28: {  	v11 =	vor.u32 s20, v2;
	v12 =	vadd.s32 s20, v4;
	s18 =	simm.s32 $0x50;
	s11 =	simm.s32 $0x0;
	v1 =	vmov s4;
	s4 =	simm.s32 $0x2  }
.LBB2_1:
0x29: {  	[smem:$0x7FD] =	sst s11;
	s7 =	simm.s32 $0x0;
	s9 =	simm.s32 $0x200  }
.LBB2_2:
0x2a: {  	p1 =	sne.s32 s9, $0x3E00;
	[tilespmem:s7+$0xA570] =	vst v19  }
0x2b: {  	[tilespmem:s7+$0xA500] =	vst v19  }
0x2c: {  	[tilespmem:s7+$0xA510] =	vst v19  }
.Ltmp0:
0x2d: {  	[tilespmem:s7+$0xA520] =	vst v19;
	(pc) =	sbr.rel @p1 .LBB2_2-.Ltmp0, $4  }
0x2e: {  	[tilespmem:s7+$0xA530] =	vst v19  }
0x2f: {  	[tilespmem:s7+$0xA540] =	vst v19  }
0x30: {  	[tilespmem:s7+$0xA550] =	vst v19  }
0x31: {  	[tilespmem:s7+$0xA560] =	vst v19;
	s7 =	sshra.s32 s9, $0x2;
	s9 =	sadd.s32 $0x200, s9  }
0x32: {  	[tilespmem:s7+$0xA570] =	vst v19  }
0x33: {  	[tilespmem:s7+$0xA500] =	vst v19  }
0x34: {  	[tilespmem:s7+$0xA510] =	vst v19  }
0x35: {  	[tilespmem:s7+$0xA520] =	vst v19  }
0x36: {  	[tilespmem:s7+$0xA530] =	vst v19  }
0x37: {  	[tilespmem:s7+$0xA540] =	vst v19  }
0x38: {  	[tilespmem:s7+$0xA550] =	vst v19  }
0x39: {  	[tilespmem:s7+$0xA560] =	vst v19;
	s19 =	rddreg [dreg:$0x5]  }
0x3a: {  	[spmem:s19] =	stream.linear.scatter [tilespmem:s13], [sflag:$0x5], $0x1000, $0x38;
	[tilespmem:$0x1F500] =	vst v63  }
0x3b: {  	_ =	swait.ge [sflag:s16], $0x1000  }
0x3c: {  	[sflag:s16] =	ssyncset.done $0x0  }
0x3d: {  	s20 =	rddreg [dreg:$0x6];
	[sflag:s16] =	ssyncadd.s32 $0xFFFFF000  }
0x3e: {  	[spmem:s20] =	stream.linear.scatter [tilespmem:s13], [sflag:$0x5], $0x1000, $0x38;
	[tilespmem:$0x1F500] =	vst v63  }
0x3f: {  	_ =	swait.ge [sflag:s16], $0x1000  }
0x40: {  	[sflag:s16] =	ssyncset.done $0x0  }
0x41: {  	s9 =	rddreg [dreg:$0x7];
	[sflag:s16] =	ssyncadd.s32 $0xFFFFF000  }
0x42: {  	[spmem:s9] =	stream.linear.scatter [tilespmem:s13], [sflag:$0x5], $0x1000, $0x38;
	[tilespmem:$0x1F500] =	vst v63  }
0x43: {  	_ =	swait.ge [sflag:s16], $0x1000  }
0x44: {  	[sflag:s16] =	ssyncset.done $0x0  }
0x45: {  	s11 =	rddreg [dreg:$0x8];
	[sflag:s16] =	ssyncadd.s32 $0xFFFFF000  }
0x46: {  	[spmem:s11] =	stream.linear.scatter [tilespmem:s13], [sflag:$0x5], $0x1000, $0x38;
	[tilespmem:$0x1F500] =	vst v63  }
0x47: {  	_ =	swait.ge [sflag:s16], $0x1000  }
0x48: {  	[sflag:s16] =	ssyncset.done $0x0  }
0x49: {  	s14 =	rddreg [dreg:$0x9];
	[sflag:s16] =	ssyncadd.s32 $0xFFFFF000  }
0x4a: {  	[spmem:s14] =	stream.linear.scatter [tilespmem:s13], [sflag:$0x5], $0x1000, $0x38;
	[tilespmem:$0x1F500] =	vst v63  }
0x4b: {  	_ =	swait.ge [sflag:s16], $0x1000  }
0x4c: {  	[sflag:s16] =	ssyncset.done $0x0  }
0x4d: {  	s19 =	rddreg [dreg:$0xa];
	[sflag:s16] =	ssyncadd.s32 $0xFFFFF000  }
0x4e: {  	[spmem:s19] =	stream.linear.scatter [tilespmem:s13], [sflag:$0x5], $0x1000, $0x38;
	[tilespmem:$0x1F500] =	vst v63  }
0x4f: {  	_ =	swait.ge [sflag:s16], $0x1000  }
0x50: {  	[sflag:s16] =	ssyncset.done $0x0  }
0x51: {  	s20 =	rddreg [dreg:$0x10];
	[sflag:s16] =	ssyncadd.s32 $0xFFFFF000  }
0x52: {  	[spmem:s20] =	stream.linear.scatter [tilespmem:s13], [sflag:$0x5], $0x1000, $0x38;
	[tilespmem:$0x1F500] =	vst v63  }
0x53: {  	_ =	swait.ge [sflag:s16], $0x1000  }
0x54: {  	[sflag:s16] =	ssyncset.done $0x0  }
0x55: {  	s9 =	rddreg [dreg:$0x11];
	[sflag:s16] =	ssyncadd.s32 $0xFFFFF000  }
0x56: {  	[spmem:s9] =	stream.linear.scatter [tilespmem:s13], [sflag:$0x5], $0x1000, $0x38;
	[tilespmem:$0x1F500] =	vst v63  }
0x57: {  	_ =	swait.ge [sflag:s16], $0x1000  }
0x58: {  	[sflag:s16] =	ssyncset.done $0x0  }
0x59: {  	s11 =	rddreg [dreg:$0x12];
	[sflag:s16] =	ssyncadd.s32 $0xFFFFF000  }
0x5a: {  	[spmem:s11] =	stream.linear.scatter [tilespmem:s13], [sflag:$0x5], $0x1000, $0x38;
	[tilespmem:$0x1F500] =	vst v63  }
0x5b: {  	_ =	swait.ge [sflag:s16], $0x1000  }
0x5c: {  	[sflag:s16] =	ssyncset.done $0x0  }
0x5d: {  	s14 =	rddreg [dreg:$0x13];
	[sflag:s16] =	ssyncadd.s32 $0xFFFFF000  }
0x5e: {  	[spmem:s14] =	stream.linear.scatter [tilespmem:s13], [sflag:$0x5], $0x1000, $0x38;
	[tilespmem:$0x1F500] =	vst v63  }
0x5f: {  	_ =	swait.ge [sflag:s16], $0x1000  }
0x60: {  	[sflag:s16] =	ssyncset.done $0x0  }
0x61: {  	s19 =	rddreg [dreg:$0x14];
	[sflag:s16] =	ssyncadd.s32 $0xFFFFF000  }
0x62: {  	[spmem:s19] =	stream.linear.scatter [tilespmem:s13], [sflag:$0x5], $0x1000, $0x38;
	[tilespmem:$0x1F500] =	vst v63  }
0x63: {  	_ =	swait.ge [sflag:s16], $0x1000  }
0x64: {  	[sflag:s16] =	ssyncset.done $0x0  }
0x65: {  	s20 =	rddreg [dreg:$0x15];
	[sflag:s16] =	ssyncadd.s32 $0xFFFFF000  }
0x66: {  	[spmem:s20] =	stream.linear.scatter [tilespmem:s13], [sflag:$0x5], $0x1000, $0x38;
	[tilespmem:$0x1F500] =	vst v63  }
0x67: {  	_ =	swait.ge [sflag:s16], $0x1000  }
0x68: {  	[sflag:s16] =	ssyncset.done $0x0  }
0x69: {  	s9 =	rddreg [dreg:$0x16];
	[sflag:s16] =	ssyncadd.s32 $0xFFFFF000  }
0x6a: {  	[spmem:s9] =	stream.linear.scatter [tilespmem:s13], [sflag:$0x5], $0x1000, $0x38;
	[tilespmem:$0x1F500] =	vst v63  }
0x6b: {  	_ =	swait.ge [sflag:s16], $0x1000  }
0x6c: {  	[sflag:s16] =	ssyncset.done $0x0  }
0x6d: {  	s11 =	rddreg [dreg:$0x17];
	[sflag:s16] =	ssyncadd.s32 $0xFFFFF000  }
0x6e: {  	[spmem:s11] =	stream.linear.scatter [tilespmem:s13], [sflag:$0x5], $0x1000, $0x38;
	[tilespmem:$0x1F500] =	vst v63  }
0x6f: {  	_ =	swait.ge [sflag:s16], $0x1000  }
0x70: {  	[sflag:s16] =	ssyncset.done $0x0  }
0x71: {  	s14 =	rddreg [dreg:$0x18];
	[sflag:s16] =	ssyncadd.s32 $0xFFFFF000  }
0x72: {  	[spmem:s14] =	stream.linear.scatter [tilespmem:s13], [sflag:$0x5], $0x1000, $0x38;
	[tilespmem:$0x1F500] =	vst v63  }
0x73: {  	_ =	swait.ge [sflag:s16], $0x1000  }
0x74: {  	[sflag:s16] =	ssyncset.done $0x0  }
0x75: {  	s19 =	rddreg [dreg:$0x19];
	[sflag:s16] =	ssyncadd.s32 $0xFFFFF000  }
0x76: {  	[spmem:s19] =	stream.linear.scatter [tilespmem:s13], [sflag:$0x5], $0x1000, $0x38;
	[tilespmem:$0x1F500] =	vst v63  }
0x77: {  	_ =	swait.ge [sflag:s16], $0x1000  }
0x78: {  	[sflag:s16] =	ssyncset.done $0x0  }
0x79: {  	s20 =	rddreg [dreg:$0x1a];
	[sflag:s16] =	ssyncadd.s32 $0xFFFFF000  }
0x7a: {  	[spmem:s20] =	stream.linear.scatter [tilespmem:s13], [sflag:$0x5], $0x1000, $0x38;
	[tilespmem:$0x1F500] =	vst v63  }
0x7b: {  	_ =	swait.ge [sflag:s16], $0x1000  }
0x7c: {  	[sflag:s16] =	ssyncset.done $0x0  }
0x7d: {  	s9 =	rddreg [dreg:$0x1b];
	[sflag:s16] =	ssyncadd.s32 $0xFFFFF000  }
0x7e: {  	[spmem:s9] =	stream.linear.scatter [tilespmem:s13], [sflag:$0x5], $0x1000, $0x38;
	[tilespmem:$0x1F500] =	vst v63  }
0x7f: {  	_ =	swait.ge [sflag:s16], $0x1000  }
0x80: {  	[sflag:s16] =	ssyncset.done $0x0  }
0x81: {  	s11 =	rddreg [dreg:$0x1c];
	[sflag:s16] =	ssyncadd.s32 $0xFFFFF000  }
0x82: {  	[spmem:s11] =	stream.linear.scatter [tilespmem:s13], [sflag:$0x5], $0x1000, $0x38;
	[tilespmem:$0x1F500] =	vst v63  }
0x83: {  	_ =	swait.ge [sflag:s16], $0x1000  }
0x84: {  	[sflag:s16] =	ssyncset.done $0x0  }
0x85: {  	s14 =	rddreg [dreg:$0x1d];
	[sflag:s16] =	ssyncadd.s32 $0xFFFFF000  }
0x86: {  	[spmem:s14] =	stream.linear.scatter [tilespmem:s13], [sflag:$0x5], $0x1000, $0x38;
	[tilespmem:$0x1F500] =	vst v63  }
0x87: {  	_ =	swait.ge [sflag:s16], $0x1000  }
0x88: {  	[sflag:s16] =	ssyncset.done $0x0  }
0x89: {  	[sflag:s16] =	ssyncadd.s32 $0xFFFFF000  }
0x8a: {  	[bflag:$0x0] =	sbarrier.arrive $0xFFFF  }
0x8b: {  	s11 =	simm.s32 $0x0;
	s19 =	rddreg [dreg:$0xb]  }
0x8c: {  	[tilespmem:s11], [sflag:$0x3] =	stream.linear.gather [hbm4b:s19+s11], $0x50, $0x38;
	[tilespmem:$0x1F500] =	vst v63  }
0x8d: {  	s9 =	simm.s32 $0x80;
	s20 =	rddreg [dreg:$0x1e]  }
0x8e: {  	[tilespmem:s9], [sflag:$0x3] =	stream.linear.gather [hbm4b:s20+s11], $0x50, $0x38;
	[tilespmem:$0x1F500] =	vst v63  }
0x8f: {  	_ =	swait.ge [sflag:s17], $0x50  }
0x90: {  	[sflag:s17] =	ssyncset.done $0x0  }
0x91: {  	[sflag:s17] =	ssyncadd.s32 $0xFFFFFFB0  }
0x92: {  	_ =	swait.ge [sflag:s17], $0x50  }
0x93: {  	[sflag:s17] =	ssyncset.done $0x0  }
0x94: {  	[sflag:s17] =	ssyncadd.s32 $0xFFFFFFB0  }
0x95: {  	v21 =	vld [tilespmem:$0x0]  }
0x96: {  	v22 =	vld [tilespmem:$0x80]  }
0x97: {  	v23 =	vld [tilespmem:$0x10]  }
0x98: {  	v24 =	vld [tilespmem:$0x90]  }
0x99: {  	v56 =	vld [tilespmem:$0x20]  }
0x9a: {  	v27 =	vld [tilespmem:$0xA0]  }
0x9b: {  	v58 =	vld [tilespmem:$0x30]  }
0x9c: {  	v30 =	vld [tilespmem:$0xB0];
	vm0 =	vlt.s32 v21, v22;
	vm1 =	vge.s32 v21, v0;
	vm2 =	vlt.s32 v21, v1  }
0x9d: {  	vm11 =	vne.s32 v21, v22;
	v25 =	vadd.s32 $0x2710, v22;
	v21 =	vsub.s32 v21, v0  }
0x9e: {  	vm12 =	vge.s32 v23, v0;
	vm13 =	vlt.s32 v23, v1;
	vm14 =	vne.s32 v23, v24  }
0x9f: {  	vm15 =	vlt.s32 v23, v24;
	v23 =	vsub.s32 v23, v0;
	v28 =	vadd.s32 $0x2710, v24  }
0xa0: {  	vm4 =	vge.s32 v56, v0;
	vm5 =	vlt.s32 v56, v1;
	vm6 =	vlt.s32 v56, v27  }
0xa1: {  	v61 =	vld [tilespmem:$0x40];
	vm7 =	vne.s32 v56, v27;
	vm8 =	vlt.s32 v58, v30;
	vm9 =	vge.s32 v58, v0  }
0xa2: {  	v62 =	vld [tilespmem:$0xC0];
	vm10 =	vlt.s32 v58, v1;
	vm1 =	vmand vm1, vm2;
	v22 =	vsel vm0, v25, v22  }
0xa3: {  	v55 =	vsel vm0, v18, v17;
	v21 =	vshll.u32 v21, $0x1;
	v26 =	vsel vm0, $0x1, v20  }
0xa4: {  	vm0 =	vmand vm12, vm13;
	v23 =	vshll.u32 v23, $0x1;
	v29 =	vsel vm15, $0x1, v20  }
0xa5: {  	v24 =	vsel vm15, v28, v24;
	v57 =	vsel vm15, v6, v5;
	v59 =	vsel vm6, $0x1, v20  }
0xa6: {  	v60 =	vsel vm6, v9, v8;
	v63 =	vsel vm8, $0x1, v20;
	vm12 =	vge.s32 v61, v0;
	[tilespmem:$0x200] =	vst v22  }
0xa7: {  	vm13 =	vlt.s32 v61, v1;
	vm15 =	vne.s32 v61, v62;
	vm1 =	vmand vm1, vm11;
	[tilespmem:$0x280] =	vst v55  }
0xa8: {  	v21 =	vor.u32 v26, v21;
	vm0 =	vmand vm0, vm14;
	v23 =	vor.u32 v29, v23;
	[tilespmem:$0x210] =	vst v24  }
0xa9: {  	v22 =	vsub.s32 v56, v0;
	[tilespmem:$0x290] =	vst v57;
	vm11 =	vne.s32 v58, v30;
	vm14 =	vlt.s32 v61, v62  }
0xaa: {  	[tilespmem:$0x2A0] =	vst v60;
	v21 =	vsel vm1, v21, v3;
	v23 =	vsel vm0, v23, v7;
	v22 =	vshll.u32 v22, $0x1  }
0xab: {  	vm0 =	vmand vm4, vm5;
	[tilespmem:$0x300] =	vst v21;
	v21 =	vor.u32 v59, v22;
	v22 =	vadd.s32 $0x2710, v27  }
0xac: {  	vm1 =	vmand vm9, vm10;
	vm0 =	vmand vm0, vm7;
	[tilespmem:$0x310] =	vst v23;
	v22 =	vsel vm6, v22, v27  }
0xad: {  	v23 =	vsub.s32 v58, v0;
	vm1 =	vmand vm1, vm11;
	v21 =	vsel vm0, v21, v10;
	[tilespmem:$0x220] =	vst v22  }
0xae: {  	v23 =	vshll.u32 v23, $0x1;
	v22 =	vadd.s32 $0x2710, v30;
	[tilespmem:$0x320] =	vst v21;
	v21 =	vsel vm8, v12, v11  }
0xaf: {  	vm0 =	vmand vm12, vm13;
	v23 =	vor.u32 v63, v23;
	v22 =	vsel vm8, v22, v30;
	[tilespmem:$0x2B0] =	vst v21  }
0xb0: {  	v21 =	vadd.s32 $0x2710, v62;
	[tilespmem:$0x230] =	vst v22;
	v22 =	vsel vm1, v23, v13;
	v23 =	vsub.s32 v61, v0  }
0xb1: {  	v21 =	vsel vm14, v21, v62;
	[tilespmem:$0x330] =	vst v22;
	v22 =	vshll.u32 v23, $0x1;
	v23 =	vsel vm14, $0x1, v20  }
0xb2: {  	vm0 =	vmand vm0, vm15;
	[tilespmem:$0x240] =	vst v21;
	v21 =	vsel vm14, v15, v14;
	v22 =	vor.u32 v23, v22  }
0xb3: {  	[tilespmem:$0x2C0] =	vst v21;
	v21 =	vsel vm0, v22, v16  }
0xb4: {  	s14 =	simm.s32 $0x500;
	s9 =	simm.s32 $0x200;
	[tilespmem:$0x340] =	vst v21  }
0xb5: {  	[tilespmem:s14], [sflag:$0x1] =	stream.indirect.gather [hbm4b:s1+s18], $0x80, s9, s18, $0xb8;
	[tilespmem:$0x1F500] =	vst v63  }
0xb6: {  	_ = 	snop  }
0xb7: {  	[tilespmem:s22], [sflag:$0x1] =	stream.indirect.gather [hbm4b:s6+s18], $0x80, s21, s18, $0xb8;
	[tilespmem:$0x1F500] =	vst v63  }
0xb8: {  	s19 =	rddreg [dreg:$0xd]  }
0xb9: {  	[tilespmem:s23], [sflag:$0x4] =	stream.linear.gather [hbm4b:s19+s11], $0x50, $0x38;
	[tilespmem:$0x1F500] =	vst v63  }
0xba: {  	s20 =	rddreg [dreg:$0x1f]  }
0xbb: {  	[tilespmem:s24], [sflag:$0x4] =	stream.linear.gather [hbm4b:s20+s11], $0x50, $0x38;
	[tilespmem:$0x1F500] =	vst v63  }
.LBB2_4:
0xbc: {  	_ =	swait.ge [sflag:s25], $0x50  }
0xbd: {  	[sflag:s25] =	ssyncset.done $0x0  }
0xbe: {  	[sflag:s25] =	ssyncadd.s32 $0xFFFFFFB0  }
0xbf: {  	_ =	swait.ge [sflag:s25], $0x50  }
0xc0: {  	[sflag:s25] =	ssyncset.done $0x0  }
0xc1: {  	[sflag:s25] =	ssyncadd.s32 $0xFFFFFFB0  }
0xc2: {  	s14 =	smul.u32 $0xA0, s11;
	v21 =	vld [tilespmem:$0x100]  }
0xc3: {  	v22 =	vld [tilespmem:$0x180]  }
0xc4: {  	s7 =	sadd.s32 s14, s15;
	v23 =	vld [tilespmem:$0x110]  }
0xc5: {  	s9 =	sadd.s32 $0x10, s7;
	v24 =	vld [tilespmem:$0x190]  }
0xc6: {  	v25 =	vor.u32 s7, v2;
	v27 =	vadd.s32 s7, v4;
	v28 =	vor.u32 s9, v2  }
0xc7: {  	v30 =	vadd.s32 s9, v4;
	vm0 =	vge.s32 v21, v0;
	vm1 =	vlt.s32 v21, v1  }
0xc8: {  	vm10 =	vne.s32 v21, v22;
	vm2 =	vlt.s32 v21, v22;
	v26 =	vadd.s32 $0x2710, v22  }
0xc9: {  	v21 =	vsub.s32 v21, v0;
	vm11 =	vge.s32 v23, v0;
	vm12 =	vlt.s32 v23, v1  }
0xca: {  	vm13 =	vne.s32 v23, v24;
	vm14 =	vlt.s32 v23, v24;
	v29 =	vadd.s32 $0x2710, v24  }
0xcb: {  	v23 =	vsub.s32 v23, v0;
	vm0 =	vmand vm0, vm1;
	v25 =	vsel vm2, v27, v25;
	v27 =	vld [tilespmem:$0x1A0]  }
0xcc: {  	v22 =	vsel vm2, v26, v22;
	v21 =	vshll.u32 v21, $0x1;
	v24 =	vsel vm14, v29, v24;
	v29 =	vld [tilespmem:$0x130]  }
0xcd: {  	v26 =	vsel vm2, $0x1, v20;
	vm1 =	vmand vm11, vm12;
	v28 =	vsel vm14, v30, v28;
	v30 =	vld [tilespmem:$0x1B0]  }
0xce: {  	v23 =	vshll.u32 v23, $0x1;
	v31 =	vsel vm14, $0x1, v20;
	v21 =	vor.u32 v26, v21;
	v26 =	vld [tilespmem:$0x120]  }
0xcf: {  	vm1 =	vmand vm1, vm13;
	v23 =	vor.u32 v31, v23  }
0xd0: {  	s20 =	sadd.s32 $0x20, s7;
	s19 =	sadd.s32 $0x30, s7;
	vm0 =	vmand vm0, vm10;
	v23 =	vsel vm1, v23, v7  }
0xd1: {  	v31 =	vor.u32 s20, v2;
	v21 =	vsel vm0, v21, v3;
	[tilespmem:$0x490] =	vst v23;
	v23 =	vor.u32 s19, v2  }
0xd2: {  	v32 =	vadd.s32 $0x2710, v27;
	vm7 =	vge.s32 v29, v0;
	vm8 =	vlt.s32 v29, v1  }
0xd3: {  	[tilespmem:$0x380] =	vst v22;
	vm10 =	vne.s32 v29, v30;
	vm11 =	vlt.s32 v29, v30;
	vm15 =	vge.s32 v26, v0  }
0xd4: {  	[tilespmem:$0x400] =	vst v25;
	vm4 =	vlt.s32 v26, v1;
	vm5 =	vlt.s32 v26, v27;
	vm6 =	vne.s32 v26, v27  }
0xd5: {  	[tilespmem:$0x390] =	vst v24;
	v26 =	vsub.s32 v26, v0;
	v22 =	vsel vm5, v32, v27;
	v27 =	vadd.s32 s20, v4  }
0xd6: {  	v24 =	vld [tilespmem:$0x1C0];
	[tilespmem:$0x410] =	vst v28;
	v26 =	vshll.u32 v26, $0x1;
	v25 =	vsel vm5, v27, v31;
	v27 =	vsel vm5, $0x1, v20  }
0xd7: {  	[tilespmem:$0x480] =	vst v21;
	vm9 =	vmand vm7, vm8;
	vm0 =	vmand vm15, vm4;
	v21 =	vor.u32 v27, v26;
	v26 =	vld [tilespmem:$0x140]  }
0xd8: {  	v28 =	vsel vm11, $0x1, v20;
	vm0 =	vmand vm0, vm6;
	[tilespmem:$0x3A0] =	vst v22;
	v22 =	vadd.s32 $0x2710, v30  }
0xd9: {  	v27 =	vsub.s32 v29, v0;
	v29 =	vadd.s32 s19, v4;
	v22 =	vsel vm11, v22, v30  }
0xda: {  	s7 =	sadd.s32 $0x40, s7;
	[tilespmem:$0x420] =	vst v25;
	v21 =	vsel vm0, v21, v10;
	vm0 =	vmand vm9, vm10;
	v27 =	vshll.u32 v27, $0x1  }
0xdb: {  	v23 =	vsel vm11, v29, v23;
	[tilespmem:$0x3B0] =	vst v22;
	v22 =	vor.u32 s7, v2;
	v27 =	vor.u32 v28, v27  }
0xdc: {  	[tilespmem:$0x4A0] =	vst v21;
	v21 =	vadd.s32 $0x2710, v24;
	v25 =	vsel vm0, v27, v13;
	vm12 =	vlt.s32 v26, v24  }
0xdd: {  	vm13 =	vge.s32 v26, v0;
	vm14 =	vlt.s32 v26, v1;
	vm15 =	vne.s32 v26, v24  }
0xde: {  	s20 =	sshll.u32 s11, $0x1;
	[tilespmem:$0x430] =	vst v23;
	v23 =	vsub.s32 v26, v0;
	vm1 =	vmand vm13, vm14;
	v21 =	vsel vm12, v21, v24  }
0xdf: {  	p1 =	seq.s32 s11, $0x7C;
	[tilespmem:$0x4B0] =	vst v25;
	v24 =	vadd.s32 s7, v4;
	v23 =	vshll.u32 v23, $0x1;
	v25 =	vsel vm12, $0x1, v20;
	s7 =	sadd.s32 $0x2, s20  }
0xe0: {  	vm1 =	vmand vm1, vm15;
	[tilespmem:$0x3C0] =	vst v21;
	v21 =	vsel vm12, v24, v22;
	v22 =	vor.u32 v25, v23;
	s9 =	smul.u32 @!p1 $0x50, s7  }
0xe1: {  	[tilespmem:$0x440] =	vst v21;
	v21 =	vsel vm1, v22, v16  }
0xe2: {  	[tilespmem:$0x4C0] =	vst v21;
	s9 =	sadd.s32 @!p1 s10, s9  }
0xe3: {  	[tilespmem:s28], [sflag:$0x2] =	stream.indirect.gather [hbm4b:s1+s18], $0x80, s26, s18, $0xb8;
	[tilespmem:$0x1F500] =	vst v63  }
0xe4: {  	s9 =	sshrl.u32 @!p1 s9, $0x3  }
0xe5: {  	[tilespmem:s30], [sflag:$0x2] =	stream.indirect.gather [hbm4b:s6+s18], $0x80, s29, s18, $0xb8;
	[tilespmem:$0x1F500] =	vst v63  }
0xe6: {  	s19 =	simm.s32 @!p1 $0x0;
	s9 =	sadd.s32 @!p1 s2, s9  }
0xe7: {  	[tilespmem:s19], [sflag:$0x3] =	stream.linear.gather @!p1 [hbm4b:s9+s19], $0x50, $0x38;
	[tilespmem:$0x1F500] =	vst v63  }
0xe8: {  	s20 =	simm.s32 @!p1 $0x80;
	s9 =	sadd.s32 @!p1 $0x9C40, s9  }
0xe9: {  	[tilespmem:s20], [sflag:$0x3] =	stream.linear.gather @!p1 [hbm4b:s9+s19], $0x50, $0x38;
	[tilespmem:$0x1F500] =	vst v63  }
0xea: {  	_ =	swait.ge [sflag:s31], $0x2800  }
0xeb: {  	[sflag:s31] =	ssyncset.done $0x0  }
0xec: {  	[sflag:s31] =	ssyncadd.s32 $0xFFFFD800  }
0xed: {  	_ =	swait.ge [sflag:s31], $0x2800  }
0xee: {  	[sflag:s31] =	ssyncset.done $0x0  }
0xef: {  	s9 =	simm.s32 $0x0;
	[sflag:s31] =	ssyncadd.s32 $0xFFFFD800  }
0xf0: {  	v27 =	vld [tilespmem:s9+$0x500]  }
0xf1: {  	v63 =	vld [tilespmem:s9+$0x510]  }
0xf2: {  	v26 =	vld [tilespmem:s9+$0x520]  }
0xf3: {  	v25 =	vld [tilespmem:s9+$0x530]  }
0xf4: {  	v24 =	vld [tilespmem:s9+$0x540]  }
0xf5: {  	v23 =	vld [tilespmem:s9+$0x550]  }
0xf6: {  	v22 =	vld [tilespmem:s9+$0x560]  }
0xf7: {  	v21 =	vld [tilespmem:s9+$0x570]  }
0xf8: {  	v33 =	vld [tilespmem:s9+$0x2D00]  }
0xf9: {  	v34 =	vld [tilespmem:s9+$0x2D10]  }
0xfa: {  	v31 =	vld [tilespmem:s9+$0x2D20]  }
0xfb: {  	v30 =	vld [tilespmem:s9+$0x2D30]  }
0xfc: {  	v29 =	vld [tilespmem:s9+$0x2D40]  }
0xfd: {  	v28 =	vld [tilespmem:s9+$0x2D50];
	v33 =	vadd.f32 v27, v33  }
0xfe: {  	s19 =	simm.s32 $0x200;
	v32 =	vadd.f32 v63, v34;
	v27 =	vld [tilespmem:s9+$0x2D60]  }
.LBB2_5:
0xff: {  	s20 =	sshra.s32 s19, $0x2;
	p2 =	sne.s32 s19, $0x9E00;
	v33 =	vmax.f32 v33, $0.0e+00;
	v26 =	vadd.f32 v26, v31;
	v31 =	vld [tilespmem:s9+$0x2D70]  }
0x100: {  	v34 =	vld [tilespmem:s20+$0x500];
	[tilespmem:s9+$0x2D00] =	vst v33;
	v32 =	vmax.f32 v32, $0.0e+00;
	v25 =	vadd.f32 v25, v30  }
0x101: {  	v35 =	vld [tilespmem:s20+$0x510];
	[tilespmem:s9+$0x2D10] =	vst v32;
	v30 =	vmax.f32 v26, $0.0e+00;
	v24 =	vadd.f32 v24, v29  }
0x102: {  	v26 =	vld [tilespmem:s20+$0x520];
	[tilespmem:s9+$0x2D20] =	vst v30;
	v29 =	vmax.f32 v25, $0.0e+00;
	v23 =	vadd.f32 v23, v28  }
0x103: {  	v25 =	vld [tilespmem:s20+$0x530];
	[tilespmem:s9+$0x2D30] =	vst v29;
	v28 =	vmax.f32 v24, $0.0e+00;
	v22 =	vadd.f32 v22, v27  }
0x104: {  	v24 =	vld [tilespmem:s20+$0x540];
	[tilespmem:s9+$0x2D40] =	vst v28;
	v27 =	vmax.f32 v23, $0.0e+00;
	v21 =	vadd.f32 v21, v31  }
0x105: {  	v23 =	vld [tilespmem:s20+$0x550];
	[tilespmem:s9+$0x2D50] =	vst v27;
	v27 =	vmax.f32 v22, $0.0e+00  }
0x106: {  	v22 =	vld [tilespmem:s20+$0x560];
	[tilespmem:s9+$0x2D60] =	vst v27;
	v27 =	vmax.f32 v21, $0.0e+00  }
0x107: {  	v21 =	vld [tilespmem:s20+$0x570];
	[tilespmem:s9+$0x2D70] =	vst v27;
	s9 =	smov.u32 s20  }
0x108: {  	v27 =	vld [tilespmem:s9+$0x2D00]  }
0x109: {  	v32 =	vld [tilespmem:s9+$0x2D10]  }
.Ltmp1:
0x10a: {  	v31 =	vld [tilespmem:s9+$0x2D20];
	(pc) =	sbr.rel @p2 .LBB2_5-.Ltmp1, $4  }
0x10b: {  	v30 =	vld [tilespmem:s9+$0x2D30]  }
0x10c: {  	v29 =	vld [tilespmem:s9+$0x2D40]  }
0x10d: {  	v33 =	vadd.f32 v34, v27;
	v28 =	vld [tilespmem:s9+$0x2D50]  }
0x10e: {  	s19 =	sadd.s32 $0x200, s19;
	v32 =	vadd.f32 v35, v32;
	v27 =	vld [tilespmem:s9+$0x2D60]  }
0x10f: {  	v33 =	vmax.f32 v33, $0.0e+00;
	v26 =	vadd.f32 v26, v31;
	v63 =	vld [tilespmem:s9+$0x2D70]  }
0x110: {  	[tilespmem:s9+$0x2D00] =	vst v33;
	v32 =	vmax.f32 v32, $0.0e+00;
	v25 =	vadd.f32 v25, v30  }
0x111: {  	[tilespmem:s9+$0x2D10] =	vst v32;
	v26 =	vmax.f32 v26, $0.0e+00;
	v24 =	vadd.f32 v24, v29  }
0x112: {  	[tilespmem:s9+$0x2D20] =	vst v26;
	v25 =	vmax.f32 v25, $0.0e+00;
	v23 =	vadd.f32 v23, v28  }
0x113: {  	[tilespmem:s9+$0x2D30] =	vst v25;
	v24 =	vmax.f32 v24, $0.0e+00;
	v22 =	vadd.f32 v22, v27  }
0x114: {  	[tilespmem:s9+$0x2D40] =	vst v24;
	v23 =	vmax.f32 v23, $0.0e+00;
	v21 =	vadd.f32 v21, v63  }
0x115: {  	[tilespmem:s9+$0x2D50] =	vst v23;
	v22 =	vmax.f32 v22, $0.0e+00  }
0x116: {  	[tilespmem:s9+$0x2D60] =	vst v22;
	v21 =	vmax.f32 v21, $0.0e+00  }
.Ltmp2:
0x117: {  	[tilespmem:s9+$0x2D70] =	vst v21;
	(pc) =	sbr.rel @p1 .LBB2_8-.Ltmp2, $4  }
0x118: {  	[spmem:s3] =	stream.indirect.scatter.add.f32 [tilespmem:s22], [sflag:$0x5], $0x80, s0, s18, $0xb8;
	[tilespmem:$0x1F500] =	vst v63  }
0x119: {  	_ =	swait.ge [sflag:s16], $0x2800  }
0x11a: {  	[sflag:s16] =	ssyncset.done $0x0  }
0x11b: {  	[sflag:s16] =	ssyncadd.s32 $0xFFFFD800  }
0x11c: {  	_ =	swait.ge [sflag:s17], $0x50  }
0x11d: {  	[sflag:s17] =	ssyncset.done $0x0  }
0x11e: {  	[sflag:s17] =	ssyncadd.s32 $0xFFFFFFB0  }
0x11f: {  	_ =	swait.ge [sflag:s17], $0x50  }
0x120: {  	[sflag:s17] =	ssyncset.done $0x0  }
0x121: {  	[sflag:s17] =	ssyncadd.s32 $0xFFFFFFB0  }
0x122: {  	s7 =	smul.u32 $0x50, s7;
	v21 =	vld [tilespmem:$0x0]  }
0x123: {  	v22 =	vld [tilespmem:$0x80]  }
0x124: {  	s7 =	sadd.s32 s10, s7;
	v23 =	vld [tilespmem:$0x10]  }
0x125: {  	v25 =	vor.u32 s7, v2;
	s9 =	sor.u32 $0x10, s7;
	v24 =	vld [tilespmem:$0x90]  }
0x126: {  	v27 =	vadd.s32 s7, v4;
	s19 =	sadd.s32 $0x20, s7;
	s20 =	sadd.s32 $0x30, s7;
	v28 =	vor.u32 s9, v2;
	v30 =	vadd.s32 s9, v4;
	v48 =	vld [tilespmem:$0x20]  }
0x127: {  	s7 =	sadd.s32 $0x40, s7;
	v52 =	vor.u32 s19, v2;
	v53 =	vadd.s32 s19, v4;
	v61 =	vadd.s32 s20, v4;
	v49 =	vld [tilespmem:$0xA0]  }
0x128: {  	v62 =	vadd.s32 s7, v4;
	v50 =	vld [tilespmem:$0x30];
	vm0 =	vge.s32 v21, v0;
	vm1 =	vlt.s32 v21, v1  }
0x129: {  	v51 =	vld [tilespmem:$0xB0];
	vm12 =	vne.s32 v21, v22;
	vm2 =	vlt.s32 v21, v22;
	v26 =	vadd.s32 $0x2710, v22  }
0x12a: {  	v21 =	vsub.s32 v21, v0;
	vm13 =	vge.s32 v23, v0;
	vm14 =	vlt.s32 v23, v1  }
0x12b: {  	vm15 =	vne.s32 v23, v24;
	vm4 =	vlt.s32 v23, v24;
	v29 =	vadd.s32 $0x2710, v24  }
0x12c: {  	v23 =	vsub.s32 v23, v0;
	vm5 =	vge.s32 v48, v0;
	vm6 =	vlt.s32 v48, v1  }
0x12d: {  	vm7 =	vlt.s32 v48, v49;
	vm8 =	vne.s32 v48, v49;
	v32 =	vadd.s32 $0x2710, v49  }
0x12e: {  	vm9 =	vge.s32 v50, v0;
	vm3 =	vlt.s32 v50, v1;
	vm10 =	vne.s32 v50, v51  }
0x12f: {  	v55 =	vld [tilespmem:$0x40];
	vm11 =	vlt.s32 v50, v51;
	v57 =	vadd.s32 $0x2710, v51;
	v58 =	vsub.s32 v50, v0  }
0x130: {  	vm0 =	vmand vm0, vm1;
	v22 =	vsel vm2, v26, v22;
	v25 =	vsel vm2, v27, v25  }
0x131: {  	v21 =	vshll.u32 v21, $0x1;
	v47 =	vsel vm2, $0x1, v20;
	vm1 =	vmand vm13, vm14  }
0x132: {  	v56 =	vld [tilespmem:$0xC0];
	v23 =	vshll.u32 v23, $0x1;
	v31 =	vsel vm4, $0x1, v20;
	v24 =	vsel vm4, v29, v24  }
0x133: {  	v28 =	vsel vm4, v30, v28;
	v26 =	vsub.s32 v48, v0;
	v27 =	vsel vm7, v53, v52;
	[tilespmem:$0x200] =	vst v22  }
0x134: {  	v59 =	vshll.u32 v58, $0x1;
	v60 =	vsel vm11, $0x1, v20;
	vm13 =	vge.s32 v55, v0;
	[tilespmem:$0x280] =	vst v25  }
0x135: {  	vm14 =	vlt.s32 v55, v1;
	vm0 =	vmand vm0, vm12;
	v21 =	vor.u32 v47, v21;
	[tilespmem:$0x210] =	vst v24  }
0x136: {  	vm1 =	vmand vm1, vm15;
	v23 =	vor.u32 v31, v23;
	v22 =	vsel vm7, v32, v49;
	[tilespmem:$0x290] =	vst v28  }
0x137: {  	v54 =	vshll.u32 v26, $0x1;
	v25 =	vor.u32 v60, v59;
	[tilespmem:$0x2A0] =	vst v27;
	vm12 =	vlt.s32 v55, v56  }
0x138: {  	vm15 =	vne.s32 v55, v56;
	v21 =	vsel vm0, v21, v3;
	v23 =	vsel vm1, v23, v7;
	[tilespmem:$0x220] =	vst v22  }
0x139: {  	vm0 =	vmand vm5, vm6;
	vm1 =	vmand vm9, vm3;
	v22 =	vor.u32 s20, v2;
	[tilespmem:$0x300] =	vst v21  }
0x13a: {  	vm0 =	vmand vm0, vm8;
	v21 =	vsel vm7, $0x1, v20;
	[tilespmem:$0x310] =	vst v23;
	v23 =	vsel vm11, v57, v51  }
0x13b: {  	vm1 =	vmand vm1, vm10;
	v22 =	vsel vm11, v61, v22;
	v21 =	vor.u32 v21, v54;
	[tilespmem:$0x230] =	vst v23  }
0x13c: {  	v63 =	vsel vm12, $0x1, v20;
	v25 =	vsel vm1, v25, v13;
	[tilespmem:$0x2B0] =	vst v22;
	v21 =	vsel vm0, v21, v10  }
0x13d: {  	vm1 =	vmand vm13, vm14;
	v23 =	vsub.s32 v55, v0;
	[tilespmem:$0x320] =	vst v21;
	v21 =	vadd.s32 $0x2710, v56  }
0x13e: {  	v22 =	vor.u32 s7, v2;
	[tilespmem:$0x330] =	vst v25;
	v23 =	vshll.u32 v23, $0x1;
	v21 =	vsel vm12, v21, v56  }
0x13f: {  	vm1 =	vmand vm1, vm15;
	[tilespmem:$0x240] =	vst v21;
	v21 =	vsel vm12, v62, v22;
	v22 =	vor.u32 v63, v23  }
0x140: {  	[tilespmem:$0x2C0] =	vst v21;
	v21 =	vsel vm1, v22, v16  }
0x141: {  	s9 =	simm.s32 $0x200;
	s19 =	simm.s32 $0x500;
	s20 =	sadd.s32 s14, s12;
	[tilespmem:$0x340] =	vst v21  }
0x142: {  	[tilespmem:s19], [sflag:$0x1] =	stream.indirect.gather [hbm4b:s1+s18], $0x80, s9, s18, $0xb8;
	[tilespmem:$0x1F500] =	vst v63  }
0x143: {  	s7 =	sshrl.u32 s20, $0x3  }
0x144: {  	[tilespmem:s22], [sflag:$0x1] =	stream.indirect.gather [hbm4b:s6+s18], $0x80, s21, s18, $0xb8;
	[tilespmem:$0x1F500] =	vst v63  }
0x145: {  	s7 =	sadd.s32 s2, s7  }
0x146: {  	[tilespmem:s23], [sflag:$0x4] =	stream.linear.gather [hbm4b:s7+s5], $0x50, $0x38;
	[tilespmem:$0x1F500] =	vst v63  }
0x147: {  	s7 =	sadd.s32 $0x9C40, s7  }
0x148: {  	[tilespmem:s24], [sflag:$0x4] =	stream.linear.gather [hbm4b:s7+s5], $0x50, $0x38;
	[tilespmem:$0x1F500] =	vst v63  }
.LBB2_8:
0x149: {  	_ =	swait.ge [sflag:s4], $0x2800  }
0x14a: {  	[sflag:s4] =	ssyncset.done $0x0  }
0x14b: {  	[sflag:s4] =	ssyncadd.s32 $0xFFFFD800  }
0x14c: {  	_ =	swait.ge [sflag:s4], $0x2800  }
0x14d: {  	[sflag:s4] =	ssyncset.done $0x0  }
0x14e: {  	s7 =	simm.s32 $0x0;
	[sflag:s4] =	ssyncadd.s32 $0xFFFFD800  }
0x14f: {  	v27 =	vld [tilespmem:s7+$0x5500]  }
0x150: {  	v32 =	vld [tilespmem:s7+$0x5510]  }
0x151: {  	v26 =	vld [tilespmem:s7+$0x5520]  }
0x152: {  	v25 =	vld [tilespmem:s7+$0x5530]  }
0x153: {  	v24 =	vld [tilespmem:s7+$0x5540]  }
0x154: {  	v23 =	vld [tilespmem:s7+$0x5550]  }
0x155: {  	v22 =	vld [tilespmem:s7+$0x5560]  }
0x156: {  	v21 =	vld [tilespmem:s7+$0x5570]  }
0x157: {  	v33 =	vld [tilespmem:s7+$0x7D00]  }
0x158: {  	v34 =	vld [tilespmem:s7+$0x7D10]  }
0x159: {  	v31 =	vld [tilespmem:s7+$0x7D20]  }
0x15a: {  	v30 =	vld [tilespmem:s7+$0x7D30]  }
0x15b: {  	v29 =	vld [tilespmem:s7+$0x7D40]  }
0x15c: {  	v28 =	vld [tilespmem:s7+$0x7D50];
	v33 =	vadd.f32 v27, v33  }
0x15d: {  	s9 =	simm.s32 $0x200;
	v32 =	vadd.f32 v32, v34;
	v27 =	vld [tilespmem:s7+$0x7D60]  }
.LBB2_9:
0x15e: {  	s14 =	sshra.s32 s9, $0x2;
	p1 =	sne.s32 s9, $0x9E00;
	v33 =	vmax.f32 v33, $0.0e+00;
	v26 =	vadd.f32 v26, v31;
	v31 =	vld [tilespmem:s7+$0x7D70]  }
0x15f: {  	v34 =	vld [tilespmem:s14+$0x5500];
	[tilespmem:s7+$0x7D00] =	vst v33;
	v32 =	vmax.f32 v32, $0.0e+00;
	v25 =	vadd.f32 v25, v30  }
0x160: {  	v35 =	vld [tilespmem:s14+$0x5510];
	[tilespmem:s7+$0x7D10] =	vst v32;
	v30 =	vmax.f32 v26, $0.0e+00;
	v24 =	vadd.f32 v24, v29  }
0x161: {  	v26 =	vld [tilespmem:s14+$0x5520];
	[tilespmem:s7+$0x7D20] =	vst v30;
	v29 =	vmax.f32 v25, $0.0e+00;
	v23 =	vadd.f32 v23, v28  }
0x162: {  	v25 =	vld [tilespmem:s14+$0x5530];
	[tilespmem:s7+$0x7D30] =	vst v29;
	v28 =	vmax.f32 v24, $0.0e+00;
	v22 =	vadd.f32 v22, v27  }
0x163: {  	v24 =	vld [tilespmem:s14+$0x5540];
	[tilespmem:s7+$0x7D40] =	vst v28;
	v27 =	vmax.f32 v23, $0.0e+00;
	v21 =	vadd.f32 v21, v31  }
0x164: {  	v23 =	vld [tilespmem:s14+$0x5550];
	[tilespmem:s7+$0x7D50] =	vst v27;
	v27 =	vmax.f32 v22, $0.0e+00  }
0x165: {  	v22 =	vld [tilespmem:s14+$0x5560];
	[tilespmem:s7+$0x7D60] =	vst v27;
	v27 =	vmax.f32 v21, $0.0e+00  }
0x166: {  	v21 =	vld [tilespmem:s14+$0x5570];
	[tilespmem:s7+$0x7D70] =	vst v27;
	s7 =	smov.u32 s14  }
0x167: {  	v27 =	vld [tilespmem:s7+$0x7D00]  }
0x168: {  	v32 =	vld [tilespmem:s7+$0x7D10]  }
.Ltmp3:
0x169: {  	v31 =	vld [tilespmem:s7+$0x7D20];
	(pc) =	sbr.rel @p1 .LBB2_9-.Ltmp3, $4  }
0x16a: {  	v30 =	vld [tilespmem:s7+$0x7D30]  }
0x16b: {  	v29 =	vld [tilespmem:s7+$0x7D40]  }
0x16c: {  	v33 =	vadd.f32 v34, v27;
	v28 =	vld [tilespmem:s7+$0x7D50]  }
0x16d: {  	s9 =	sadd.s32 $0x200, s9;
	v32 =	vadd.f32 v35, v32;
	v27 =	vld [tilespmem:s7+$0x7D60]  }
0x16e: {  	v33 =	vmax.f32 v33, $0.0e+00;
	v26 =	vadd.f32 v26, v31;
	v63 =	vld [tilespmem:s7+$0x7D70]  }
0x16f: {  	[tilespmem:s7+$0x7D00] =	vst v33;
	v32 =	vmax.f32 v32, $0.0e+00;
	v25 =	vadd.f32 v25, v30  }
0x170: {  	[tilespmem:s7+$0x7D10] =	vst v32;
	v26 =	vmax.f32 v26, $0.0e+00;
	v24 =	vadd.f32 v24, v29  }
0x171: {  	[tilespmem:s7+$0x7D20] =	vst v26;
	v25 =	vmax.f32 v25, $0.0e+00;
	v23 =	vadd.f32 v23, v28  }
0x172: {  	[tilespmem:s7+$0x7D30] =	vst v25;
	v24 =	vmax.f32 v24, $0.0e+00;
	v22 =	vadd.f32 v22, v27  }
0x173: {  	[tilespmem:s7+$0x7D40] =	vst v24;
	v23 =	vmax.f32 v23, $0.0e+00;
	v21 =	vadd.f32 v21, v63  }
0x174: {  	s11 =	sadd.s32 $0x1, s11;
	[tilespmem:s7+$0x7D50] =	vst v23;
	v22 =	vmax.f32 v22, $0.0e+00  }
0x175: {  	p1 =	sne.s32 s11, $0x7D;
	[tilespmem:s7+$0x7D60] =	vst v22;
	v21 =	vmax.f32 v21, $0.0e+00  }
.Ltmp4:
0x176: {  	[tilespmem:s7+$0x7D70] =	vst v21;
	(pc) =	sbr.rel @p1 .LBB2_4-.Ltmp4, $4  }
0x177: {  	[spmem:s3] =	stream.indirect.scatter.add.f32 [tilespmem:s30], [sflag:$0x5], $0x80, s8, s18, $0xb8;
	[tilespmem:$0x1F500] =	vst v63  }
0x178: {  	_ =	swait.ge [sflag:s16], $0x2800  }
0x179: {  	[sflag:s16] =	ssyncset.done $0x0  }
0x17a: {  	[sflag:s16] =	ssyncadd.s32 $0xFFFFD800  }
0x17b: {  	[bflag:$0x0] =	sbarrier.arrive $0xFFFF  }
0x17c: {  	s11 =	rddreg [dreg:$0x5]  }
0x17d: {  	s9 =	simm.s32 @p0 $0x1FC5;
	s14 =	rddreg [dreg:$0xe];
	s7 =	sshrl.u32 @p0 s11, $0x3  }
0x17e: {  	[hbm:s14], [sflag:s9] =	dma.local @p0 [spmem:s7], $0x1900  }
0x17f: {  	s7 =	simm.s32 @p0 $0x5  }
0x180: {  	_ =	swait.ge @p0 [sflag:s7], $0x1900  }
0x181: {  	s9 =	stileid.u32;
	[sflag:s7] =	ssyncset.done @p0 $0x0  }
0x182: {  	s9 =	sshll.u32 @!p0 s9, $0x6;
	[sflag:s7] =	ssyncadd.s32 @p0 $0xFFFFE700  }
0x183: {  	s7 =	sor.u32 @!p0 $0x1C05, s9;
	s9 =	sshrl.u32 @!p0 s11, $0x3;
	s11 =	rddreg [dreg:$0xc]  }
0x184: {  	[hbm:s11], [sflag:s7] =	dma.local @!p0 [spmem:s9], $0x2800  }
0x185: {  	s7 =	simm.s32 @!p0 $0x5  }
0x186: {  	_ =	swait.ge @!p0 [sflag:s7], $0x2800  }
0x187: {  	s19 =	sld [smem:$0x7FD];
	_ =	sdelay $0x2  }
0x188: {  	s20 =	rddreg [dreg:$0xf];
	s11 =	sadd.s32 $0x1, s19  }
0x189: {  	p1 =	sne.s32 s11, s20  }
.Ltmp5:
0x18a: {  	_ = 	snop;
	(pc) =	sbr.rel @p1 .LBB2_1-.Ltmp5, $3  }
0x18b: {  	_ =	sdelay $0x1  }
0x18c: {  	[sflag:s7] =	ssyncset.done @!p0 $0x0  }
0x18d: {  	[sflag:s7] =	ssyncadd.s32 @!p0 $0xFFFFD800  }
0x18e: {  	_ =	sfence.sel $0x180000  }
0x18f: {  	[bflag:$0x0] =	sbarrier.arrive $0xFFFF  }
0x190: {  	_ =	strace $0x90000047  }
0x191: {  	s0 =	stileid.u32;
	[bflag:$0x2] =	sbarrier.arrive $0xFFFF  }
0x192: {  	p0 =	sne.s32 s0, $0x0;
	s0 =	rddreg [dreg:$0x4]  }
0x193: {  	s0 =	sadd.s32 @!p0 $0x100000, s0  }
0x194: {  	[sflag:s0] =	ssyncadd.tile.s32 @!p0 $0x1;
	_ =	shalt  }
.Lfunc_end2:
_tile_overlayer_lowered:
.L_overlay_start_2:
0x195: {  	(tag) =	ssettag $0x2  }
0x196: {  	s0 =	rddreg [dreg:$0x0];
	s2 =	stileid.u32  }
0x197: {  	s1 =	rddreg [dreg:$0x1];
	p0 =	sne.s32 s2, $0x0  }
0x198: {  	s3 =	rddreg [dreg:$0x2];
	[bflag:$0x3] =	sbarrier.arrive $0xFFFF;
	s2 =	simm.s32 @!p0 $0x1C05  }
0x199: {  	[timem:s3], [sflag:s2] =	dma.local @!p0 [hbm:s0], s1  }
0x19a: {  	s0 =	simm.s32 @!p0 $0x5  }
0x19b: {  	_ =	swait.ge @!p0 [sflag:s0], s1  }
0x19c: {  	s1 =	ssub.s32 @!p0 $0x0, s1;
	[sflag:s0] =	ssyncset.done @!p0 $0x0  }
0x19d: {  	[sflag:s0] =	ssyncadd.s32 @!p0 s1  }
0x19e: {  	[bflag:$0x3] =	sbarrier.arrive $0xFFFF  }
0x19f: {  	_ =	shalt  }

</sc_bundles>
